<compile_context>
chip_gen: v7x
topology: tpu7x:2x2x1
jax: 0.10.2.dev20260603
libtpu: 0.0.44.dev20260713+nightly
codegen_flags: <defaults>
</compile_context>

<pallas_src>
import functools

import numpy as np

import jax
import jax.numpy as jnp
from jax import lax
from jax.experimental import pallas as pl
from jax.experimental.pallas import tpu as pltpu
from jax.experimental.pallas import tpu_sc as plsc

N_NODES = 10000
D_FEAT = 128
N_EDGES = 320000

NC = 2
NS = 16
NW = NC * NS
CH = 128
CPW = 80
HCH = 40
CPW0 = 80
CPW1 = 80
E_PAD = NW * CH * CPW
RPT = 632
AR = NS * RPT


def _sc_scatter(x, src2d, dst2d):
    mesh = plsc.VectorSubcoreMesh(core_axis_name="c", subcore_axis_name="s")

    @functools.partial(
        pl.kernel,
        out_type=[
            jax.ShapeDtypeStruct((NC * AR, D_FEAT), jnp.float32),
            jax.ShapeDtypeStruct((NC * AR,), jnp.float32),
        ],
        mesh=mesh,
        scratch_types=[
            pltpu.VMEM((HCH, CH), jnp.int32),
            pltpu.VMEM((HCH, CH), jnp.int32),
            pltpu.VMEM((CH, D_FEAT), jnp.float32),
            pltpu.VMEM((CH, D_FEAT), jnp.float32),
            pltpu.VMEM((CH,), jnp.float32),
            pltpu.VMEM((RPT,), jnp.float32),
            pltpu.VMEM_SHARED((AR, D_FEAT), jnp.float32),
            pltpu.VMEM_SHARED((AR,), jnp.float32),
            pltpu.SemaphoreType.DMA,
            pltpu.SemaphoreType.DMA,
            pltpu.SemaphoreType.DMA,
            pltpu.SemaphoreType.DMA,
            pltpu.SemaphoreType.DMA,
            pltpu.SemaphoreType.DMA,
        ],
    )
    def k(x_hbm, src_hbm, dst_hbm, psum_hbm, pdeg_hbm,
          src_v, dst_v, buf_a, buf_b, ones_v, zdeg_v, acc, dacc,
          sem_ga, sem_gb, sem_sa, sem_sb, sem_da, sem_db):
        c = lax.axis_index("c")
        s = lax.axis_index("s")

        zv = jnp.zeros((16,), jnp.float32)
        ov = jnp.ones((16,), jnp.float32)

        def fill_rows(r, carry):
            for t in range(D_FEAT // 16):
                buf_a[r, pl.ds(16 * t, 16)] = zv
            return carry

        lax.fori_loop(0, CH, fill_rows, 0)

        for t in range(CH // 16):
            ones_v[pl.ds(16 * t, 16)] = ov
        for t in range(RPT // 16):
            zdeg_v[pl.ds(16 * t, 16)] = zv
        zdeg_v[pl.ds(RPT - 16, 16)] = zv

        base = s * RPT
        for t in range(RPT // CH):
            pltpu.sync_copy(buf_a, acc.at[pl.ds(base + t * CH, CH)])
        rem = RPT - (RPT // CH) * CH
        pltpu.sync_copy(buf_a.at[pl.ds(0, rem)],
                        acc.at[pl.ds(base + RPT - rem, rem)])
        pltpu.sync_copy(zdeg_v, dacc.at[pl.ds(base, RPT)])

        plsc.subcore_barrier()

        def issue_g(j, buf, sem):
            return pltpu.async_copy(x_hbm.at[src_v.at[j]], buf, sem)

        def issue_s(j, buf, sem):
            return pltpu.async_copy(buf, acc.at[dst_v.at[j]], sem, add=True)

        def issue_d(j, sem):
            return pltpu.async_copy(ones_v, dacc.at[dst_v.at[j]], sem, add=True)

        def wait_g(buf, sem):
            pltpu.make_async_copy(x_hbm.at[src_v.at[0]], buf, sem).wait()

        def wait_s(buf, sem):
            pltpu.make_async_copy(buf, acc.at[dst_v.at[0]], sem).wait()

        def wait_d(sem):
            pltpu.make_async_copy(ones_v, dacc.at[dst_v.at[0]], sem).wait()

        def run_block(off):
            pltpu.sync_copy(src_hbm.at[pl.ds(off, HCH)], src_v)
            pltpu.sync_copy(dst_hbm.at[pl.ds(off, HCH)], dst_v)

            issue_g(0, buf_a, sem_ga)
            wait_g(buf_a, sem_ga)
            issue_g(1, buf_b, sem_gb)
            issue_s(0, buf_a, sem_sa)
            issue_d(0, sem_da)
            wait_g(buf_b, sem_gb)
            wait_s(buf_a, sem_sa)
            wait_d(sem_da)
            issue_g(2, buf_a, sem_ga)
            issue_s(1, buf_b, sem_sb)
            issue_d(1, sem_db)

            def pair(i, carry):
                j0 = 2 * i
                j1 = 2 * i + 1
                wait_g(buf_a, sem_ga)
                wait_s(buf_b, sem_sb)
                wait_d(sem_db)
                issue_g(j1, buf_b, sem_gb)
                issue_s(j0, buf_a, sem_sa)
                issue_d(j0, sem_da)
                wait_g(buf_b, sem_gb)
                wait_s(buf_a, sem_sa)
                wait_d(sem_da)
                jn = jnp.where(j1 + 1 < HCH, j1 + 1, 0)
                issue_g(jn, buf_a, sem_ga)
                issue_s(j1, buf_b, sem_sb)
                issue_d(j1, sem_db)
                return carry

            lax.fori_loop(1, HCH // 2, pair, 0)

            wait_g(buf_a, sem_ga)
            wait_s(buf_b, sem_sb)
            wait_d(sem_db)

        @pl.when(c == 0)
        def _core0():
            for h in range(CPW0 // HCH):
                run_block(s * CPW0 + h * HCH)

        @pl.when(c == 1)
        def _core1():
            for h in range(CPW1 // HCH):
                run_block(NS * CPW0 + s * CPW1 + h * HCH)

        plsc.subcore_barrier()

        off = c * AR + base
        pltpu.sync_copy(acc.at[pl.ds(base, RPT)], psum_hbm.at[pl.ds(off, RPT)])
        pltpu.sync_copy(dacc.at[pl.ds(base, RPT)], zdeg_v)
        pltpu.sync_copy(zdeg_v, pdeg_hbm.at[pl.ds(off, RPT)])

    return k(x, src2d, dst2d)


def _tc_combine(psum, pdeg):
    def body(p_ref, d_ref, o_ref):
        s0 = p_ref[0:N_NODES, :]
        s1 = p_ref[AR:AR + N_NODES, :]
        deg = jnp.maximum(d_ref[0:N_NODES] + d_ref[AR:AR + N_NODES], 1.0)
        o_ref[...] = (s0 + s1) / deg.reshape(N_NODES, 1)

    return pl.pallas_call(
        body,
        out_shape=jax.ShapeDtypeStruct((N_NODES, D_FEAT), jnp.float32),
    )(psum, pdeg)


def kernel(x, edge_index):
    src = edge_index[0].astype(jnp.int32)
    dst = edge_index[1].astype(jnp.int32)
    pad = E_PAD - N_EDGES
    pad_iota = np.arange(pad, dtype=np.int32)
    src = jnp.concatenate([src, jnp.asarray(pad_iota % N_NODES)])
    dst = jnp.concatenate([dst, jnp.asarray(N_NODES + pad_iota % (AR - N_NODES))])
    src2d = src.reshape(NW * CPW, CH)
    dst2d = dst.reshape(NW * CPW, CH)
    psum, pdeg = _sc_scatter(x, src2d, dst2d)
    return _tc_combine(psum, pdeg)

# --- scband reference (transcript-rebuilt; emitter-appended) ---
"""Pipeline reference for scband-review-representation-conv-11433202942498 (READ-ONLY COPY).

The authoritative reference and input builder live on the scoring server;
editing this copy changes nothing except your own understanding.
"""

import jax, jax.numpy as jnp
import numpy as np

N_NODES = 10000
N_EDGES = 320000
D_FEAT = 128


def setup_inputs(seed: int = 0) -> dict:
    key = jax.random.key(seed)
    k1, k2 = jax.random.split(key)
    x = jax.random.normal(k1, (N_NODES, D_FEAT), dtype=jnp.float32)
    edge_index = jax.random.randint(k2, (2, N_EDGES), 0, N_NODES, dtype=jnp.int64)
    return {"x": x, "edge_index": edge_index}


def reference(x, edge_index):
    # DGL: copy_u('h','m') then mean('m','h') per etype, multi_update_all with 'sum'
    # cross-etype reducer. Single (homogeneous) etype here, so: mean of source
    # features over incoming edges for each destination node; nodes with no
    # in-edges get zeros (DGL mean reduce yields 0 for empty mailboxes).
    src = edge_index[0]
    dst = edge_index[1]
    msgs = jnp.take(x, src, axis=0)                                   # copy_u gather
    summed = jax.ops.segment_sum(msgs, dst, num_segments=N_NODES)     # scatter-add
    deg = jax.ops.segment_sum(jnp.ones((msgs.shape[0],), dtype=x.dtype), dst,
                              num_segments=N_NODES)
    mean = summed / jnp.maximum(deg, 1.0)[:, None]                    # mean reduce; 0 for isolated dst
    return mean

if __name__ == "__main__":
    import jax
    _d = setup_inputs()
    print(jax.jit(kernel)(*tuple(_d.values())))

</pallas_src>

<mosaic_0001>
#map = affine_map<(d0, d1) -> (0, 0)>
#map1 = affine_map<(d0, d1) -> (0)>
module attributes {stable_mosaic.version = 14 : i64} {
  func.func @k(%arg0: i32, %arg1: i32, %arg2: memref<10000x128xf32, #tpu.memory_space<hbm>>, %arg3: memref<2560x128xi32, #tpu.memory_space<hbm>>, %arg4: memref<2560x128xi32, #tpu.memory_space<hbm>>, %arg5: memref<20224x128xf32, #tpu.memory_space<hbm>>, %arg6: memref<20224xf32, #tpu.memory_space<hbm>>, %arg7: memref<40x128xi32, #tpu.memory_space<vmem>>, %arg8: memref<40x128xi32, #tpu.memory_space<vmem>>, %arg9: memref<128x128xf32, #tpu.memory_space<vmem>>, %arg10: memref<128x128xf32, #tpu.memory_space<vmem>>, %arg11: memref<128xf32, #tpu.memory_space<vmem>>, %arg12: memref<632xf32, #tpu.memory_space<vmem>>, %arg13: memref<10112x128xf32, #tpu.memory_space<vmem_shared>>, %arg14: memref<10112xf32, #tpu.memory_space<vmem_shared>>, %arg15: memref<!tpu.dma_semaphore, #tpu.memory_space<semaphore_mem>>, %arg16: memref<!tpu.dma_semaphore, #tpu.memory_space<semaphore_mem>>, %arg17: memref<!tpu.dma_semaphore, #tpu.memory_space<semaphore_mem>>, %arg18: memref<!tpu.dma_semaphore, #tpu.memory_space<semaphore_mem>>, %arg19: memref<!tpu.dma_semaphore, #tpu.memory_space<semaphore_mem>>, %arg20: memref<!tpu.dma_semaphore, #tpu.memory_space<semaphore_mem>>) attributes {dimension_semantics = [#tpu.dimension_semantics<core_parallel>, #tpu.dimension_semantics<subcore_parallel>], iteration_bounds = array<i64: 2, 16>, scalar_prefetch = 0 : i64, scratch_operands = 14 : i64, tpu.core_type = #tpu.core_type<sc_vector_subcore>, window_params = [{transform_indices = #map}, {transform_indices = #map}, {transform_indices = #map}, {transform_indices = #map}, {transform_indices = #map1}]} {
    %broadcast_in_dim3A = arith.constant 0.000000e+00 : f32
    %broadcast_in_dim3A_0 = vector.broadcast %broadcast_in_dim3A : f32 to vector<16xf32>
    %broadcast_in_dim3A_1 = arith.constant 1.000000e+00 : f32
    %broadcast_in_dim3A_2 = vector.broadcast %broadcast_in_dim3A_1 : f32 to vector<16xf32>
    %scan3A = arith.constant 0 : i32
    %scan3A_3 = arith.constant 0 : i32
    %scan3A_4 = arith.constant 128 : i32
    %scan3A_5 = arith.addi %scan3A_3, %scan3A_4 : i32
    %scan3A_6 = arith.constant 1 : i32
    scf.for %scan3A_221 = %scan3A_3 to %scan3A_5 step %scan3A_6  : i32 {
      %swap3A_222 = arith.index_cast %scan3A_221 : i32 to index
      %swap3A_223 = arith.constant 0 : index
      %swap3A_224 = tpu.vector_load %arg9[%swap3A_222, %swap3A_223] {strides = array<i32>} : memref<128x128xf32, #tpu.memory_space<vmem>>, vector<1x16xf32>,
      %swap3A_225 = vector.shape_cast %swap3A_224 : vector<1x16xf32> to vector<16xf32>
      %swap3A_226 = vector.shape_cast %broadcast_in_dim3A_0 : vector<16xf32> to vector<1x16xf32>
      tpu.vector_store %arg9[%swap3A_222, %swap3A_223], %swap3A_226 {strides = array<i32>} : memref<128x128xf32, #tpu.memory_space<vmem>>, vector<1x16xf32>,
      %swap3A_227 = arith.index_cast %scan3A_221 : i32 to index
      %swap3A_228 = arith.constant 16 : index
      %swap3A_229 = tpu.vector_load %arg9[%swap3A_227, %swap3A_228] {strides = array<i32>} : memref<128x128xf32, #tpu.memory_space<vmem>>, vector<1x16xf32>,
      %swap3A_230 = vector.shape_cast %swap3A_229 : vector<1x16xf32> to vector<16xf32>
      %swap3A_231 = vector.shape_cast %broadcast_in_dim3A_0 : vector<16xf32> to vector<1x16xf32>
      tpu.vector_store %arg9[%swap3A_227, %swap3A_228], %swap3A_231 {strides = array<i32>} : memref<128x128xf32, #tpu.memory_space<vmem>>, vector<1x16xf32>,
      %swap3A_232 = arith.index_cast %scan3A_221 : i32 to index
      %swap3A_233 = arith.constant 32 : index
      %swap3A_234 = tpu.vector_load %arg9[%swap3A_232, %swap3A_233] {strides = array<i32>} : memref<128x128xf32, #tpu.memory_space<vmem>>, vector<1x16xf32>,
      %swap3A_235 = vector.shape_cast %swap3A_234 : vector<1x16xf32> to vector<16xf32>
      %swap3A_236 = vector.shape_cast %broadcast_in_dim3A_0 : vector<16xf32> to vector<1x16xf32>
      tpu.vector_store %arg9[%swap3A_232, %swap3A_233], %swap3A_236 {strides = array<i32>} : memref<128x128xf32, #tpu.memory_space<vmem>>, vector<1x16xf32>,
      %swap3A_237 = arith.index_cast %scan3A_221 : i32 to index
      %swap3A_238 = arith.constant 48 : index
      %swap3A_239 = tpu.vector_load %arg9[%swap3A_237, %swap3A_238] {strides = array<i32>} : memref<128x128xf32, #tpu.memory_space<vmem>>, vector<1x16xf32>,
      %swap3A_240 = vector.shape_cast %swap3A_239 : vector<1x16xf32> to vector<16xf32>
      %swap3A_241 = vector.shape_cast %broadcast_in_dim3A_0 : vector<16xf32> to vector<1x16xf32>
      tpu.vector_store %arg9[%swap3A_237, %swap3A_238], %swap3A_241 {strides = array<i32>} : memref<128x128xf32, #tpu.memory_space<vmem>>, vector<1x16xf32>,
      %swap3A_242 = arith.index_cast %scan3A_221 : i32 to index
      %swap3A_243 = arith.constant 64 : index
      %swap3A_244 = tpu.vector_load %arg9[%swap3A_242, %swap3A_243] {strides = array<i32>} : memref<128x128xf32, #tpu.memory_space<vmem>>, vector<1x16xf32>,
      %swap3A_245 = vector.shape_cast %swap3A_244 : vector<1x16xf32> to vector<16xf32>
      %swap3A_246 = vector.shape_cast %broadcast_in_dim3A_0 : vector<16xf32> to vector<1x16xf32>
      tpu.vector_store %arg9[%swap3A_242, %swap3A_243], %swap3A_246 {strides = array<i32>} : memref<128x128xf32, #tpu.memory_space<vmem>>, vector<1x16xf32>,
      %swap3A_247 = arith.index_cast %scan3A_221 : i32 to index
      %swap3A_248 = arith.constant 80 : index
      %swap3A_249 = tpu.vector_load %arg9[%swap3A_247, %swap3A_248] {strides = array<i32>} : memref<128x128xf32, #tpu.memory_space<vmem>>, vector<1x16xf32>,
      %swap3A_250 = vector.shape_cast %swap3A_249 : vector<1x16xf32> to vector<16xf32>
      %swap3A_251 = vector.shape_cast %broadcast_in_dim3A_0 : vector<16xf32> to vector<1x16xf32>
      tpu.vector_store %arg9[%swap3A_247, %swap3A_248], %swap3A_251 {strides = array<i32>} : memref<128x128xf32, #tpu.memory_space<vmem>>, vector<1x16xf32>,
      %swap3A_252 = arith.index_cast %scan3A_221 : i32 to index
      %swap3A_253 = arith.constant 96 : index
      %swap3A_254 = tpu.vector_load %arg9[%swap3A_252, %swap3A_253] {strides = array<i32>} : memref<128x128xf32, #tpu.memory_space<vmem>>, vector<1x16xf32>,
      %swap3A_255 = vector.shape_cast %swap3A_254 : vector<1x16xf32> to vector<16xf32>
      %swap3A_256 = vector.shape_cast %broadcast_in_dim3A_0 : vector<16xf32> to vector<1x16xf32>
      tpu.vector_store %arg9[%swap3A_252, %swap3A_253], %swap3A_256 {strides = array<i32>} : memref<128x128xf32, #tpu.memory_space<vmem>>, vector<1x16xf32>,
      %swap3A_257 = arith.index_cast %scan3A_221 : i32 to index
      %swap3A_258 = arith.constant 112 : index
      %swap3A_259 = tpu.vector_load %arg9[%swap3A_257, %swap3A_258] {strides = array<i32>} : memref<128x128xf32, #tpu.memory_space<vmem>>, vector<1x16xf32>,
      %swap3A_260 = vector.shape_cast %swap3A_259 : vector<1x16xf32> to vector<16xf32>
      %swap3A_261 = vector.shape_cast %broadcast_in_dim3A_0 : vector<16xf32> to vector<1x16xf32>
      tpu.vector_store %arg9[%swap3A_257, %swap3A_258], %swap3A_261 {strides = array<i32>} : memref<128x128xf32, #tpu.memory_space<vmem>>, vector<1x16xf32>,
    }
    %scan3A_7 = arith.constant 128 : i32
    %swap3A = arith.constant 0 : index
    %swap3A_8 = tpu.vector_load %arg11[%swap3A] {strides = array<i32>} : memref<128xf32, #tpu.memory_space<vmem>>, vector<16xf32>,
    %swap3A_9 = vector.shape_cast %swap3A_8 : vector<16xf32> to vector<16xf32>
    %swap3A_10 = vector.shape_cast %broadcast_in_dim3A_2 : vector<16xf32> to vector<16xf32>
    tpu.vector_store %arg11[%swap3A], %swap3A_10 {strides = array<i32>} : memref<128xf32, #tpu.memory_space<vmem>>, vector<16xf32>,
    %swap3A_11 = arith.constant 16 : index
    %swap3A_12 = tpu.vector_load %arg11[%swap3A_11] {strides = array<i32>} : memref<128xf32, #tpu.memory_space<vmem>>, vector<16xf32>,
    %swap3A_13 = vector.shape_cast %swap3A_12 : vector<16xf32> to vector<16xf32>
    %swap3A_14 = vector.shape_cast %broadcast_in_dim3A_2 : vector<16xf32> to vector<16xf32>
    tpu.vector_store %arg11[%swap3A_11], %swap3A_14 {strides = array<i32>} : memref<128xf32, #tpu.memory_space<vmem>>, vector<16xf32>,
    %swap3A_15 = arith.constant 32 : index
    %swap3A_16 = tpu.vector_load %arg11[%swap3A_15] {strides = array<i32>} : memref<128xf32, #tpu.memory_space<vmem>>, vector<16xf32>,
    %swap3A_17 = vector.shape_cast %swap3A_16 : vector<16xf32> to vector<16xf32>
    %swap3A_18 = vector.shape_cast %broadcast_in_dim3A_2 : vector<16xf32> to vector<16xf32>
    tpu.vector_store %arg11[%swap3A_15], %swap3A_18 {strides = array<i32>} : memref<128xf32, #tpu.memory_space<vmem>>, vector<16xf32>,
    %swap3A_19 = arith.constant 48 : index
    %swap3A_20 = tpu.vector_load %arg11[%swap3A_19] {strides = array<i32>} : memref<128xf32, #tpu.memory_space<vmem>>, vector<16xf32>,
    %swap3A_21 = vector.shape_cast %swap3A_20 : vector<16xf32> to vector<16xf32>
    %swap3A_22 = vector.shape_cast %broadcast_in_dim3A_2 : vector<16xf32> to vector<16xf32>
    tpu.vector_store %arg11[%swap3A_19], %swap3A_22 {strides = array<i32>} : memref<128xf32, #tpu.memory_space<vmem>>, vector<16xf32>,
    %swap3A_23 = arith.constant 64 : index
    %swap3A_24 = tpu.vector_load %arg11[%swap3A_23] {strides = array<i32>} : memref<128xf32, #tpu.memory_space<vmem>>, vector<16xf32>,
    %swap3A_25 = vector.shape_cast %swap3A_24 : vector<16xf32> to vector<16xf32>
    %swap3A_26 = vector.shape_cast %broadcast_in_dim3A_2 : vector<16xf32> to vector<16xf32>
    tpu.vector_store %arg11[%swap3A_23], %swap3A_26 {strides = array<i32>} : memref<128xf32, #tpu.memory_space<vmem>>, vector<16xf32>,
    %swap3A_27 = arith.constant 80 : index
    %swap3A_28 = tpu.vector_load %arg11[%swap3A_27] {strides = array<i32>} : memref<128xf32, #tpu.memory_space<vmem>>, vector<16xf32>,
    %swap3A_29 = vector.shape_cast %swap3A_28 : vector<16xf32> to vector<16xf32>
    %swap3A_30 = vector.shape_cast %broadcast_in_dim3A_2 : vector<16xf32> to vector<16xf32>
    tpu.vector_store %arg11[%swap3A_27], %swap3A_30 {strides = array<i32>} : memref<128xf32, #tpu.memory_space<vmem>>, vector<16xf32>,
    %swap3A_31 = arith.constant 96 : index
    %swap3A_32 = tpu.vector_load %arg11[%swap3A_31] {strides = array<i32>} : memref<128xf32, #tpu.memory_space<vmem>>, vector<16xf32>,
    %swap3A_33 = vector.shape_cast %swap3A_32 : vector<16xf32> to vector<16xf32>
    %swap3A_34 = vector.shape_cast %broadcast_in_dim3A_2 : vector<16xf32> to vector<16xf32>
    tpu.vector_store %arg11[%swap3A_31], %swap3A_34 {strides = array<i32>} : memref<128xf32, #tpu.memory_space<vmem>>, vector<16xf32>,
    %swap3A_35 = arith.constant 112 : index
    %swap3A_36 = tpu.vector_load %arg11[%swap3A_35] {strides = array<i32>} : memref<128xf32, #tpu.memory_space<vmem>>, vector<16xf32>,
    %swap3A_37 = vector.shape_cast %swap3A_36 : vector<16xf32> to vector<16xf32>
    %swap3A_38 = vector.shape_cast %broadcast_in_dim3A_2 : vector<16xf32> to vector<16xf32>
    tpu.vector_store %arg11[%swap3A_35], %swap3A_38 {strides = array<i32>} : memref<128xf32, #tpu.memory_space<vmem>>, vector<16xf32>,
    %swap3A_39 = arith.constant 0 : index
    %swap3A_40 = tpu.vector_load %arg12[%swap3A_39] {strides = array<i32>} : memref<632xf32, #tpu.memory_space<vmem>>, vector<16xf32>,
    %swap3A_41 = vector.shape_cast %swap3A_40 : vector<16xf32> to vector<16xf32>
    %swap3A_42 = vector.shape_cast %broadcast_in_dim3A_0 : vector<16xf32> to vector<16xf32>
    tpu.vector_store %arg12[%swap3A_39], %swap3A_42 {strides = array<i32>} : memref<632xf32, #tpu.memory_space<vmem>>, vector<16xf32>,
    %swap3A_43 = arith.constant 16 : index
    %swap3A_44 = tpu.vector_load %arg12[%swap3A_43] {strides = array<i32>} : memref<632xf32, #tpu.memory_space<vmem>>, vector<16xf32>,
    %swap3A_45 = vector.shape_cast %swap3A_44 : vector<16xf32> to vector<16xf32>
    %swap3A_46 = vector.shape_cast %broadcast_in_dim3A_0 : vector<16xf32> to vector<16xf32>
    tpu.vector_store %arg12[%swap3A_43], %swap3A_46 {strides = array<i32>} : memref<632xf32, #tpu.memory_space<vmem>>, vector<16xf32>,
    %swap3A_47 = arith.constant 32 : index
    %swap3A_48 = tpu.vector_load %arg12[%swap3A_47] {strides = array<i32>} : memref<632xf32, #tpu.memory_space<vmem>>, vector<16xf32>,
    %swap3A_49 = vector.shape_cast %swap3A_48 : vector<16xf32> to vector<16xf32>
    %swap3A_50 = vector.shape_cast %broadcast_in_dim3A_0 : vector<16xf32> to vector<16xf32>
    tpu.vector_store %arg12[%swap3A_47], %swap3A_50 {strides = array<i32>} : memref<632xf32, #tpu.memory_space<vmem>>, vector<16xf32>,
    %swap3A_51 = arith.constant 48 : index
    %swap3A_52 = tpu.vector_load %arg12[%swap3A_51] {strides = array<i32>} : memref<632xf32, #tpu.memory_space<vmem>>, vector<16xf32>,
    %swap3A_53 = vector.shape_cast %swap3A_52 : vector<16xf32> to vector<16xf32>
    %swap3A_54 = vector.shape_cast %broadcast_in_dim3A_0 : vector<16xf32> to vector<16xf32>
    tpu.vector_store %arg12[%swap3A_51], %swap3A_54 {strides = array<i32>} : memref<632xf32, #tpu.memory_space<vmem>>, vector<16xf32>,
    %swap3A_55 = arith.constant 64 : index
    %swap3A_56 = tpu.vector_load %arg12[%swap3A_55] {strides = array<i32>} : memref<632xf32, #tpu.memory_space<vmem>>, vector<16xf32>,
    %swap3A_57 = vector.shape_cast %swap3A_56 : vector<16xf32> to vector<16xf32>
    %swap3A_58 = vector.shape_cast %broadcast_in_dim3A_0 : vector<16xf32> to vector<16xf32>
    tpu.vector_store %arg12[%swap3A_55], %swap3A_58 {strides = array<i32>} : memref<632xf32, #tpu.memory_space<vmem>>, vector<16xf32>,
    %swap3A_59 = arith.constant 80 : index
    %swap3A_60 = tpu.vector_load %arg12[%swap3A_59] {strides = array<i32>} : memref<632xf32, #tpu.memory_space<vmem>>, vector<16xf32>,
    %swap3A_61 = vector.shape_cast %swap3A_60 : vector<16xf32> to vector<16xf32>
    %swap3A_62 = vector.shape_cast %broadcast_in_dim3A_0 : vector<16xf32> to vector<16xf32>
    tpu.vector_store %arg12[%swap3A_59], %swap3A_62 {strides = array<i32>} : memref<632xf32, #tpu.memory_space<vmem>>, vector<16xf32>,
    %swap3A_63 = arith.constant 96 : index
    %swap3A_64 = tpu.vector_load %arg12[%swap3A_63] {strides = array<i32>} : memref<632xf32, #tpu.memory_space<vmem>>, vector<16xf32>,
    %swap3A_65 = vector.shape_cast %swap3A_64 : vector<16xf32> to vector<16xf32>
    %swap3A_66 = vector.shape_cast %broadcast_in_dim3A_0 : vector<16xf32> to vector<16xf32>
    tpu.vector_store %arg12[%swap3A_63], %swap3A_66 {strides = array<i32>} : memref<632xf32, #tpu.memory_space<vmem>>, vector<16xf32>,
    %swap3A_67 = arith.constant 112 : index
    %swap3A_68 = tpu.vector_load %arg12[%swap3A_67] {strides = array<i32>} : memref<632xf32, #tpu.memory_space<vmem>>, vector<16xf32>,
    %swap3A_69 = vector.shape_cast %swap3A_68 : vector<16xf32> to vector<16xf32>
    %swap3A_70 = vector.shape_cast %broadcast_in_dim3A_0 : vector<16xf32> to vector<16xf32>
    tpu.vector_store %arg12[%swap3A_67], %swap3A_70 {strides = array<i32>} : memref<632xf32, #tpu.memory_space<vmem>>, vector<16xf32>,
    %swap3A_71 = arith.constant 128 : index
    %swap3A_72 = tpu.vector_load %arg12[%swap3A_71] {strides = array<i32>} : memref<632xf32, #tpu.memory_space<vmem>>, vector<16xf32>,
    %swap3A_73 = vector.shape_cast %swap3A_72 : vector<16xf32> to vector<16xf32>
    %swap3A_74 = vector.shape_cast %broadcast_in_dim3A_0 : vector<16xf32> to vector<16xf32>
    tpu.vector_store %arg12[%swap3A_71], %swap3A_74 {strides = array<i32>} : memref<632xf32, #tpu.memory_space<vmem>>, vector<16xf32>,
    %swap3A_75 = arith.constant 144 : index
    %swap3A_76 = tpu.vector_load %arg12[%swap3A_75] {strides = array<i32>} : memref<632xf32, #tpu.memory_space<vmem>>, vector<16xf32>,
    %swap3A_77 = vector.shape_cast %swap3A_76 : vector<16xf32> to vector<16xf32>
    %swap3A_78 = vector.shape_cast %broadcast_in_dim3A_0 : vector<16xf32> to vector<16xf32>
    tpu.vector_store %arg12[%swap3A_75], %swap3A_78 {strides = array<i32>} : memref<632xf32, #tpu.memory_space<vmem>>, vector<16xf32>,
    %swap3A_79 = arith.constant 160 : index
    %swap3A_80 = tpu.vector_load %arg12[%swap3A_79] {strides = array<i32>} : memref<632xf32, #tpu.memory_space<vmem>>, vector<16xf32>,
    %swap3A_81 = vector.shape_cast %swap3A_80 : vector<16xf32> to vector<16xf32>
    %swap3A_82 = vector.shape_cast %broadcast_in_dim3A_0 : vector<16xf32> to vector<16xf32>
    tpu.vector_store %arg12[%swap3A_79], %swap3A_82 {strides = array<i32>} : memref<632xf32, #tpu.memory_space<vmem>>, vector<16xf32>,
    %swap3A_83 = arith.constant 176 : index
    %swap3A_84 = tpu.vector_load %arg12[%swap3A_83] {strides = array<i32>} : memref<632xf32, #tpu.memory_space<vmem>>, vector<16xf32>,
    %swap3A_85 = vector.shape_cast %swap3A_84 : vector<16xf32> to vector<16xf32>
    %swap3A_86 = vector.shape_cast %broadcast_in_dim3A_0 : vector<16xf32> to vector<16xf32>
    tpu.vector_store %arg12[%swap3A_83], %swap3A_86 {strides = array<i32>} : memref<632xf32, #tpu.memory_space<vmem>>, vector<16xf32>,
    %swap3A_87 = arith.constant 192 : index
    %swap3A_88 = tpu.vector_load %arg12[%swap3A_87] {strides = array<i32>} : memref<632xf32, #tpu.memory_space<vmem>>, vector<16xf32>,
    %swap3A_89 = vector.shape_cast %swap3A_88 : vector<16xf32> to vector<16xf32>
    %swap3A_90 = vector.shape_cast %broadcast_in_dim3A_0 : vector<16xf32> to vector<16xf32>
    tpu.vector_store %arg12[%swap3A_87], %swap3A_90 {strides = array<i32>} : memref<632xf32, #tpu.memory_space<vmem>>, vector<16xf32>,
    %swap3A_91 = arith.constant 208 : index
    %swap3A_92 = tpu.vector_load %arg12[%swap3A_91] {strides = array<i32>} : memref<632xf32, #tpu.memory_space<vmem>>, vector<16xf32>,
    %swap3A_93 = vector.shape_cast %swap3A_92 : vector<16xf32> to vector<16xf32>
    %swap3A_94 = vector.shape_cast %broadcast_in_dim3A_0 : vector<16xf32> to vector<16xf32>
    tpu.vector_store %arg12[%swap3A_91], %swap3A_94 {strides = array<i32>} : memref<632xf32, #tpu.memory_space<vmem>>, vector<16xf32>,
    %swap3A_95 = arith.constant 224 : index
    %swap3A_96 = tpu.vector_load %arg12[%swap3A_95] {strides = array<i32>} : memref<632xf32, #tpu.memory_space<vmem>>, vector<16xf32>,
    %swap3A_97 = vector.shape_cast %swap3A_96 : vector<16xf32> to vector<16xf32>
    %swap3A_98 = vector.shape_cast %broadcast_in_dim3A_0 : vector<16xf32> to vector<16xf32>
    tpu.vector_store %arg12[%swap3A_95], %swap3A_98 {strides = array<i32>} : memref<632xf32, #tpu.memory_space<vmem>>, vector<16xf32>,
    %swap3A_99 = arith.constant 240 : index
    %swap3A_100 = tpu.vector_load %arg12[%swap3A_99] {strides = array<i32>} : memref<632xf32, #tpu.memory_space<vmem>>, vector<16xf32>,
    %swap3A_101 = vector.shape_cast %swap3A_100 : vector<16xf32> to vector<16xf32>
    %swap3A_102 = vector.shape_cast %broadcast_in_dim3A_0 : vector<16xf32> to vector<16xf32>
    tpu.vector_store %arg12[%swap3A_99], %swap3A_102 {strides = array<i32>} : memref<632xf32, #tpu.memory_space<vmem>>, vector<16xf32>,
    %swap3A_103 = arith.constant 256 : index
    %swap3A_104 = tpu.vector_load %arg12[%swap3A_103] {strides = array<i32>} : memref<632xf32, #tpu.memory_space<vmem>>, vector<16xf32>,
    %swap3A_105 = vector.shape_cast %swap3A_104 : vector<16xf32> to vector<16xf32>
    %swap3A_106 = vector.shape_cast %broadcast_in_dim3A_0 : vector<16xf32> to vector<16xf32>
    tpu.vector_store %arg12[%swap3A_103], %swap3A_106 {strides = array<i32>} : memref<632xf32, #tpu.memory_space<vmem>>, vector<16xf32>,
    %swap3A_107 = arith.constant 272 : index
    %swap3A_108 = tpu.vector_load %arg12[%swap3A_107] {strides = array<i32>} : memref<632xf32, #tpu.memory_space<vmem>>, vector<16xf32>,
    %swap3A_109 = vector.shape_cast %swap3A_108 : vector<16xf32> to vector<16xf32>
    %swap3A_110 = vector.shape_cast %broadcast_in_dim3A_0 : vector<16xf32> to vector<16xf32>
    tpu.vector_store %arg12[%swap3A_107], %swap3A_110 {strides = array<i32>} : memref<632xf32, #tpu.memory_space<vmem>>, vector<16xf32>,
    %swap3A_111 = arith.constant 288 : index
    %swap3A_112 = tpu.vector_load %arg12[%swap3A_111] {strides = array<i32>} : memref<632xf32, #tpu.memory_space<vmem>>, vector<16xf32>,
    %swap3A_113 = vector.shape_cast %swap3A_112 : vector<16xf32> to vector<16xf32>
    %swap3A_114 = vector.shape_cast %broadcast_in_dim3A_0 : vector<16xf32> to vector<16xf32>
    tpu.vector_store %arg12[%swap3A_111], %swap3A_114 {strides = array<i32>} : memref<632xf32, #tpu.memory_space<vmem>>, vector<16xf32>,
    %swap3A_115 = arith.constant 304 : index
    %swap3A_116 = tpu.vector_load %arg12[%swap3A_115] {strides = array<i32>} : memref<632xf32, #tpu.memory_space<vmem>>, vector<16xf32>,
    %swap3A_117 = vector.shape_cast %swap3A_116 : vector<16xf32> to vector<16xf32>
    %swap3A_118 = vector.shape_cast %broadcast_in_dim3A_0 : vector<16xf32> to vector<16xf32>
    tpu.vector_store %arg12[%swap3A_115], %swap3A_118 {strides = array<i32>} : memref<632xf32, #tpu.memory_space<vmem>>, vector<16xf32>,
    %swap3A_119 = arith.constant 320 : index
    %swap3A_120 = tpu.vector_load %arg12[%swap3A_119] {strides = array<i32>} : memref<632xf32, #tpu.memory_space<vmem>>, vector<16xf32>,
    %swap3A_121 = vector.shape_cast %swap3A_120 : vector<16xf32> to vector<16xf32>
    %swap3A_122 = vector.shape_cast %broadcast_in_dim3A_0 : vector<16xf32> to vector<16xf32>
    tpu.vector_store %arg12[%swap3A_119], %swap3A_122 {strides = array<i32>} : memref<632xf32, #tpu.memory_space<vmem>>, vector<16xf32>,
    %swap3A_123 = arith.constant 336 : index
    %swap3A_124 = tpu.vector_load %arg12[%swap3A_123] {strides = array<i32>} : memref<632xf32, #tpu.memory_space<vmem>>, vector<16xf32>,
    %swap3A_125 = vector.shape_cast %swap3A_124 : vector<16xf32> to vector<16xf32>
    %swap3A_126 = vector.shape_cast %broadcast_in_dim3A_0 : vector<16xf32> to vector<16xf32>
    tpu.vector_store %arg12[%swap3A_123], %swap3A_126 {strides = array<i32>} : memref<632xf32, #tpu.memory_space<vmem>>, vector<16xf32>,
    %swap3A_127 = arith.constant 352 : index
    %swap3A_128 = tpu.vector_load %arg12[%swap3A_127] {strides = array<i32>} : memref<632xf32, #tpu.memory_space<vmem>>, vector<16xf32>,
    %swap3A_129 = vector.shape_cast %swap3A_128 : vector<16xf32> to vector<16xf32>
    %swap3A_130 = vector.shape_cast %broadcast_in_dim3A_0 : vector<16xf32> to vector<16xf32>
    tpu.vector_store %arg12[%swap3A_127], %swap3A_130 {strides = array<i32>} : memref<632xf32, #tpu.memory_space<vmem>>, vector<16xf32>,
    %swap3A_131 = arith.constant 368 : index
    %swap3A_132 = tpu.vector_load %arg12[%swap3A_131] {strides = array<i32>} : memref<632xf32, #tpu.memory_space<vmem>>, vector<16xf32>,
    %swap3A_133 = vector.shape_cast %swap3A_132 : vector<16xf32> to vector<16xf32>
    %swap3A_134 = vector.shape_cast %broadcast_in_dim3A_0 : vector<16xf32> to vector<16xf32>
    tpu.vector_store %arg12[%swap3A_131], %swap3A_134 {strides = array<i32>} : memref<632xf32, #tpu.memory_space<vmem>>, vector<16xf32>,
    %swap3A_135 = arith.constant 384 : index
    %swap3A_136 = tpu.vector_load %arg12[%swap3A_135] {strides = array<i32>} : memref<632xf32, #tpu.memory_space<vmem>>, vector<16xf32>,
    %swap3A_137 = vector.shape_cast %swap3A_136 : vector<16xf32> to vector<16xf32>
    %swap3A_138 = vector.shape_cast %broadcast_in_dim3A_0 : vector<16xf32> to vector<16xf32>
    tpu.vector_store %arg12[%swap3A_135], %swap3A_138 {strides = array<i32>} : memref<632xf32, #tpu.memory_space<vmem>>, vector<16xf32>,
    %swap3A_139 = arith.constant 400 : index
    %swap3A_140 = tpu.vector_load %arg12[%swap3A_139] {strides = array<i32>} : memref<632xf32, #tpu.memory_space<vmem>>, vector<16xf32>,
    %swap3A_141 = vector.shape_cast %swap3A_140 : vector<16xf32> to vector<16xf32>
    %swap3A_142 = vector.shape_cast %broadcast_in_dim3A_0 : vector<16xf32> to vector<16xf32>
    tpu.vector_store %arg12[%swap3A_139], %swap3A_142 {strides = array<i32>} : memref<632xf32, #tpu.memory_space<vmem>>, vector<16xf32>,
    %swap3A_143 = arith.constant 416 : index
    %swap3A_144 = tpu.vector_load %arg12[%swap3A_143] {strides = array<i32>} : memref<632xf32, #tpu.memory_space<vmem>>, vector<16xf32>,
    %swap3A_145 = vector.shape_cast %swap3A_144 : vector<16xf32> to vector<16xf32>
    %swap3A_146 = vector.shape_cast %broadcast_in_dim3A_0 : vector<16xf32> to vector<16xf32>
    tpu.vector_store %arg12[%swap3A_143], %swap3A_146 {strides = array<i32>} : memref<632xf32, #tpu.memory_space<vmem>>, vector<16xf32>,
    %swap3A_147 = arith.constant 432 : index
    %swap3A_148 = tpu.vector_load %arg12[%swap3A_147] {strides = array<i32>} : memref<632xf32, #tpu.memory_space<vmem>>, vector<16xf32>,
    %swap3A_149 = vector.shape_cast %swap3A_148 : vector<16xf32> to vector<16xf32>
    %swap3A_150 = vector.shape_cast %broadcast_in_dim3A_0 : vector<16xf32> to vector<16xf32>
    tpu.vector_store %arg12[%swap3A_147], %swap3A_150 {strides = array<i32>} : memref<632xf32, #tpu.memory_space<vmem>>, vector<16xf32>,
    %swap3A_151 = arith.constant 448 : index
    %swap3A_152 = tpu.vector_load %arg12[%swap3A_151] {strides = array<i32>} : memref<632xf32, #tpu.memory_space<vmem>>, vector<16xf32>,
    %swap3A_153 = vector.shape_cast %swap3A_152 : vector<16xf32> to vector<16xf32>
    %swap3A_154 = vector.shape_cast %broadcast_in_dim3A_0 : vector<16xf32> to vector<16xf32>
    tpu.vector_store %arg12[%swap3A_151], %swap3A_154 {strides = array<i32>} : memref<632xf32, #tpu.memory_space<vmem>>, vector<16xf32>,
    %swap3A_155 = arith.constant 464 : index
    %swap3A_156 = tpu.vector_load %arg12[%swap3A_155] {strides = array<i32>} : memref<632xf32, #tpu.memory_space<vmem>>, vector<16xf32>,
    %swap3A_157 = vector.shape_cast %swap3A_156 : vector<16xf32> to vector<16xf32>
    %swap3A_158 = vector.shape_cast %broadcast_in_dim3A_0 : vector<16xf32> to vector<16xf32>
    tpu.vector_store %arg12[%swap3A_155], %swap3A_158 {strides = array<i32>} : memref<632xf32, #tpu.memory_space<vmem>>, vector<16xf32>,
    %swap3A_159 = arith.constant 480 : index
    %swap3A_160 = tpu.vector_load %arg12[%swap3A_159] {strides = array<i32>} : memref<632xf32, #tpu.memory_space<vmem>>, vector<16xf32>,
    %swap3A_161 = vector.shape_cast %swap3A_160 : vector<16xf32> to vector<16xf32>
    %swap3A_162 = vector.shape_cast %broadcast_in_dim3A_0 : vector<16xf32> to vector<16xf32>
    tpu.vector_store %arg12[%swap3A_159], %swap3A_162 {strides = array<i32>} : memref<632xf32, #tpu.memory_space<vmem>>, vector<16xf32>,
    %swap3A_163 = arith.constant 496 : index
    %swap3A_164 = tpu.vector_load %arg12[%swap3A_163] {strides = array<i32>} : memref<632xf32, #tpu.memory_space<vmem>>, vector<16xf32>,
    %swap3A_165 = vector.shape_cast %swap3A_164 : vector<16xf32> to vector<16xf32>
    %swap3A_166 = vector.shape_cast %broadcast_in_dim3A_0 : vector<16xf32> to vector<16xf32>
    tpu.vector_store %arg12[%swap3A_163], %swap3A_166 {strides = array<i32>} : memref<632xf32, #tpu.memory_space<vmem>>, vector<16xf32>,
    %swap3A_167 = arith.constant 512 : index
    %swap3A_168 = tpu.vector_load %arg12[%swap3A_167] {strides = array<i32>} : memref<632xf32, #tpu.memory_space<vmem>>, vector<16xf32>,
    %swap3A_169 = vector.shape_cast %swap3A_168 : vector<16xf32> to vector<16xf32>
    %swap3A_170 = vector.shape_cast %broadcast_in_dim3A_0 : vector<16xf32> to vector<16xf32>
    tpu.vector_store %arg12[%swap3A_167], %swap3A_170 {strides = array<i32>} : memref<632xf32, #tpu.memory_space<vmem>>, vector<16xf32>,
    %swap3A_171 = arith.constant 528 : index
    %swap3A_172 = tpu.vector_load %arg12[%swap3A_171] {strides = array<i32>} : memref<632xf32, #tpu.memory_space<vmem>>, vector<16xf32>,
    %swap3A_173 = vector.shape_cast %swap3A_172 : vector<16xf32> to vector<16xf32>
    %swap3A_174 = vector.shape_cast %broadcast_in_dim3A_0 : vector<16xf32> to vector<16xf32>
    tpu.vector_store %arg12[%swap3A_171], %swap3A_174 {strides = array<i32>} : memref<632xf32, #tpu.memory_space<vmem>>, vector<16xf32>,
    %swap3A_175 = arith.constant 544 : index
    %swap3A_176 = tpu.vector_load %arg12[%swap3A_175] {strides = array<i32>} : memref<632xf32, #tpu.memory_space<vmem>>, vector<16xf32>,
    %swap3A_177 = vector.shape_cast %swap3A_176 : vector<16xf32> to vector<16xf32>
    %swap3A_178 = vector.shape_cast %broadcast_in_dim3A_0 : vector<16xf32> to vector<16xf32>
    tpu.vector_store %arg12[%swap3A_175], %swap3A_178 {strides = array<i32>} : memref<632xf32, #tpu.memory_space<vmem>>, vector<16xf32>,
    %swap3A_179 = arith.constant 560 : index
    %swap3A_180 = tpu.vector_load %arg12[%swap3A_179] {strides = array<i32>} : memref<632xf32, #tpu.memory_space<vmem>>, vector<16xf32>,
    %swap3A_181 = vector.shape_cast %swap3A_180 : vector<16xf32> to vector<16xf32>
    %swap3A_182 = vector.shape_cast %broadcast_in_dim3A_0 : vector<16xf32> to vector<16xf32>
    tpu.vector_store %arg12[%swap3A_179], %swap3A_182 {strides = array<i32>} : memref<632xf32, #tpu.memory_space<vmem>>, vector<16xf32>,
    %swap3A_183 = arith.constant 576 : index
    %swap3A_184 = tpu.vector_load %arg12[%swap3A_183] {strides = array<i32>} : memref<632xf32, #tpu.memory_space<vmem>>, vector<16xf32>,
    %swap3A_185 = vector.shape_cast %swap3A_184 : vector<16xf32> to vector<16xf32>
    %swap3A_186 = vector.shape_cast %broadcast_in_dim3A_0 : vector<16xf32> to vector<16xf32>
    tpu.vector_store %arg12[%swap3A_183], %swap3A_186 {strides = array<i32>} : memref<632xf32, #tpu.memory_space<vmem>>, vector<16xf32>,
    %swap3A_187 = arith.constant 592 : index
    %swap3A_188 = tpu.vector_load %arg12[%swap3A_187] {strides = array<i32>} : memref<632xf32, #tpu.memory_space<vmem>>, vector<16xf32>,
    %swap3A_189 = vector.shape_cast %swap3A_188 : vector<16xf32> to vector<16xf32>
    %swap3A_190 = vector.shape_cast %broadcast_in_dim3A_0 : vector<16xf32> to vector<16xf32>
    tpu.vector_store %arg12[%swap3A_187], %swap3A_190 {strides = array<i32>} : memref<632xf32, #tpu.memory_space<vmem>>, vector<16xf32>,
    %swap3A_191 = arith.constant 608 : index
    %swap3A_192 = tpu.vector_load %arg12[%swap3A_191] {strides = array<i32>} : memref<632xf32, #tpu.memory_space<vmem>>, vector<16xf32>,
    %swap3A_193 = vector.shape_cast %swap3A_192 : vector<16xf32> to vector<16xf32>
    %swap3A_194 = vector.shape_cast %broadcast_in_dim3A_0 : vector<16xf32> to vector<16xf32>
    tpu.vector_store %arg12[%swap3A_191], %swap3A_194 {strides = array<i32>} : memref<632xf32, #tpu.memory_space<vmem>>, vector<16xf32>,
    %swap3A_195 = arith.constant 616 : index
    %swap3A_196 = tpu.vector_load %arg12[%swap3A_195] {strides = array<i32>} : memref<632xf32, #tpu.memory_space<vmem>>, vector<16xf32>,
    %swap3A_197 = vector.shape_cast %swap3A_196 : vector<16xf32> to vector<16xf32>
    %swap3A_198 = vector.shape_cast %broadcast_in_dim3A_0 : vector<16xf32> to vector<16xf32>
    tpu.vector_store %arg12[%swap3A_195], %swap3A_198 {strides = array<i32>} : memref<632xf32, #tpu.memory_space<vmem>>, vector<16xf32>,
    %mul3A = arith.constant 632 : i32
    %mul3A_199 = arith.muli %arg1, %mul3A : i32
    %add3A = arith.constant 0 : i32
    %add3A_200 = arith.addi %mul3A_199, %add3A : i32
    "tpu.region"() ({
      %run_scoped3A = tpu.sem_alloc : memref<!tpu.dma_semaphore, #tpu.memory_space<semaphore_mem>>
      %dma_start3A = arith.constant 0 : i32
      %dma_start3A_221 = tpu.memref_slice %arg13[%add3A_200, %dma_start3A] : memref<10112x128xf32, #tpu.memory_space<vmem_shared>> -> memref<128x128xf32, #tpu.memory_space<vmem_shared>>
      %dma_start3A_222 = arith.constant 0 : i32
      %dma_start3A_223 = tpu.memref_slice %arg13[%add3A_200, %dma_start3A_222] : memref<10112x128xf32, #tpu.memory_space<vmem_shared>> -> memref<128x128xf32, #tpu.memory_space<vmem_shared>>
      tpu.enqueue_dma source(%arg9 : memref<128x128xf32, #tpu.memory_space<vmem>>) target(%dma_start3A_223 : memref<128x128xf32, #tpu.memory_space<vmem_shared>>) target_semaphore(%run_scoped3A : memref<!tpu.dma_semaphore, #tpu.memory_space<semaphore_mem>>)
      %dma_wait3A = arith.constant 0 : i32
      %dma_wait3A_224 = tpu.memref_slice %arg13[%add3A_200, %dma_wait3A] : memref<10112x128xf32, #tpu.memory_space<vmem_shared>> -> memref<128x128xf32, #tpu.memory_space<vmem_shared>>
      %dma_wait3A_225 = arith.constant 0 : i32
      %dma_wait3A_226 = tpu.memref_slice %arg13[%add3A_200, %dma_wait3A_225] : memref<10112x128xf32, #tpu.memory_space<vmem_shared>> -> memref<128x128xf32, #tpu.memory_space<vmem_shared>>
      tpu.wait_dma2 semaphore(%run_scoped3A : memref<!tpu.dma_semaphore, #tpu.memory_space<semaphore_mem>>) src(%arg9 : memref<128x128xf32, #tpu.memory_space<vmem>>) dst(%dma_wait3A_226 : memref<128x128xf32, #tpu.memory_space<vmem_shared>>)
      tpu.yield
    }) : () -> ()
    %add3A_201 = arith.constant 128 : i32
    %add3A_202 = arith.addi %mul3A_199, %add3A_201 : i32
    "tpu.region"() ({
      %run_scoped3A = tpu.sem_alloc : memref<!tpu.dma_semaphore, #tpu.memory_space<semaphore_mem>>
      %dma_start3A = arith.constant 0 : i32
      %dma_start3A_221 = tpu.memref_slice %arg13[%add3A_202, %dma_start3A] : memref<10112x128xf32, #tpu.memory_space<vmem_shared>> -> memref<128x128xf32, #tpu.memory_space<vmem_shared>>
      %dma_start3A_222 = arith.constant 0 : i32
      %dma_start3A_223 = tpu.memref_slice %arg13[%add3A_202, %dma_start3A_222] : memref<10112x128xf32, #tpu.memory_space<vmem_shared>> -> memref<128x128xf32, #tpu.memory_space<vmem_shared>>
      tpu.enqueue_dma source(%arg9 : memref<128x128xf32, #tpu.memory_space<vmem>>) target(%dma_start3A_223 : memref<128x128xf32, #tpu.memory_space<vmem_shared>>) target_semaphore(%run_scoped3A : memref<!tpu.dma_semaphore, #tpu.memory_space<semaphore_mem>>)
      %dma_wait3A = arith.constant 0 : i32
      %dma_wait3A_224 = tpu.memref_slice %arg13[%add3A_202, %dma_wait3A] : memref<10112x128xf32, #tpu.memory_space<vmem_shared>> -> memref<128x128xf32, #tpu.memory_space<vmem_shared>>
      %dma_wait3A_225 = arith.constant 0 : i32
      %dma_wait3A_226 = tpu.memref_slice %arg13[%add3A_202, %dma_wait3A_225] : memref<10112x128xf32, #tpu.memory_space<vmem_shared>> -> memref<128x128xf32, #tpu.memory_space<vmem_shared>>
      tpu.wait_dma2 semaphore(%run_scoped3A : memref<!tpu.dma_semaphore, #tpu.memory_space<semaphore_mem>>) src(%arg9 : memref<128x128xf32, #tpu.memory_space<vmem>>) dst(%dma_wait3A_226 : memref<128x128xf32, #tpu.memory_space<vmem_shared>>)
      tpu.yield
    }) : () -> ()
    %add3A_203 = arith.constant 256 : i32
    %add3A_204 = arith.addi %mul3A_199, %add3A_203 : i32
    "tpu.region"() ({
      %run_scoped3A = tpu.sem_alloc : memref<!tpu.dma_semaphore, #tpu.memory_space<semaphore_mem>>
      %dma_start3A = arith.constant 0 : i32
      %dma_start3A_221 = tpu.memref_slice %arg13[%add3A_204, %dma_start3A] : memref<10112x128xf32, #tpu.memory_space<vmem_shared>> -> memref<128x128xf32, #tpu.memory_space<vmem_shared>>
      %dma_start3A_222 = arith.constant 0 : i32
      %dma_start3A_223 = tpu.memref_slice %arg13[%add3A_204, %dma_start3A_222] : memref<10112x128xf32, #tpu.memory_space<vmem_shared>> -> memref<128x128xf32, #tpu.memory_space<vmem_shared>>
      tpu.enqueue_dma source(%arg9 : memref<128x128xf32, #tpu.memory_space<vmem>>) target(%dma_start3A_223 : memref<128x128xf32, #tpu.memory_space<vmem_shared>>) target_semaphore(%run_scoped3A : memref<!tpu.dma_semaphore, #tpu.memory_space<semaphore_mem>>)
      %dma_wait3A = arith.constant 0 : i32
      %dma_wait3A_224 = tpu.memref_slice %arg13[%add3A_204, %dma_wait3A] : memref<10112x128xf32, #tpu.memory_space<vmem_shared>> -> memref<128x128xf32, #tpu.memory_space<vmem_shared>>
      %dma_wait3A_225 = arith.constant 0 : i32
      %dma_wait3A_226 = tpu.memref_slice %arg13[%add3A_204, %dma_wait3A_225] : memref<10112x128xf32, #tpu.memory_space<vmem_shared>> -> memref<128x128xf32, #tpu.memory_space<vmem_shared>>
      tpu.wait_dma2 semaphore(%run_scoped3A : memref<!tpu.dma_semaphore, #tpu.memory_space<semaphore_mem>>) src(%arg9 : memref<128x128xf32, #tpu.memory_space<vmem>>) dst(%dma_wait3A_226 : memref<128x128xf32, #tpu.memory_space<vmem_shared>>)
      tpu.yield
    }) : () -> ()
    %add3A_205 = arith.constant 384 : i32
    %add3A_206 = arith.addi %mul3A_199, %add3A_205 : i32
    "tpu.region"() ({
      %run_scoped3A = tpu.sem_alloc : memref<!tpu.dma_semaphore, #tpu.memory_space<semaphore_mem>>
      %dma_start3A = arith.constant 0 : i32
      %dma_start3A_221 = tpu.memref_slice %arg13[%add3A_206, %dma_start3A] : memref<10112x128xf32, #tpu.memory_space<vmem_shared>> -> memref<128x128xf32, #tpu.memory_space<vmem_shared>>
      %dma_start3A_222 = arith.constant 0 : i32
      %dma_start3A_223 = tpu.memref_slice %arg13[%add3A_206, %dma_start3A_222] : memref<10112x128xf32, #tpu.memory_space<vmem_shared>> -> memref<128x128xf32, #tpu.memory_space<vmem_shared>>
      tpu.enqueue_dma source(%arg9 : memref<128x128xf32, #tpu.memory_space<vmem>>) target(%dma_start3A_223 : memref<128x128xf32, #tpu.memory_space<vmem_shared>>) target_semaphore(%run_scoped3A : memref<!tpu.dma_semaphore, #tpu.memory_space<semaphore_mem>>)
      %dma_wait3A = arith.constant 0 : i32
      %dma_wait3A_224 = tpu.memref_slice %arg13[%add3A_206, %dma_wait3A] : memref<10112x128xf32, #tpu.memory_space<vmem_shared>> -> memref<128x128xf32, #tpu.memory_space<vmem_shared>>
      %dma_wait3A_225 = arith.constant 0 : i32
      %dma_wait3A_226 = tpu.memref_slice %arg13[%add3A_206, %dma_wait3A_225] : memref<10112x128xf32, #tpu.memory_space<vmem_shared>> -> memref<128x128xf32, #tpu.memory_space<vmem_shared>>
      tpu.wait_dma2 semaphore(%run_scoped3A : memref<!tpu.dma_semaphore, #tpu.memory_space<semaphore_mem>>) src(%arg9 : memref<128x128xf32, #tpu.memory_space<vmem>>) dst(%dma_wait3A_226 : memref<128x128xf32, #tpu.memory_space<vmem_shared>>)
      tpu.yield
    }) : () -> ()
    %add3A_207 = arith.constant 632 : i32
    %add3A_208 = arith.addi %mul3A_199, %add3A_207 : i32
    %sub3A = arith.constant 120 : i32
    %sub3A_209 = arith.subi %add3A_208, %sub3A : i32
    "tpu.region"() ({
      %run_scoped3A = tpu.sem_alloc : memref<!tpu.dma_semaphore, #tpu.memory_space<semaphore_mem>>
      %dma_start3A = arith.constant 0 : i32
      %dma_start3A_221 = arith.constant 0 : i32
      %dma_start3A_222 = tpu.memref_slice %arg9[%dma_start3A, %dma_start3A_221] : memref<128x128xf32, #tpu.memory_space<vmem>> -> memref<120x128xf32, #tpu.memory_space<vmem>>
      %dma_start3A_223 = arith.constant 0 : i32
      %dma_start3A_224 = tpu.memref_slice %arg13[%sub3A_209, %dma_start3A_223] : memref<10112x128xf32, #tpu.memory_space<vmem_shared>> -> memref<120x128xf32, #tpu.memory_space<vmem_shared>>
      %dma_start3A_225 = arith.constant 0 : i32
      %dma_start3A_226 = tpu.memref_slice %arg13[%sub3A_209, %dma_start3A_225] : memref<10112x128xf32, #tpu.memory_space<vmem_shared>> -> memref<120x128xf32, #tpu.memory_space<vmem_shared>>
      %dma_start3A_227 = arith.constant 0 : i32
      %dma_start3A_228 = arith.constant 0 : i32
      %dma_start3A_229 = tpu.memref_slice %arg9[%dma_start3A_227, %dma_start3A_228] : memref<128x128xf32, #tpu.memory_space<vmem>> -> memref<120x128xf32, #tpu.memory_space<vmem>>
      tpu.enqueue_dma source(%dma_start3A_229 : memref<120x128xf32, #tpu.memory_space<vmem>>) target(%dma_start3A_226 : memref<120x128xf32, #tpu.memory_space<vmem_shared>>) target_semaphore(%run_scoped3A : memref<!tpu.dma_semaphore, #tpu.memory_space<semaphore_mem>>)
      %dma_wait3A = arith.constant 0 : i32
      %dma_wait3A_230 = arith.constant 0 : i32
      %dma_wait3A_231 = tpu.memref_slice %arg9[%dma_wait3A, %dma_wait3A_230] : memref<128x128xf32, #tpu.memory_space<vmem>> -> memref<120x128xf32, #tpu.memory_space<vmem>>
      %dma_wait3A_232 = arith.constant 0 : i32
      %dma_wait3A_233 = tpu.memref_slice %arg13[%sub3A_209, %dma_wait3A_232] : memref<10112x128xf32, #tpu.memory_space<vmem_shared>> -> memref<120x128xf32, #tpu.memory_space<vmem_shared>>
      %dma_wait3A_234 = arith.constant 0 : i32
      %dma_wait3A_235 = tpu.memref_slice %arg13[%sub3A_209, %dma_wait3A_234] : memref<10112x128xf32, #tpu.memory_space<vmem_shared>> -> memref<120x128xf32, #tpu.memory_space<vmem_shared>>
      %dma_wait3A_236 = arith.constant 0 : i32
      %dma_wait3A_237 = arith.constant 0 : i32
      %dma_wait3A_238 = tpu.memref_slice %arg9[%dma_wait3A_236, %dma_wait3A_237] : memref<128x128xf32, #tpu.memory_space<vmem>> -> memref<120x128xf32, #tpu.memory_space<vmem>>
      tpu.wait_dma2 semaphore(%run_scoped3A : memref<!tpu.dma_semaphore, #tpu.memory_space<semaphore_mem>>) src(%dma_wait3A_238 : memref<120x128xf32, #tpu.memory_space<vmem>>) dst(%dma_wait3A_235 : memref<120x128xf32, #tpu.memory_space<vmem_shared>>)
      tpu.yield
    }) : () -> ()
    "tpu.region"() ({
      %run_scoped3A = tpu.sem_alloc : memref<!tpu.dma_semaphore, #tpu.memory_space<semaphore_mem>>
      %dma_start3A = tpu.memref_slice %arg14[%mul3A_199] : memref<10112xf32, #tpu.memory_space<vmem_shared>> -> memref<632xf32, #tpu.memory_space<vmem_shared>>
      %dma_start3A_221 = tpu.memref_slice %arg14[%mul3A_199] : memref<10112xf32, #tpu.memory_space<vmem_shared>> -> memref<632xf32, #tpu.memory_space<vmem_shared>>
      tpu.enqueue_dma source(%arg12 : memref<632xf32, #tpu.memory_space<vmem>>) target(%dma_start3A_221 : memref<632xf32, #tpu.memory_space<vmem_shared>>) target_semaphore(%run_scoped3A : memref<!tpu.dma_semaphore, #tpu.memory_space<semaphore_mem>>)
      %dma_wait3A = tpu.memref_slice %arg14[%mul3A_199] : memref<10112xf32, #tpu.memory_space<vmem_shared>> -> memref<632xf32, #tpu.memory_space<vmem_shared>>
      %dma_wait3A_222 = tpu.memref_slice %arg14[%mul3A_199] : memref<10112xf32, #tpu.memory_space<vmem_shared>> -> memref<632xf32, #tpu.memory_space<vmem_shared>>
      tpu.wait_dma2 semaphore(%run_scoped3A : memref<!tpu.dma_semaphore, #tpu.memory_space<semaphore_mem>>) src(%arg12 : memref<632xf32, #tpu.memory_space<vmem>>) dst(%dma_wait3A_222 : memref<632xf32, #tpu.memory_space<vmem_shared>>)
      tpu.yield
    }) : () -> ()
    %barrier3A = arith.constant 0 : index
    tpu.barrier barrier_id(%barrier3A)
    %eq3A = arith.constant 0 : i32
    %eq3A_210 = arith.cmpi eq, %arg0, %eq3A : i32
    %convert_element_type3A = arith.extui %eq3A_210 : i1 to i32
    %cond3A = arith.constant 0 : i32
    %cond3A_211 = arith.cmpi ne, %convert_element_type3A, %cond3A : i32
    scf.if %cond3A_211 {
      %mul3A_221 = arith.constant 80 : i32
      %mul3A_222 = arith.muli %arg1, %mul3A_221 : i32
      %add3A_223 = arith.constant 0 : i32
      %add3A_224 = arith.addi %mul3A_222, %add3A_223 : i32
      "tpu.region"() ({
        %run_scoped3A = tpu.sem_alloc : memref<!tpu.dma_semaphore, #tpu.memory_space<semaphore_mem>>
        %dma_start3A_427 = arith.constant 0 : i32
        %dma_start3A_428 = tpu.memref_slice %arg3[%add3A_224, %dma_start3A_427] : memref<2560x128xi32, #tpu.memory_space<hbm>> -> memref<40x128xi32, #tpu.memory_space<hbm>>
        %dma_start3A_429 = arith.constant 0 : i32
        %dma_start3A_430 = tpu.memref_slice %arg3[%add3A_224, %dma_start3A_429] : memref<2560x128xi32, #tpu.memory_space<hbm>> -> memref<40x128xi32, #tpu.memory_space<hbm>>
        tpu.enqueue_dma source(%dma_start3A_430 : memref<40x128xi32, #tpu.memory_space<hbm>>) target(%arg7 : memref<40x128xi32, #tpu.memory_space<vmem>>) target_semaphore(%run_scoped3A : memref<!tpu.dma_semaphore, #tpu.memory_space<semaphore_mem>>)
        %dma_wait3A_431 = arith.constant 0 : i32
        %dma_wait3A_432 = tpu.memref_slice %arg3[%add3A_224, %dma_wait3A_431] : memref<2560x128xi32, #tpu.memory_space<hbm>> -> memref<40x128xi32, #tpu.memory_space<hbm>>
        %dma_wait3A_433 = arith.constant 0 : i32
        %dma_wait3A_434 = tpu.memref_slice %arg3[%add3A_224, %dma_wait3A_433] : memref<2560x128xi32, #tpu.memory_space<hbm>> -> memref<40x128xi32, #tpu.memory_space<hbm>>
        tpu.wait_dma2 semaphore(%run_scoped3A : memref<!tpu.dma_semaphore, #tpu.memory_space<semaphore_mem>>) src(%dma_wait3A_434 : memref<40x128xi32, #tpu.memory_space<hbm>>) dst(%arg7 : memref<40x128xi32, #tpu.memory_space<vmem>>)
        tpu.yield
      }) : () -> ()
      "tpu.region"() ({
        %run_scoped3A = tpu.sem_alloc : memref<!tpu.dma_semaphore, #tpu.memory_space<semaphore_mem>>
        %dma_start3A_427 = arith.constant 0 : i32
        %dma_start3A_428 = tpu.memref_slice %arg4[%add3A_224, %dma_start3A_427] : memref<2560x128xi32, #tpu.memory_space<hbm>> -> memref<40x128xi32, #tpu.memory_space<hbm>>
        %dma_start3A_429 = arith.constant 0 : i32
        %dma_start3A_430 = tpu.memref_slice %arg4[%add3A_224, %dma_start3A_429] : memref<2560x128xi32, #tpu.memory_space<hbm>> -> memref<40x128xi32, #tpu.memory_space<hbm>>
        tpu.enqueue_dma source(%dma_start3A_430 : memref<40x128xi32, #tpu.memory_space<hbm>>) target(%arg8 : memref<40x128xi32, #tpu.memory_space<vmem>>) target_semaphore(%run_scoped3A : memref<!tpu.dma_semaphore, #tpu.memory_space<semaphore_mem>>)
        %dma_wait3A_431 = arith.constant 0 : i32
        %dma_wait3A_432 = tpu.memref_slice %arg4[%add3A_224, %dma_wait3A_431] : memref<2560x128xi32, #tpu.memory_space<hbm>> -> memref<40x128xi32, #tpu.memory_space<hbm>>
        %dma_wait3A_433 = arith.constant 0 : i32
        %dma_wait3A_434 = tpu.memref_slice %arg4[%add3A_224, %dma_wait3A_433] : memref<2560x128xi32, #tpu.memory_space<hbm>> -> memref<40x128xi32, #tpu.memory_space<hbm>>
        tpu.wait_dma2 semaphore(%run_scoped3A : memref<!tpu.dma_semaphore, #tpu.memory_space<semaphore_mem>>) src(%dma_wait3A_434 : memref<40x128xi32, #tpu.memory_space<hbm>>) dst(%arg8 : memref<40x128xi32, #tpu.memory_space<vmem>>)
        tpu.yield
      }) : () -> ()
      %dma_start3A = arith.constant 0 : i32
      %dma_start3A_225 = arith.constant 0 : i32
      %dma_start3A_226 = tpu.memref_slice %arg7[%dma_start3A, %dma_start3A_225] : memref<40x128xi32, #tpu.memory_space<vmem>> -> memref<1x128xi32, #tpu.memory_space<vmem>>
      %dma_start3A_227 = tpu.memref_squeeze %dma_start3A_226 : memref<1x128xi32, #tpu.memory_space<vmem>> -> memref<128xi32, #tpu.memory_space<vmem>>
      %dma_start3A_228 = arith.constant 0 : i32
      %dma_start3A_229 = arith.constant 0 : i32
      %dma_start3A_230 = tpu.memref_slice %arg2[%dma_start3A_228, %dma_start3A_229] : memref<10000x128xf32, #tpu.memory_space<hbm>> -> memref<10000x128xf32, #tpu.memory_space<hbm>>
      tpu.enqueue_indirect_dma source(%dma_start3A_230 : memref<10000x128xf32, #tpu.memory_space<hbm>>) target(%arg9 : memref<128x128xf32, #tpu.memory_space<vmem>>) offsets(%dma_start3A_227 : memref<128xi32, #tpu.memory_space<vmem>>) semaphore(%arg15 : memref<!tpu.dma_semaphore, #tpu.memory_space<semaphore_mem>>)
      %dma_wait3A = arith.constant 0 : i32
      %dma_wait3A_231 = arith.constant 0 : i32
      %dma_wait3A_232 = tpu.memref_slice %arg7[%dma_wait3A, %dma_wait3A_231] : memref<40x128xi32, #tpu.memory_space<vmem>> -> memref<1x128xi32, #tpu.memory_space<vmem>>
      %dma_wait3A_233 = tpu.memref_squeeze %dma_wait3A_232 : memref<1x128xi32, #tpu.memory_space<vmem>> -> memref<128xi32, #tpu.memory_space<vmem>>
      %dma_wait3A_234 = arith.constant 0 : i32
      %dma_wait3A_235 = arith.constant 0 : i32
      %dma_wait3A_236 = tpu.memref_slice %arg2[%dma_wait3A_234, %dma_wait3A_235] : memref<10000x128xf32, #tpu.memory_space<hbm>> -> memref<10000x128xf32, #tpu.memory_space<hbm>>
      tpu.wait_indirect_dma semaphore(%arg15 : memref<!tpu.dma_semaphore, #tpu.memory_space<semaphore_mem>>) src(%dma_wait3A_236 : memref<10000x128xf32, #tpu.memory_space<hbm>>) dst(%arg9 : memref<128x128xf32, #tpu.memory_space<vmem>>)
      %dma_start3A_237 = arith.constant 1 : i32
      %dma_start3A_238 = arith.constant 0 : i32
      %dma_start3A_239 = tpu.memref_slice %arg7[%dma_start3A_237, %dma_start3A_238] : memref<40x128xi32, #tpu.memory_space<vmem>> -> memref<1x128xi32, #tpu.memory_space<vmem>>
      %dma_start3A_240 = tpu.memref_squeeze %dma_start3A_239 : memref<1x128xi32, #tpu.memory_space<vmem>> -> memref<128xi32, #tpu.memory_space<vmem>>
      %dma_start3A_241 = arith.constant 0 : i32
      %dma_start3A_242 = arith.constant 0 : i32
      %dma_start3A_243 = tpu.memref_slice %arg2[%dma_start3A_241, %dma_start3A_242] : memref<10000x128xf32, #tpu.memory_space<hbm>> -> memref<10000x128xf32, #tpu.memory_space<hbm>>
      tpu.enqueue_indirect_dma source(%dma_start3A_243 : memref<10000x128xf32, #tpu.memory_space<hbm>>) target(%arg10 : memref<128x128xf32, #tpu.memory_space<vmem>>) offsets(%dma_start3A_240 : memref<128xi32, #tpu.memory_space<vmem>>) semaphore(%arg16 : memref<!tpu.dma_semaphore, #tpu.memory_space<semaphore_mem>>)
      %dma_start3A_244 = arith.constant 0 : i32
      %dma_start3A_245 = arith.constant 0 : i32
      %dma_start3A_246 = tpu.memref_slice %arg8[%dma_start3A_244, %dma_start3A_245] : memref<40x128xi32, #tpu.memory_space<vmem>> -> memref<1x128xi32, #tpu.memory_space<vmem>>
      %dma_start3A_247 = tpu.memref_squeeze %dma_start3A_246 : memref<1x128xi32, #tpu.memory_space<vmem>> -> memref<128xi32, #tpu.memory_space<vmem>>
      %dma_start3A_248 = arith.constant 0 : i32
      %dma_start3A_249 = arith.constant 0 : i32
      %dma_start3A_250 = tpu.memref_slice %arg13[%dma_start3A_248, %dma_start3A_249] : memref<10112x128xf32, #tpu.memory_space<vmem_shared>> -> memref<10112x128xf32, #tpu.memory_space<vmem_shared>>
      tpu.enqueue_indirect_dma source(%arg9 : memref<128x128xf32, #tpu.memory_space<vmem>>) target(%dma_start3A_250 : memref<10112x128xf32, #tpu.memory_space<vmem_shared>>) offsets(%dma_start3A_247 : memref<128xi32, #tpu.memory_space<vmem>>) semaphore(%arg17 : memref<!tpu.dma_semaphore, #tpu.memory_space<semaphore_mem>>) {add = true}
      %dma_start3A_251 = arith.constant 0 : i32
      %dma_start3A_252 = arith.constant 0 : i32
      %dma_start3A_253 = tpu.memref_slice %arg8[%dma_start3A_251, %dma_start3A_252] : memref<40x128xi32, #tpu.memory_space<vmem>> -> memref<1x128xi32, #tpu.memory_space<vmem>>
      %dma_start3A_254 = tpu.memref_squeeze %dma_start3A_253 : memref<1x128xi32, #tpu.memory_space<vmem>> -> memref<128xi32, #tpu.memory_space<vmem>>
      %dma_start3A_255 = arith.constant 0 : i32
      %dma_start3A_256 = tpu.memref_slice %arg14[%dma_start3A_255] : memref<10112xf32, #tpu.memory_space<vmem_shared>> -> memref<10112xf32, #tpu.memory_space<vmem_shared>>
      tpu.enqueue_indirect_dma source(%arg11 : memref<128xf32, #tpu.memory_space<vmem>>) target(%dma_start3A_256 : memref<10112xf32, #tpu.memory_space<vmem_shared>>) offsets(%dma_start3A_254 : memref<128xi32, #tpu.memory_space<vmem>>) semaphore(%arg19 : memref<!tpu.dma_semaphore, #tpu.memory_space<semaphore_mem>>) {add = true}
      %dma_wait3A_257 = arith.constant 0 : i32
      %dma_wait3A_258 = arith.constant 0 : i32
      %dma_wait3A_259 = tpu.memref_slice %arg7[%dma_wait3A_257, %dma_wait3A_258] : memref<40x128xi32, #tpu.memory_space<vmem>> -> memref<1x128xi32, #tpu.memory_space<vmem>>
      %dma_wait3A_260 = tpu.memref_squeeze %dma_wait3A_259 : memref<1x128xi32, #tpu.memory_space<vmem>> -> memref<128xi32, #tpu.memory_space<vmem>>
      %dma_wait3A_261 = arith.constant 0 : i32
      %dma_wait3A_262 = arith.constant 0 : i32
      %dma_wait3A_263 = tpu.memref_slice %arg2[%dma_wait3A_261, %dma_wait3A_262] : memref<10000x128xf32, #tpu.memory_space<hbm>> -> memref<10000x128xf32, #tpu.memory_space<hbm>>
      tpu.wait_indirect_dma semaphore(%arg16 : memref<!tpu.dma_semaphore, #tpu.memory_space<semaphore_mem>>) src(%dma_wait3A_263 : memref<10000x128xf32, #tpu.memory_space<hbm>>) dst(%arg10 : memref<128x128xf32, #tpu.memory_space<vmem>>)
      %dma_wait3A_264 = arith.constant 0 : i32
      %dma_wait3A_265 = arith.constant 0 : i32
      %dma_wait3A_266 = tpu.memref_slice %arg8[%dma_wait3A_264, %dma_wait3A_265] : memref<40x128xi32, #tpu.memory_space<vmem>> -> memref<1x128xi32, #tpu.memory_space<vmem>>
      %dma_wait3A_267 = tpu.memref_squeeze %dma_wait3A_266 : memref<1x128xi32, #tpu.memory_space<vmem>> -> memref<128xi32, #tpu.memory_space<vmem>>
      %dma_wait3A_268 = arith.constant 0 : i32
      %dma_wait3A_269 = arith.constant 0 : i32
      %dma_wait3A_270 = tpu.memref_slice %arg13[%dma_wait3A_268, %dma_wait3A_269] : memref<10112x128xf32, #tpu.memory_space<vmem_shared>> -> memref<10112x128xf32, #tpu.memory_space<vmem_shared>>
      tpu.wait_indirect_dma semaphore(%arg17 : memref<!tpu.dma_semaphore, #tpu.memory_space<semaphore_mem>>) src(%arg9 : memref<128x128xf32, #tpu.memory_space<vmem>>) dst(%dma_wait3A_270 : memref<10112x128xf32, #tpu.memory_space<vmem_shared>>)
      %dma_wait3A_271 = arith.constant 0 : i32
      %dma_wait3A_272 = arith.constant 0 : i32
      %dma_wait3A_273 = tpu.memref_slice %arg8[%dma_wait3A_271, %dma_wait3A_272] : memref<40x128xi32, #tpu.memory_space<vmem>> -> memref<1x128xi32, #tpu.memory_space<vmem>>
      %dma_wait3A_274 = tpu.memref_squeeze %dma_wait3A_273 : memref<1x128xi32, #tpu.memory_space<vmem>> -> memref<128xi32, #tpu.memory_space<vmem>>
      %dma_wait3A_275 = arith.constant 0 : i32
      %dma_wait3A_276 = tpu.memref_slice %arg14[%dma_wait3A_275] : memref<10112xf32, #tpu.memory_space<vmem_shared>> -> memref<10112xf32, #tpu.memory_space<vmem_shared>>
      tpu.wait_indirect_dma semaphore(%arg19 : memref<!tpu.dma_semaphore, #tpu.memory_space<semaphore_mem>>) src(%arg11 : memref<128xf32, #tpu.memory_space<vmem>>) dst(%dma_wait3A_276 : memref<10112xf32, #tpu.memory_space<vmem_shared>>)
      %dma_start3A_277 = arith.constant 2 : i32
      %dma_start3A_278 = arith.constant 0 : i32
      %dma_start3A_279 = tpu.memref_slice %arg7[%dma_start3A_277, %dma_start3A_278] : memref<40x128xi32, #tpu.memory_space<vmem>> -> memref<1x128xi32, #tpu.memory_space<vmem>>
      %dma_start3A_280 = tpu.memref_squeeze %dma_start3A_279 : memref<1x128xi32, #tpu.memory_space<vmem>> -> memref<128xi32, #tpu.memory_space<vmem>>
      %dma_start3A_281 = arith.constant 0 : i32
      %dma_start3A_282 = arith.constant 0 : i32
      %dma_start3A_283 = tpu.memref_slice %arg2[%dma_start3A_281, %dma_start3A_282] : memref<10000x128xf32, #tpu.memory_space<hbm>> -> memref<10000x128xf32, #tpu.memory_space<hbm>>
      tpu.enqueue_indirect_dma source(%dma_start3A_283 : memref<10000x128xf32, #tpu.memory_space<hbm>>) target(%arg9 : memref<128x128xf32, #tpu.memory_space<vmem>>) offsets(%dma_start3A_280 : memref<128xi32, #tpu.memory_space<vmem>>) semaphore(%arg15 : memref<!tpu.dma_semaphore, #tpu.memory_space<semaphore_mem>>)
      %dma_start3A_284 = arith.constant 1 : i32
      %dma_start3A_285 = arith.constant 0 : i32
      %dma_start3A_286 = tpu.memref_slice %arg8[%dma_start3A_284, %dma_start3A_285] : memref<40x128xi32, #tpu.memory_space<vmem>> -> memref<1x128xi32, #tpu.memory_space<vmem>>
      %dma_start3A_287 = tpu.memref_squeeze %dma_start3A_286 : memref<1x128xi32, #tpu.memory_space<vmem>> -> memref<128xi32, #tpu.memory_space<vmem>>
      %dma_start3A_288 = arith.constant 0 : i32
      %dma_start3A_289 = arith.constant 0 : i32
      %dma_start3A_290 = tpu.memref_slice %arg13[%dma_start3A_288, %dma_start3A_289] : memref<10112x128xf32, #tpu.memory_space<vmem_shared>> -> memref<10112x128xf32, #tpu.memory_space<vmem_shared>>
      tpu.enqueue_indirect_dma source(%arg10 : memref<128x128xf32, #tpu.memory_space<vmem>>) target(%dma_start3A_290 : memref<10112x128xf32, #tpu.memory_space<vmem_shared>>) offsets(%dma_start3A_287 : memref<128xi32, #tpu.memory_space<vmem>>) semaphore(%arg18 : memref<!tpu.dma_semaphore, #tpu.memory_space<semaphore_mem>>) {add = true}
      %dma_start3A_291 = arith.constant 1 : i32
      %dma_start3A_292 = arith.constant 0 : i32
      %dma_start3A_293 = tpu.memref_slice %arg8[%dma_start3A_291, %dma_start3A_292] : memref<40x128xi32, #tpu.memory_space<vmem>> -> memref<1x128xi32, #tpu.memory_space<vmem>>
      %dma_start3A_294 = tpu.memref_squeeze %dma_start3A_293 : memref<1x128xi32, #tpu.memory_space<vmem>> -> memref<128xi32, #tpu.memory_space<vmem>>
      %dma_start3A_295 = arith.constant 0 : i32
      %dma_start3A_296 = tpu.memref_slice %arg14[%dma_start3A_295] : memref<10112xf32, #tpu.memory_space<vmem_shared>> -> memref<10112xf32, #tpu.memory_space<vmem_shared>>
      tpu.enqueue_indirect_dma source(%arg11 : memref<128xf32, #tpu.memory_space<vmem>>) target(%dma_start3A_296 : memref<10112xf32, #tpu.memory_space<vmem_shared>>) offsets(%dma_start3A_294 : memref<128xi32, #tpu.memory_space<vmem>>) semaphore(%arg20 : memref<!tpu.dma_semaphore, #tpu.memory_space<semaphore_mem>>) {add = true}
      %scan3A_297 = arith.constant 0 : i32
      %scan3A_298 = arith.constant 1 : i32
      %scan3A_299 = arith.constant 19 : i32
      %scan3A_300 = arith.addi %scan3A_298, %scan3A_299 : i32
      %scan3A_301 = arith.constant 1 : i32
      scf.for %scan3A_427 = %scan3A_298 to %scan3A_300 step %scan3A_301  : i32 {
        %mul3A_428 = arith.constant 2 : i32
        %mul3A_429 = arith.muli %mul3A_428, %scan3A_427 : i32
        %mul3A_430 = arith.constant 2 : i32
        %mul3A_431 = arith.muli %mul3A_430, %scan3A_427 : i32
        %add3A_432 = arith.constant 1 : i32
        %add3A_433 = arith.addi %mul3A_431, %add3A_432 : i32
        %dma_wait3A_434 = arith.constant 0 : i32
        %dma_wait3A_435 = arith.constant 0 : i32
        %dma_wait3A_436 = tpu.memref_slice %arg7[%dma_wait3A_434, %dma_wait3A_435] : memref<40x128xi32, #tpu.memory_space<vmem>> -> memref<1x128xi32, #tpu.memory_space<vmem>>
        %dma_wait3A_437 = tpu.memref_squeeze %dma_wait3A_436 : memref<1x128xi32, #tpu.memory_space<vmem>> -> memref<128xi32, #tpu.memory_space<vmem>>
        %dma_wait3A_438 = arith.constant 0 : i32
        %dma_wait3A_439 = arith.constant 0 : i32
        %dma_wait3A_440 = tpu.memref_slice %arg2[%dma_wait3A_438, %dma_wait3A_439] : memref<10000x128xf32, #tpu.memory_space<hbm>> -> memref<10000x128xf32, #tpu.memory_space<hbm>>
        tpu.wait_indirect_dma semaphore(%arg15 : memref<!tpu.dma_semaphore, #tpu.memory_space<semaphore_mem>>) src(%dma_wait3A_440 : memref<10000x128xf32, #tpu.memory_space<hbm>>) dst(%arg9 : memref<128x128xf32, #tpu.memory_space<vmem>>)
        %dma_wait3A_441 = arith.constant 0 : i32
        %dma_wait3A_442 = arith.constant 0 : i32
        %dma_wait3A_443 = tpu.memref_slice %arg8[%dma_wait3A_441, %dma_wait3A_442] : memref<40x128xi32, #tpu.memory_space<vmem>> -> memref<1x128xi32, #tpu.memory_space<vmem>>
        %dma_wait3A_444 = tpu.memref_squeeze %dma_wait3A_443 : memref<1x128xi32, #tpu.memory_space<vmem>> -> memref<128xi32, #tpu.memory_space<vmem>>
        %dma_wait3A_445 = arith.constant 0 : i32
        %dma_wait3A_446 = arith.constant 0 : i32
        %dma_wait3A_447 = tpu.memref_slice %arg13[%dma_wait3A_445, %dma_wait3A_446] : memref<10112x128xf32, #tpu.memory_space<vmem_shared>> -> memref<10112x128xf32, #tpu.memory_space<vmem_shared>>
        tpu.wait_indirect_dma semaphore(%arg18 : memref<!tpu.dma_semaphore, #tpu.memory_space<semaphore_mem>>) src(%arg10 : memref<128x128xf32, #tpu.memory_space<vmem>>) dst(%dma_wait3A_447 : memref<10112x128xf32, #tpu.memory_space<vmem_shared>>)
        %dma_wait3A_448 = arith.constant 0 : i32
        %dma_wait3A_449 = arith.constant 0 : i32
        %dma_wait3A_450 = tpu.memref_slice %arg8[%dma_wait3A_448, %dma_wait3A_449] : memref<40x128xi32, #tpu.memory_space<vmem>> -> memref<1x128xi32, #tpu.memory_space<vmem>>
        %dma_wait3A_451 = tpu.memref_squeeze %dma_wait3A_450 : memref<1x128xi32, #tpu.memory_space<vmem>> -> memref<128xi32, #tpu.memory_space<vmem>>
        %dma_wait3A_452 = arith.constant 0 : i32
        %dma_wait3A_453 = tpu.memref_slice %arg14[%dma_wait3A_452] : memref<10112xf32, #tpu.memory_space<vmem_shared>> -> memref<10112xf32, #tpu.memory_space<vmem_shared>>
        tpu.wait_indirect_dma semaphore(%arg20 : memref<!tpu.dma_semaphore, #tpu.memory_space<semaphore_mem>>) src(%arg11 : memref<128xf32, #tpu.memory_space<vmem>>) dst(%dma_wait3A_453 : memref<10112xf32, #tpu.memory_space<vmem_shared>>)
        %dma_start3A_454 = arith.constant 0 : i32
        %dma_start3A_455 = tpu.memref_slice %arg7[%add3A_433, %dma_start3A_454] : memref<40x128xi32, #tpu.memory_space<vmem>> -> memref<1x128xi32, #tpu.memory_space<vmem>>
        %dma_start3A_456 = tpu.memref_squeeze %dma_start3A_455 : memref<1x128xi32, #tpu.memory_space<vmem>> -> memref<128xi32, #tpu.memory_space<vmem>>
        %dma_start3A_457 = arith.constant 0 : i32
        %dma_start3A_458 = arith.constant 0 : i32
        %dma_start3A_459 = tpu.memref_slice %arg2[%dma_start3A_457, %dma_start3A_458] : memref<10000x128xf32, #tpu.memory_space<hbm>> -> memref<10000x128xf32, #tpu.memory_space<hbm>>
        tpu.enqueue_indirect_dma source(%dma_start3A_459 : memref<10000x128xf32, #tpu.memory_space<hbm>>) target(%arg10 : memref<128x128xf32, #tpu.memory_space<vmem>>) offsets(%dma_start3A_456 : memref<128xi32, #tpu.memory_space<vmem>>) semaphore(%arg16 : memref<!tpu.dma_semaphore, #tpu.memory_space<semaphore_mem>>)
        %dma_start3A_460 = arith.constant 0 : i32
        %dma_start3A_461 = tpu.memref_slice %arg8[%mul3A_429, %dma_start3A_460] : memref<40x128xi32, #tpu.memory_space<vmem>> -> memref<1x128xi32, #tpu.memory_space<vmem>>
        %dma_start3A_462 = tpu.memref_squeeze %dma_start3A_461 : memref<1x128xi32, #tpu.memory_space<vmem>> -> memref<128xi32, #tpu.memory_space<vmem>>
        %dma_start3A_463 = arith.constant 0 : i32
        %dma_start3A_464 = arith.constant 0 : i32
        %dma_start3A_465 = tpu.memref_slice %arg13[%dma_start3A_463, %dma_start3A_464] : memref<10112x128xf32, #tpu.memory_space<vmem_shared>> -> memref<10112x128xf32, #tpu.memory_space<vmem_shared>>
        tpu.enqueue_indirect_dma source(%arg9 : memref<128x128xf32, #tpu.memory_space<vmem>>) target(%dma_start3A_465 : memref<10112x128xf32, #tpu.memory_space<vmem_shared>>) offsets(%dma_start3A_462 : memref<128xi32, #tpu.memory_space<vmem>>) semaphore(%arg17 : memref<!tpu.dma_semaphore, #tpu.memory_space<semaphore_mem>>) {add = true}
        %dma_start3A_466 = arith.constant 0 : i32
        %dma_start3A_467 = tpu.memref_slice %arg8[%mul3A_429, %dma_start3A_466] : memref<40x128xi32, #tpu.memory_space<vmem>> -> memref<1x128xi32, #tpu.memory_space<vmem>>
        %dma_start3A_468 = tpu.memref_squeeze %dma_start3A_467 : memref<1x128xi32, #tpu.memory_space<vmem>> -> memref<128xi32, #tpu.memory_space<vmem>>
        %dma_start3A_469 = arith.constant 0 : i32
        %dma_start3A_470 = tpu.memref_slice %arg14[%dma_start3A_469] : memref<10112xf32, #tpu.memory_space<vmem_shared>> -> memref<10112xf32, #tpu.memory_space<vmem_shared>>
        tpu.enqueue_indirect_dma source(%arg11 : memref<128xf32, #tpu.memory_space<vmem>>) target(%dma_start3A_470 : memref<10112xf32, #tpu.memory_space<vmem_shared>>) offsets(%dma_start3A_468 : memref<128xi32, #tpu.memory_space<vmem>>) semaphore(%arg19 : memref<!tpu.dma_semaphore, #tpu.memory_space<semaphore_mem>>) {add = true}
        %dma_wait3A_471 = arith.constant 0 : i32
        %dma_wait3A_472 = arith.constant 0 : i32
        %dma_wait3A_473 = tpu.memref_slice %arg7[%dma_wait3A_471, %dma_wait3A_472] : memref<40x128xi32, #tpu.memory_space<vmem>> -> memref<1x128xi32, #tpu.memory_space<vmem>>
        %dma_wait3A_474 = tpu.memref_squeeze %dma_wait3A_473 : memref<1x128xi32, #tpu.memory_space<vmem>> -> memref<128xi32, #tpu.memory_space<vmem>>
        %dma_wait3A_475 = arith.constant 0 : i32
        %dma_wait3A_476 = arith.constant 0 : i32
        %dma_wait3A_477 = tpu.memref_slice %arg2[%dma_wait3A_475, %dma_wait3A_476] : memref<10000x128xf32, #tpu.memory_space<hbm>> -> memref<10000x128xf32, #tpu.memory_space<hbm>>
        tpu.wait_indirect_dma semaphore(%arg16 : memref<!tpu.dma_semaphore, #tpu.memory_space<semaphore_mem>>) src(%dma_wait3A_477 : memref<10000x128xf32, #tpu.memory_space<hbm>>) dst(%arg10 : memref<128x128xf32, #tpu.memory_space<vmem>>)
        %dma_wait3A_478 = arith.constant 0 : i32
        %dma_wait3A_479 = arith.constant 0 : i32
        %dma_wait3A_480 = tpu.memref_slice %arg8[%dma_wait3A_478, %dma_wait3A_479] : memref<40x128xi32, #tpu.memory_space<vmem>> -> memref<1x128xi32, #tpu.memory_space<vmem>>
        %dma_wait3A_481 = tpu.memref_squeeze %dma_wait3A_480 : memref<1x128xi32, #tpu.memory_space<vmem>> -> memref<128xi32, #tpu.memory_space<vmem>>
        %dma_wait3A_482 = arith.constant 0 : i32
        %dma_wait3A_483 = arith.constant 0 : i32
        %dma_wait3A_484 = tpu.memref_slice %arg13[%dma_wait3A_482, %dma_wait3A_483] : memref<10112x128xf32, #tpu.memory_space<vmem_shared>> -> memref<10112x128xf32, #tpu.memory_space<vmem_shared>>
        tpu.wait_indirect_dma semaphore(%arg17 : memref<!tpu.dma_semaphore, #tpu.memory_space<semaphore_mem>>) src(%arg9 : memref<128x128xf32, #tpu.memory_space<vmem>>) dst(%dma_wait3A_484 : memref<10112x128xf32, #tpu.memory_space<vmem_shared>>)
        %dma_wait3A_485 = arith.constant 0 : i32
        %dma_wait3A_486 = arith.constant 0 : i32
        %dma_wait3A_487 = tpu.memref_slice %arg8[%dma_wait3A_485, %dma_wait3A_486] : memref<40x128xi32, #tpu.memory_space<vmem>> -> memref<1x128xi32, #tpu.memory_space<vmem>>
        %dma_wait3A_488 = tpu.memref_squeeze %dma_wait3A_487 : memref<1x128xi32, #tpu.memory_space<vmem>> -> memref<128xi32, #tpu.memory_space<vmem>>
        %dma_wait3A_489 = arith.constant 0 : i32
        %dma_wait3A_490 = tpu.memref_slice %arg14[%dma_wait3A_489] : memref<10112xf32, #tpu.memory_space<vmem_shared>> -> memref<10112xf32, #tpu.memory_space<vmem_shared>>
        tpu.wait_indirect_dma semaphore(%arg19 : memref<!tpu.dma_semaphore, #tpu.memory_space<semaphore_mem>>) src(%arg11 : memref<128xf32, #tpu.memory_space<vmem>>) dst(%dma_wait3A_490 : memref<10112xf32, #tpu.memory_space<vmem_shared>>)
        %add3A_491 = arith.constant 1 : i32
        %add3A_492 = arith.addi %add3A_433, %add3A_491 : i32
        %lt3A = arith.constant 40 : i32
        %lt3A_493 = arith.cmpi slt, %add3A_492, %lt3A : i32
        %add3A_494 = arith.constant 1 : i32
        %add3A_495 = arith.addi %add3A_433, %add3A_494 : i32
        %jit3A = arith.constant 0 : i32
        %select_n3A = arith.select %lt3A_493, %add3A_495, %jit3A : i32
        %dma_start3A_496 = arith.constant 0 : i32
        %dma_start3A_497 = tpu.memref_slice %arg7[%select_n3A, %dma_start3A_496] : memref<40x128xi32, #tpu.memory_space<vmem>> -> memref<1x128xi32, #tpu.memory_space<vmem>>
        %dma_start3A_498 = tpu.memref_squeeze %dma_start3A_497 : memref<1x128xi32, #tpu.memory_space<vmem>> -> memref<128xi32, #tpu.memory_space<vmem>>
        %dma_start3A_499 = arith.constant 0 : i32
        %dma_start3A_500 = arith.constant 0 : i32
        %dma_start3A_501 = tpu.memref_slice %arg2[%dma_start3A_499, %dma_start3A_500] : memref<10000x128xf32, #tpu.memory_space<hbm>> -> memref<10000x128xf32, #tpu.memory_space<hbm>>
        tpu.enqueue_indirect_dma source(%dma_start3A_501 : memref<10000x128xf32, #tpu.memory_space<hbm>>) target(%arg9 : memref<128x128xf32, #tpu.memory_space<vmem>>) offsets(%dma_start3A_498 : memref<128xi32, #tpu.memory_space<vmem>>) semaphore(%arg15 : memref<!tpu.dma_semaphore, #tpu.memory_space<semaphore_mem>>)
        %dma_start3A_502 = arith.constant 0 : i32
        %dma_start3A_503 = tpu.memref_slice %arg8[%add3A_433, %dma_start3A_502] : memref<40x128xi32, #tpu.memory_space<vmem>> -> memref<1x128xi32, #tpu.memory_space<vmem>>
        %dma_start3A_504 = tpu.memref_squeeze %dma_start3A_503 : memref<1x128xi32, #tpu.memory_space<vmem>> -> memref<128xi32, #tpu.memory_space<vmem>>
        %dma_start3A_505 = arith.constant 0 : i32
        %dma_start3A_506 = arith.constant 0 : i32
        %dma_start3A_507 = tpu.memref_slice %arg13[%dma_start3A_505, %dma_start3A_506] : memref<10112x128xf32, #tpu.memory_space<vmem_shared>> -> memref<10112x128xf32, #tpu.memory_space<vmem_shared>>
        tpu.enqueue_indirect_dma source(%arg10 : memref<128x128xf32, #tpu.memory_space<vmem>>) target(%dma_start3A_507 : memref<10112x128xf32, #tpu.memory_space<vmem_shared>>) offsets(%dma_start3A_504 : memref<128xi32, #tpu.memory_space<vmem>>) semaphore(%arg18 : memref<!tpu.dma_semaphore, #tpu.memory_space<semaphore_mem>>) {add = true}
        %dma_start3A_508 = arith.constant 0 : i32
        %dma_start3A_509 = tpu.memref_slice %arg8[%add3A_433, %dma_start3A_508] : memref<40x128xi32, #tpu.memory_space<vmem>> -> memref<1x128xi32, #tpu.memory_space<vmem>>
        %dma_start3A_510 = tpu.memref_squeeze %dma_start3A_509 : memref<1x128xi32, #tpu.memory_space<vmem>> -> memref<128xi32, #tpu.memory_space<vmem>>
        %dma_start3A_511 = arith.constant 0 : i32
        %dma_start3A_512 = tpu.memref_slice %arg14[%dma_start3A_511] : memref<10112xf32, #tpu.memory_space<vmem_shared>> -> memref<10112xf32, #tpu.memory_space<vmem_shared>>
        tpu.enqueue_indirect_dma source(%arg11 : memref<128xf32, #tpu.memory_space<vmem>>) target(%dma_start3A_512 : memref<10112xf32, #tpu.memory_space<vmem_shared>>) offsets(%dma_start3A_510 : memref<128xi32, #tpu.memory_space<vmem>>) semaphore(%arg20 : memref<!tpu.dma_semaphore, #tpu.memory_space<semaphore_mem>>) {add = true}
      }
      %scan3A_302 = arith.constant 19 : i32
      %dma_wait3A_303 = arith.constant 0 : i32
      %dma_wait3A_304 = arith.constant 0 : i32
      %dma_wait3A_305 = tpu.memref_slice %arg7[%dma_wait3A_303, %dma_wait3A_304] : memref<40x128xi32, #tpu.memory_space<vmem>> -> memref<1x128xi32, #tpu.memory_space<vmem>>
      %dma_wait3A_306 = tpu.memref_squeeze %dma_wait3A_305 : memref<1x128xi32, #tpu.memory_space<vmem>> -> memref<128xi32, #tpu.memory_space<vmem>>
      %dma_wait3A_307 = arith.constant 0 : i32
      %dma_wait3A_308 = arith.constant 0 : i32
      %dma_wait3A_309 = tpu.memref_slice %arg2[%dma_wait3A_307, %dma_wait3A_308] : memref<10000x128xf32, #tpu.memory_space<hbm>> -> memref<10000x128xf32, #tpu.memory_space<hbm>>
      tpu.wait_indirect_dma semaphore(%arg15 : memref<!tpu.dma_semaphore, #tpu.memory_space<semaphore_mem>>) src(%dma_wait3A_309 : memref<10000x128xf32, #tpu.memory_space<hbm>>) dst(%arg9 : memref<128x128xf32, #tpu.memory_space<vmem>>)
      %dma_wait3A_310 = arith.constant 0 : i32
      %dma_wait3A_311 = arith.constant 0 : i32
      %dma_wait3A_312 = tpu.memref_slice %arg8[%dma_wait3A_310, %dma_wait3A_311] : memref<40x128xi32, #tpu.memory_space<vmem>> -> memref<1x128xi32, #tpu.memory_space<vmem>>
      %dma_wait3A_313 = tpu.memref_squeeze %dma_wait3A_312 : memref<1x128xi32, #tpu.memory_space<vmem>> -> memref<128xi32, #tpu.memory_space<vmem>>
      %dma_wait3A_314 = arith.constant 0 : i32
      %dma_wait3A_315 = arith.constant 0 : i32
      %dma_wait3A_316 = tpu.memref_slice %arg13[%dma_wait3A_314, %dma_wait3A_315] : memref<10112x128xf32, #tpu.memory_space<vmem_shared>> -> memref<10112x128xf32, #tpu.memory_space<vmem_shared>>
      tpu.wait_indirect_dma semaphore(%arg18 : memref<!tpu.dma_semaphore, #tpu.memory_space<semaphore_mem>>) src(%arg10 : memref<128x128xf32, #tpu.memory_space<vmem>>) dst(%dma_wait3A_316 : memref<10112x128xf32, #tpu.memory_space<vmem_shared>>)
      %dma_wait3A_317 = arith.constant 0 : i32
      %dma_wait3A_318 = arith.constant 0 : i32
      %dma_wait3A_319 = tpu.memref_slice %arg8[%dma_wait3A_317, %dma_wait3A_318] : memref<40x128xi32, #tpu.memory_space<vmem>> -> memref<1x128xi32, #tpu.memory_space<vmem>>
      %dma_wait3A_320 = tpu.memref_squeeze %dma_wait3A_319 : memref<1x128xi32, #tpu.memory_space<vmem>> -> memref<128xi32, #tpu.memory_space<vmem>>
      %dma_wait3A_321 = arith.constant 0 : i32
      %dma_wait3A_322 = tpu.memref_slice %arg14[%dma_wait3A_321] : memref<10112xf32, #tpu.memory_space<vmem_shared>> -> memref<10112xf32, #tpu.memory_space<vmem_shared>>
      tpu.wait_indirect_dma semaphore(%arg20 : memref<!tpu.dma_semaphore, #tpu.memory_space<semaphore_mem>>) src(%arg11 : memref<128xf32, #tpu.memory_space<vmem>>) dst(%dma_wait3A_322 : memref<10112xf32, #tpu.memory_space<vmem_shared>>)
      %mul3A_323 = arith.constant 80 : i32
      %mul3A_324 = arith.muli %arg1, %mul3A_323 : i32
      %add3A_325 = arith.constant 40 : i32
      %add3A_326 = arith.addi %mul3A_324, %add3A_325 : i32
      "tpu.region"() ({
        %run_scoped3A = tpu.sem_alloc : memref<!tpu.dma_semaphore, #tpu.memory_space<semaphore_mem>>
        %dma_start3A_427 = arith.constant 0 : i32
        %dma_start3A_428 = tpu.memref_slice %arg3[%add3A_326, %dma_start3A_427] : memref<2560x128xi32, #tpu.memory_space<hbm>> -> memref<40x128xi32, #tpu.memory_space<hbm>>
        %dma_start3A_429 = arith.constant 0 : i32
        %dma_start3A_430 = tpu.memref_slice %arg3[%add3A_326, %dma_start3A_429] : memref<2560x128xi32, #tpu.memory_space<hbm>> -> memref<40x128xi32, #tpu.memory_space<hbm>>
        tpu.enqueue_dma source(%dma_start3A_430 : memref<40x128xi32, #tpu.memory_space<hbm>>) target(%arg7 : memref<40x128xi32, #tpu.memory_space<vmem>>) target_semaphore(%run_scoped3A : memref<!tpu.dma_semaphore, #tpu.memory_space<semaphore_mem>>)
        %dma_wait3A_431 = arith.constant 0 : i32
        %dma_wait3A_432 = tpu.memref_slice %arg3[%add3A_326, %dma_wait3A_431] : memref<2560x128xi32, #tpu.memory_space<hbm>> -> memref<40x128xi32, #tpu.memory_space<hbm>>
        %dma_wait3A_433 = arith.constant 0 : i32
        %dma_wait3A_434 = tpu.memref_slice %arg3[%add3A_326, %dma_wait3A_433] : memref<2560x128xi32, #tpu.memory_space<hbm>> -> memref<40x128xi32, #tpu.memory_space<hbm>>
        tpu.wait_dma2 semaphore(%run_scoped3A : memref<!tpu.dma_semaphore, #tpu.memory_space<semaphore_mem>>) src(%dma_wait3A_434 : memref<40x128xi32, #tpu.memory_space<hbm>>) dst(%arg7 : memref<40x128xi32, #tpu.memory_space<vmem>>)
        tpu.yield
      }) : () -> ()
      "tpu.region"() ({
        %run_scoped3A = tpu.sem_alloc : memref<!tpu.dma_semaphore, #tpu.memory_space<semaphore_mem>>
        %dma_start3A_427 = arith.constant 0 : i32
        %dma_start3A_428 = tpu.memref_slice %arg4[%add3A_326, %dma_start3A_427] : memref<2560x128xi32, #tpu.memory_space<hbm>> -> memref<40x128xi32, #tpu.memory_space<hbm>>
        %dma_start3A_429 = arith.constant 0 : i32
        %dma_start3A_430 = tpu.memref_slice %arg4[%add3A_326, %dma_start3A_429] : memref<2560x128xi32, #tpu.memory_space<hbm>> -> memref<40x128xi32, #tpu.memory_space<hbm>>
        tpu.enqueue_dma source(%dma_start3A_430 : memref<40x128xi32, #tpu.memory_space<hbm>>) target(%arg8 : memref<40x128xi32, #tpu.memory_space<vmem>>) target_semaphore(%run_scoped3A : memref<!tpu.dma_semaphore, #tpu.memory_space<semaphore_mem>>)
        %dma_wait3A_431 = arith.constant 0 : i32
        %dma_wait3A_432 = tpu.memref_slice %arg4[%add3A_326, %dma_wait3A_431] : memref<2560x128xi32, #tpu.memory_space<hbm>> -> memref<40x128xi32, #tpu.memory_space<hbm>>
        %dma_wait3A_433 = arith.constant 0 : i32
        %dma_wait3A_434 = tpu.memref_slice %arg4[%add3A_326, %dma_wait3A_433] : memref<2560x128xi32, #tpu.memory_space<hbm>> -> memref<40x128xi32, #tpu.memory_space<hbm>>
        tpu.wait_dma2 semaphore(%run_scoped3A : memref<!tpu.dma_semaphore, #tpu.memory_space<semaphore_mem>>) src(%dma_wait3A_434 : memref<40x128xi32, #tpu.memory_space<hbm>>) dst(%arg8 : memref<40x128xi32, #tpu.memory_space<vmem>>)
        tpu.yield
      }) : () -> ()
      %dma_start3A_327 = arith.constant 0 : i32
      %dma_start3A_328 = arith.constant 0 : i32
      %dma_start3A_329 = tpu.memref_slice %arg7[%dma_start3A_327, %dma_start3A_328] : memref<40x128xi32, #tpu.memory_space<vmem>> -> memref<1x128xi32, #tpu.memory_space<vmem>>
      %dma_start3A_330 = tpu.memref_squeeze %dma_start3A_329 : memref<1x128xi32, #tpu.memory_space<vmem>> -> memref<128xi32, #tpu.memory_space<vmem>>
      %dma_start3A_331 = arith.constant 0 : i32
      %dma_start3A_332 = arith.constant 0 : i32
      %dma_start3A_333 = tpu.memref_slice %arg2[%dma_start3A_331, %dma_start3A_332] : memref<10000x128xf32, #tpu.memory_space<hbm>> -> memref<10000x128xf32, #tpu.memory_space<hbm>>
      tpu.enqueue_indirect_dma source(%dma_start3A_333 : memref<10000x128xf32, #tpu.memory_space<hbm>>) target(%arg9 : memref<128x128xf32, #tpu.memory_space<vmem>>) offsets(%dma_start3A_330 : memref<128xi32, #tpu.memory_space<vmem>>) semaphore(%arg15 : memref<!tpu.dma_semaphore, #tpu.memory_space<semaphore_mem>>)
      %dma_wait3A_334 = arith.constant 0 : i32
      %dma_wait3A_335 = arith.constant 0 : i32
      %dma_wait3A_336 = tpu.memref_slice %arg7[%dma_wait3A_334, %dma_wait3A_335] : memref<40x128xi32, #tpu.memory_space<vmem>> -> memref<1x128xi32, #tpu.memory_space<vmem>>
      %dma_wait3A_337 = tpu.memref_squeeze %dma_wait3A_336 : memref<1x128xi32, #tpu.memory_space<vmem>> -> memref<128xi32, #tpu.memory_space<vmem>>
      %dma_wait3A_338 = arith.constant 0 : i32
      %dma_wait3A_339 = arith.constant 0 : i32
      %dma_wait3A_340 = tpu.memref_slice %arg2[%dma_wait3A_338, %dma_wait3A_339] : memref<10000x128xf32, #tpu.memory_space<hbm>> -> memref<10000x128xf32, #tpu.memory_space<hbm>>
      tpu.wait_indirect_dma semaphore(%arg15 : memref<!tpu.dma_semaphore, #tpu.memory_space<semaphore_mem>>) src(%dma_wait3A_340 : memref<10000x128xf32, #tpu.memory_space<hbm>>) dst(%arg9 : memref<128x128xf32, #tpu.memory_space<vmem>>)
      %dma_start3A_341 = arith.constant 1 : i32
      %dma_start3A_342 = arith.constant 0 : i32
      %dma_start3A_343 = tpu.memref_slice %arg7[%dma_start3A_341, %dma_start3A_342] : memref<40x128xi32, #tpu.memory_space<vmem>> -> memref<1x128xi32, #tpu.memory_space<vmem>>
      %dma_start3A_344 = tpu.memref_squeeze %dma_start3A_343 : memref<1x128xi32, #tpu.memory_space<vmem>> -> memref<128xi32, #tpu.memory_space<vmem>>
      %dma_start3A_345 = arith.constant 0 : i32
      %dma_start3A_346 = arith.constant 0 : i32
      %dma_start3A_347 = tpu.memref_slice %arg2[%dma_start3A_345, %dma_start3A_346] : memref<10000x128xf32, #tpu.memory_space<hbm>> -> memref<10000x128xf32, #tpu.memory_space<hbm>>
      tpu.enqueue_indirect_dma source(%dma_start3A_347 : memref<10000x128xf32, #tpu.memory_space<hbm>>) target(%arg10 : memref<128x128xf32, #tpu.memory_space<vmem>>) offsets(%dma_start3A_344 : memref<128xi32, #tpu.memory_space<vmem>>) semaphore(%arg16 : memref<!tpu.dma_semaphore, #tpu.memory_space<semaphore_mem>>)
      %dma_start3A_348 = arith.constant 0 : i32
      %dma_start3A_349 = arith.constant 0 : i32
      %dma_start3A_350 = tpu.memref_slice %arg8[%dma_start3A_348, %dma_start3A_349] : memref<40x128xi32, #tpu.memory_space<vmem>> -> memref<1x128xi32, #tpu.memory_space<vmem>>
      %dma_start3A_351 = tpu.memref_squeeze %dma_start3A_350 : memref<1x128xi32, #tpu.memory_space<vmem>> -> memref<128xi32, #tpu.memory_space<vmem>>
      %dma_start3A_352 = arith.constant 0 : i32
      %dma_start3A_353 = arith.constant 0 : i32
      %dma_start3A_354 = tpu.memref_slice %arg13[%dma_start3A_352, %dma_start3A_353] : memref<10112x128xf32, #tpu.memory_space<vmem_shared>> -> memref<10112x128xf32, #tpu.memory_space<vmem_shared>>
      tpu.enqueue_indirect_dma source(%arg9 : memref<128x128xf32, #tpu.memory_space<vmem>>) target(%dma_start3A_354 : memref<10112x128xf32, #tpu.memory_space<vmem_shared>>) offsets(%dma_start3A_351 : memref<128xi32, #tpu.memory_space<vmem>>) semaphore(%arg17 : memref<!tpu.dma_semaphore, #tpu.memory_space<semaphore_mem>>) {add = true}
      %dma_start3A_355 = arith.constant 0 : i32
      %dma_start3A_356 = arith.constant 0 : i32
      %dma_start3A_357 = tpu.memref_slice %arg8[%dma_start3A_355, %dma_start3A_356] : memref<40x128xi32, #tpu.memory_space<vmem>> -> memref<1x128xi32, #tpu.memory_space<vmem>>
      %dma_start3A_358 = tpu.memref_squeeze %dma_start3A_357 : memref<1x128xi32, #tpu.memory_space<vmem>> -> memref<128xi32, #tpu.memory_space<vmem>>
      %dma_start3A_359 = arith.constant 0 : i32
      %dma_start3A_360 = tpu.memref_slice %arg14[%dma_start3A_359] : memref<10112xf32, #tpu.memory_space<vmem_shared>> -> memref<10112xf32, #tpu.memory_space<vmem_shared>>
      tpu.enqueue_indirect_dma source(%arg11 : memref<128xf32, #tpu.memory_space<vmem>>) target(%dma_start3A_360 : memref<10112xf32, #tpu.memory_space<vmem_shared>>) offsets(%dma_start3A_358 : memref<128xi32, #tpu.memory_space<vmem>>) semaphore(%arg19 : memref<!tpu.dma_semaphore, #tpu.memory_space<semaphore_mem>>) {add = true}
      %dma_wait3A_361 = arith.constant 0 : i32
      %dma_wait3A_362 = arith.constant 0 : i32
      %dma_wait3A_363 = tpu.memref_slice %arg7[%dma_wait3A_361, %dma_wait3A_362] : memref<40x128xi32, #tpu.memory_space<vmem>> -> memref<1x128xi32, #tpu.memory_space<vmem>>
      %dma_wait3A_364 = tpu.memref_squeeze %dma_wait3A_363 : memref<1x128xi32, #tpu.memory_space<vmem>> -> memref<128xi32, #tpu.memory_space<vmem>>
      %dma_wait3A_365 = arith.constant 0 : i32
      %dma_wait3A_366 = arith.constant 0 : i32
      %dma_wait3A_367 = tpu.memref_slice %arg2[%dma_wait3A_365, %dma_wait3A_366] : memref<10000x128xf32, #tpu.memory_space<hbm>> -> memref<10000x128xf32, #tpu.memory_space<hbm>>
      tpu.wait_indirect_dma semaphore(%arg16 : memref<!tpu.dma_semaphore, #tpu.memory_space<semaphore_mem>>) src(%dma_wait3A_367 : memref<10000x128xf32, #tpu.memory_space<hbm>>) dst(%arg10 : memref<128x128xf32, #tpu.memory_space<vmem>>)
      %dma_wait3A_368 = arith.constant 0 : i32
      %dma_wait3A_369 = arith.constant 0 : i32
      %dma_wait3A_370 = tpu.memref_slice %arg8[%dma_wait3A_368, %dma_wait3A_369] : memref<40x128xi32, #tpu.memory_space<vmem>> -> memref<1x128xi32, #tpu.memory_space<vmem>>
      %dma_wait3A_371 = tpu.memref_squeeze %dma_wait3A_370 : memref<1x128xi32, #tpu.memory_space<vmem>> -> memref<128xi32, #tpu.memory_space<vmem>>
      %dma_wait3A_372 = arith.constant 0 : i32
      %dma_wait3A_373 = arith.constant 0 : i32
      %dma_wait3A_374 = tpu.memref_slice %arg13[%dma_wait3A_372, %dma_wait3A_373] : memref<10112x128xf32, #tpu.memory_space<vmem_shared>> -> memref<10112x128xf32, #tpu.memory_space<vmem_shared>>
      tpu.wait_indirect_dma semaphore(%arg17 : memref<!tpu.dma_semaphore, #tpu.memory_space<semaphore_mem>>) src(%arg9 : memref<128x128xf32, #tpu.memory_space<vmem>>) dst(%dma_wait3A_374 : memref<10112x128xf32, #tpu.memory_space<vmem_shared>>)
      %dma_wait3A_375 = arith.constant 0 : i32
      %dma_wait3A_376 = arith.constant 0 : i32
      %dma_wait3A_377 = tpu.memref_slice %arg8[%dma_wait3A_375, %dma_wait3A_376] : memref<40x128xi32, #tpu.memory_space<vmem>> -> memref<1x128xi32, #tpu.memory_space<vmem>>
      %dma_wait3A_378 = tpu.memref_squeeze %dma_wait3A_377 : memref<1x128xi32, #tpu.memory_space<vmem>> -> memref<128xi32, #tpu.memory_space<vmem>>
      %dma_wait3A_379 = arith.constant 0 : i32
      %dma_wait3A_380 = tpu.memref_slice %arg14[%dma_wait3A_379] : memref<10112xf32, #tpu.memory_space<vmem_shared>> -> memref<10112xf32, #tpu.memory_space<vmem_shared>>
      tpu.wait_indirect_dma semaphore(%arg19 : memref<!tpu.dma_semaphore, #tpu.memory_space<semaphore_mem>>) src(%arg11 : memref<128xf32, #tpu.memory_space<vmem>>) dst(%dma_wait3A_380 : memref<10112xf32, #tpu.memory_space<vmem_shared>>)
      %dma_start3A_381 = arith.constant 2 : i32
      %dma_start3A_382 = arith.constant 0 : i32
      %dma_start3A_383 = tpu.memref_slice %arg7[%dma_start3A_381, %dma_start3A_382] : memref<40x128xi32, #tpu.memory_space<vmem>> -> memref<1x128xi32, #tpu.memory_space<vmem>>
      %dma_start3A_384 = tpu.memref_squeeze %dma_start3A_383 : memref<1x128xi32, #tpu.memory_space<vmem>> -> memref<128xi32, #tpu.memory_space<vmem>>
      %dma_start3A_385 = arith.constant 0 : i32
      %dma_start3A_386 = arith.constant 0 : i32
      %dma_start3A_387 = tpu.memref_slice %arg2[%dma_start3A_385, %dma_start3A_386] : memref<10000x128xf32, #tpu.memory_space<hbm>> -> memref<10000x128xf32, #tpu.memory_space<hbm>>
      tpu.enqueue_indirect_dma source(%dma_start3A_387 : memref<10000x128xf32, #tpu.memory_space<hbm>>) target(%arg9 : memref<128x128xf32, #tpu.memory_space<vmem>>) offsets(%dma_start3A_384 : memref<128xi32, #tpu.memory_space<vmem>>) semaphore(%arg15 : memref<!tpu.dma_semaphore, #tpu.memory_space<semaphore_mem>>)
      %dma_start3A_388 = arith.constant 1 : i32
      %dma_start3A_389 = arith.constant 0 : i32
      %dma_start3A_390 = tpu.memref_slice %arg8[%dma_start3A_388, %dma_start3A_389] : memref<40x128xi32, #tpu.memory_space<vmem>> -> memref<1x128xi32, #tpu.memory_space<vmem>>
      %dma_start3A_391 = tpu.memref_squeeze %dma_start3A_390 : memref<1x128xi32, #tpu.memory_space<vmem>> -> memref<128xi32, #tpu.memory_space<vmem>>
      %dma_start3A_392 = arith.constant 0 : i32
      %dma_start3A_393 = arith.constant 0 : i32
      %dma_start3A_394 = tpu.memref_slice %arg13[%dma_start3A_392, %dma_start3A_393] : memref<10112x128xf32, #tpu.memory_space<vmem_shared>> -> memref<10112x128xf32, #tpu.memory_space<vmem_shared>>
      tpu.enqueue_indirect_dma source(%arg10 : memref<128x128xf32, #tpu.memory_space<vmem>>) target(%dma_start3A_394 : memref<10112x128xf32, #tpu.memory_space<vmem_shared>>) offsets(%dma_start3A_391 : memref<128xi32, #tpu.memory_space<vmem>>) semaphore(%arg18 : memref<!tpu.dma_semaphore, #tpu.memory_space<semaphore_mem>>) {add = true}
      %dma_start3A_395 = arith.constant 1 : i32
      %dma_start3A_396 = arith.constant 0 : i32
      %dma_start3A_397 = tpu.memref_slice %arg8[%dma_start3A_395, %dma_start3A_396] : memref<40x128xi32, #tpu.memory_space<vmem>> -> memref<1x128xi32, #tpu.memory_space<vmem>>
      %dma_start3A_398 = tpu.memref_squeeze %dma_start3A_397 : memref<1x128xi32, #tpu.memory_space<vmem>> -> memref<128xi32, #tpu.memory_space<vmem>>
      %dma_start3A_399 = arith.constant 0 : i32
      %dma_start3A_400 = tpu.memref_slice %arg14[%dma_start3A_399] : memref<10112xf32, #tpu.memory_space<vmem_shared>> -> memref<10112xf32, #tpu.memory_space<vmem_shared>>
      tpu.enqueue_indirect_dma source(%arg11 : memref<128xf32, #tpu.memory_space<vmem>>) target(%dma_start3A_400 : memref<10112xf32, #tpu.memory_space<vmem_shared>>) offsets(%dma_start3A_398 : memref<128xi32, #tpu.memory_space<vmem>>) semaphore(%arg20 : memref<!tpu.dma_semaphore, #tpu.memory_space<semaphore_mem>>) {add = true}
      %scan3A_401 = arith.constant 0 : i32
      %scan3A_402 = arith.constant 1 : i32
      %scan3A_403 = arith.constant 19 : i32
      %scan3A_404 = arith.addi %scan3A_402, %scan3A_403 : i32
      %scan3A_405 = arith.constant 1 : i32
      scf.for %scan3A_427 = %scan3A_402 to %scan3A_404 step %scan3A_405  : i32 {
        %mul3A_428 = arith.constant 2 : i32
        %mul3A_429 = arith.muli %mul3A_428, %scan3A_427 : i32
        %mul3A_430 = arith.constant 2 : i32
        %mul3A_431 = arith.muli %mul3A_430, %scan3A_427 : i32
        %add3A_432 = arith.constant 1 : i32
        %add3A_433 = arith.addi %mul3A_431, %add3A_432 : i32
        %dma_wait3A_434 = arith.constant 0 : i32
        %dma_wait3A_435 = arith.constant 0 : i32
        %dma_wait3A_436 = tpu.memref_slice %arg7[%dma_wait3A_434, %dma_wait3A_435] : memref<40x128xi32, #tpu.memory_space<vmem>> -> memref<1x128xi32, #tpu.memory_space<vmem>>
        %dma_wait3A_437 = tpu.memref_squeeze %dma_wait3A_436 : memref<1x128xi32, #tpu.memory_space<vmem>> -> memref<128xi32, #tpu.memory_space<vmem>>
        %dma_wait3A_438 = arith.constant 0 : i32
        %dma_wait3A_439 = arith.constant 0 : i32
        %dma_wait3A_440 = tpu.memref_slice %arg2[%dma_wait3A_438, %dma_wait3A_439] : memref<10000x128xf32, #tpu.memory_space<hbm>> -> memref<10000x128xf32, #tpu.memory_space<hbm>>
        tpu.wait_indirect_dma semaphore(%arg15 : memref<!tpu.dma_semaphore, #tpu.memory_space<semaphore_mem>>) src(%dma_wait3A_440 : memref<10000x128xf32, #tpu.memory_space<hbm>>) dst(%arg9 : memref<128x128xf32, #tpu.memory_space<vmem>>)
        %dma_wait3A_441 = arith.constant 0 : i32
        %dma_wait3A_442 = arith.constant 0 : i32
        %dma_wait3A_443 = tpu.memref_slice %arg8[%dma_wait3A_441, %dma_wait3A_442] : memref<40x128xi32, #tpu.memory_space<vmem>> -> memref<1x128xi32, #tpu.memory_space<vmem>>
        %dma_wait3A_444 = tpu.memref_squeeze %dma_wait3A_443 : memref<1x128xi32, #tpu.memory_space<vmem>> -> memref<128xi32, #tpu.memory_space<vmem>>
        %dma_wait3A_445 = arith.constant 0 : i32
        %dma_wait3A_446 = arith.constant 0 : i32
        %dma_wait3A_447 = tpu.memref_slice %arg13[%dma_wait3A_445, %dma_wait3A_446] : memref<10112x128xf32, #tpu.memory_space<vmem_shared>> -> memref<10112x128xf32, #tpu.memory_space<vmem_shared>>
        tpu.wait_indirect_dma semaphore(%arg18 : memref<!tpu.dma_semaphore, #tpu.memory_space<semaphore_mem>>) src(%arg10 : memref<128x128xf32, #tpu.memory_space<vmem>>) dst(%dma_wait3A_447 : memref<10112x128xf32, #tpu.memory_space<vmem_shared>>)
        %dma_wait3A_448 = arith.constant 0 : i32
        %dma_wait3A_449 = arith.constant 0 : i32
        %dma_wait3A_450 = tpu.memref_slice %arg8[%dma_wait3A_448, %dma_wait3A_449] : memref<40x128xi32, #tpu.memory_space<vmem>> -> memref<1x128xi32, #tpu.memory_space<vmem>>
        %dma_wait3A_451 = tpu.memref_squeeze %dma_wait3A_450 : memref<1x128xi32, #tpu.memory_space<vmem>> -> memref<128xi32, #tpu.memory_space<vmem>>
        %dma_wait3A_452 = arith.constant 0 : i32
        %dma_wait3A_453 = tpu.memref_slice %arg14[%dma_wait3A_452] : memref<10112xf32, #tpu.memory_space<vmem_shared>> -> memref<10112xf32, #tpu.memory_space<vmem_shared>>
        tpu.wait_indirect_dma semaphore(%arg20 : memref<!tpu.dma_semaphore, #tpu.memory_space<semaphore_mem>>) src(%arg11 : memref<128xf32, #tpu.memory_space<vmem>>) dst(%dma_wait3A_453 : memref<10112xf32, #tpu.memory_space<vmem_shared>>)
        %dma_start3A_454 = arith.constant 0 : i32
        %dma_start3A_455 = tpu.memref_slice %arg7[%add3A_433, %dma_start3A_454] : memref<40x128xi32, #tpu.memory_space<vmem>> -> memref<1x128xi32, #tpu.memory_space<vmem>>
        %dma_start3A_456 = tpu.memref_squeeze %dma_start3A_455 : memref<1x128xi32, #tpu.memory_space<vmem>> -> memref<128xi32, #tpu.memory_space<vmem>>
        %dma_start3A_457 = arith.constant 0 : i32
        %dma_start3A_458 = arith.constant 0 : i32
        %dma_start3A_459 = tpu.memref_slice %arg2[%dma_start3A_457, %dma_start3A_458] : memref<10000x128xf32, #tpu.memory_space<hbm>> -> memref<10000x128xf32, #tpu.memory_space<hbm>>
        tpu.enqueue_indirect_dma source(%dma_start3A_459 : memref<10000x128xf32, #tpu.memory_space<hbm>>) target(%arg10 : memref<128x128xf32, #tpu.memory_space<vmem>>) offsets(%dma_start3A_456 : memref<128xi32, #tpu.memory_space<vmem>>) semaphore(%arg16 : memref<!tpu.dma_semaphore, #tpu.memory_space<semaphore_mem>>)
        %dma_start3A_460 = arith.constant 0 : i32
        %dma_start3A_461 = tpu.memref_slice %arg8[%mul3A_429, %dma_start3A_460] : memref<40x128xi32, #tpu.memory_space<vmem>> -> memref<1x128xi32, #tpu.memory_space<vmem>>
        %dma_start3A_462 = tpu.memref_squeeze %dma_start3A_461 : memref<1x128xi32, #tpu.memory_space<vmem>> -> memref<128xi32, #tpu.memory_space<vmem>>
        %dma_start3A_463 = arith.constant 0 : i32
        %dma_start3A_464 = arith.constant 0 : i32
        %dma_start3A_465 = tpu.memref_slice %arg13[%dma_start3A_463, %dma_start3A_464] : memref<10112x128xf32, #tpu.memory_space<vmem_shared>> -> memref<10112x128xf32, #tpu.memory_space<vmem_shared>>
        tpu.enqueue_indirect_dma source(%arg9 : memref<128x128xf32, #tpu.memory_space<vmem>>) target(%dma_start3A_465 : memref<10112x128xf32, #tpu.memory_space<vmem_shared>>) offsets(%dma_start3A_462 : memref<128xi32, #tpu.memory_space<vmem>>) semaphore(%arg17 : memref<!tpu.dma_semaphore, #tpu.memory_space<semaphore_mem>>) {add = true}
        %dma_start3A_466 = arith.constant 0 : i32
        %dma_start3A_467 = tpu.memref_slice %arg8[%mul3A_429, %dma_start3A_466] : memref<40x128xi32, #tpu.memory_space<vmem>> -> memref<1x128xi32, #tpu.memory_space<vmem>>
        %dma_start3A_468 = tpu.memref_squeeze %dma_start3A_467 : memref<1x128xi32, #tpu.memory_space<vmem>> -> memref<128xi32, #tpu.memory_space<vmem>>
        %dma_start3A_469 = arith.constant 0 : i32
        %dma_start3A_470 = tpu.memref_slice %arg14[%dma_start3A_469] : memref<10112xf32, #tpu.memory_space<vmem_shared>> -> memref<10112xf32, #tpu.memory_space<vmem_shared>>
        tpu.enqueue_indirect_dma source(%arg11 : memref<128xf32, #tpu.memory_space<vmem>>) target(%dma_start3A_470 : memref<10112xf32, #tpu.memory_space<vmem_shared>>) offsets(%dma_start3A_468 : memref<128xi32, #tpu.memory_space<vmem>>) semaphore(%arg19 : memref<!tpu.dma_semaphore, #tpu.memory_space<semaphore_mem>>) {add = true}
        %dma_wait3A_471 = arith.constant 0 : i32
        %dma_wait3A_472 = arith.constant 0 : i32
        %dma_wait3A_473 = tpu.memref_slice %arg7[%dma_wait3A_471, %dma_wait3A_472] : memref<40x128xi32, #tpu.memory_space<vmem>> -> memref<1x128xi32, #tpu.memory_space<vmem>>
        %dma_wait3A_474 = tpu.memref_squeeze %dma_wait3A_473 : memref<1x128xi32, #tpu.memory_space<vmem>> -> memref<128xi32, #tpu.memory_space<vmem>>
        %dma_wait3A_475 = arith.constant 0 : i32
        %dma_wait3A_476 = arith.constant 0 : i32
        %dma_wait3A_477 = tpu.memref_slice %arg2[%dma_wait3A_475, %dma_wait3A_476] : memref<10000x128xf32, #tpu.memory_space<hbm>> -> memref<10000x128xf32, #tpu.memory_space<hbm>>
        tpu.wait_indirect_dma semaphore(%arg16 : memref<!tpu.dma_semaphore, #tpu.memory_space<semaphore_mem>>) src(%dma_wait3A_477 : memref<10000x128xf32, #tpu.memory_space<hbm>>) dst(%arg10 : memref<128x128xf32, #tpu.memory_space<vmem>>)
        %dma_wait3A_478 = arith.constant 0 : i32
        %dma_wait3A_479 = arith.constant 0 : i32
        %dma_wait3A_480 = tpu.memref_slice %arg8[%dma_wait3A_478, %dma_wait3A_479] : memref<40x128xi32, #tpu.memory_space<vmem>> -> memref<1x128xi32, #tpu.memory_space<vmem>>
        %dma_wait3A_481 = tpu.memref_squeeze %dma_wait3A_480 : memref<1x128xi32, #tpu.memory_space<vmem>> -> memref<128xi32, #tpu.memory_space<vmem>>
        %dma_wait3A_482 = arith.constant 0 : i32
        %dma_wait3A_483 = arith.constant 0 : i32
        %dma_wait3A_484 = tpu.memref_slice %arg13[%dma_wait3A_482, %dma_wait3A_483] : memref<10112x128xf32, #tpu.memory_space<vmem_shared>> -> memref<10112x128xf32, #tpu.memory_space<vmem_shared>>
        tpu.wait_indirect_dma semaphore(%arg17 : memref<!tpu.dma_semaphore, #tpu.memory_space<semaphore_mem>>) src(%arg9 : memref<128x128xf32, #tpu.memory_space<vmem>>) dst(%dma_wait3A_484 : memref<10112x128xf32, #tpu.memory_space<vmem_shared>>)
        %dma_wait3A_485 = arith.constant 0 : i32
        %dma_wait3A_486 = arith.constant 0 : i32
        %dma_wait3A_487 = tpu.memref_slice %arg8[%dma_wait3A_485, %dma_wait3A_486] : memref<40x128xi32, #tpu.memory_space<vmem>> -> memref<1x128xi32, #tpu.memory_space<vmem>>
        %dma_wait3A_488 = tpu.memref_squeeze %dma_wait3A_487 : memref<1x128xi32, #tpu.memory_space<vmem>> -> memref<128xi32, #tpu.memory_space<vmem>>
        %dma_wait3A_489 = arith.constant 0 : i32
        %dma_wait3A_490 = tpu.memref_slice %arg14[%dma_wait3A_489] : memref<10112xf32, #tpu.memory_space<vmem_shared>> -> memref<10112xf32, #tpu.memory_space<vmem_shared>>
        tpu.wait_indirect_dma semaphore(%arg19 : memref<!tpu.dma_semaphore, #tpu.memory_space<semaphore_mem>>) src(%arg11 : memref<128xf32, #tpu.memory_space<vmem>>) dst(%dma_wait3A_490 : memref<10112xf32, #tpu.memory_space<vmem_shared>>)
        %add3A_491 = arith.constant 1 : i32
        %add3A_492 = arith.addi %add3A_433, %add3A_491 : i32
        %lt3A = arith.constant 40 : i32
        %lt3A_493 = arith.cmpi slt, %add3A_492, %lt3A : i32
        %add3A_494 = arith.constant 1 : i32
        %add3A_495 = arith.addi %add3A_433, %add3A_494 : i32
        %jit3A = arith.constant 0 : i32
        %select_n3A = arith.select %lt3A_493, %add3A_495, %jit3A : i32
        %dma_start3A_496 = arith.constant 0 : i32
        %dma_start3A_497 = tpu.memref_slice %arg7[%select_n3A, %dma_start3A_496] : memref<40x128xi32, #tpu.memory_space<vmem>> -> memref<1x128xi32, #tpu.memory_space<vmem>>
        %dma_start3A_498 = tpu.memref_squeeze %dma_start3A_497 : memref<1x128xi32, #tpu.memory_space<vmem>> -> memref<128xi32, #tpu.memory_space<vmem>>
        %dma_start3A_499 = arith.constant 0 : i32
        %dma_start3A_500 = arith.constant 0 : i32
        %dma_start3A_501 = tpu.memref_slice %arg2[%dma_start3A_499, %dma_start3A_500] : memref<10000x128xf32, #tpu.memory_space<hbm>> -> memref<10000x128xf32, #tpu.memory_space<hbm>>
        tpu.enqueue_indirect_dma source(%dma_start3A_501 : memref<10000x128xf32, #tpu.memory_space<hbm>>) target(%arg9 : memref<128x128xf32, #tpu.memory_space<vmem>>) offsets(%dma_start3A_498 : memref<128xi32, #tpu.memory_space<vmem>>) semaphore(%arg15 : memref<!tpu.dma_semaphore, #tpu.memory_space<semaphore_mem>>)
        %dma_start3A_502 = arith.constant 0 : i32
        %dma_start3A_503 = tpu.memref_slice %arg8[%add3A_433, %dma_start3A_502] : memref<40x128xi32, #tpu.memory_space<vmem>> -> memref<1x128xi32, #tpu.memory_space<vmem>>
        %dma_start3A_504 = tpu.memref_squeeze %dma_start3A_503 : memref<1x128xi32, #tpu.memory_space<vmem>> -> memref<128xi32, #tpu.memory_space<vmem>>
        %dma_start3A_505 = arith.constant 0 : i32
        %dma_start3A_506 = arith.constant 0 : i32
        %dma_start3A_507 = tpu.memref_slice %arg13[%dma_start3A_505, %dma_start3A_506] : memref<10112x128xf32, #tpu.memory_space<vmem_shared>> -> memref<10112x128xf32, #tpu.memory_space<vmem_shared>>
        tpu.enqueue_indirect_dma source(%arg10 : memref<128x128xf32, #tpu.memory_space<vmem>>) target(%dma_start3A_507 : memref<10112x128xf32, #tpu.memory_space<vmem_shared>>) offsets(%dma_start3A_504 : memref<128xi32, #tpu.memory_space<vmem>>) semaphore(%arg18 : memref<!tpu.dma_semaphore, #tpu.memory_space<semaphore_mem>>) {add = true}
        %dma_start3A_508 = arith.constant 0 : i32
        %dma_start3A_509 = tpu.memref_slice %arg8[%add3A_433, %dma_start3A_508] : memref<40x128xi32, #tpu.memory_space<vmem>> -> memref<1x128xi32, #tpu.memory_space<vmem>>
        %dma_start3A_510 = tpu.memref_squeeze %dma_start3A_509 : memref<1x128xi32, #tpu.memory_space<vmem>> -> memref<128xi32, #tpu.memory_space<vmem>>
        %dma_start3A_511 = arith.constant 0 : i32
        %dma_start3A_512 = tpu.memref_slice %arg14[%dma_start3A_511] : memref<10112xf32, #tpu.memory_space<vmem_shared>> -> memref<10112xf32, #tpu.memory_space<vmem_shared>>
        tpu.enqueue_indirect_dma source(%arg11 : memref<128xf32, #tpu.memory_space<vmem>>) target(%dma_start3A_512 : memref<10112xf32, #tpu.memory_space<vmem_shared>>) offsets(%dma_start3A_510 : memref<128xi32, #tpu.memory_space<vmem>>) semaphore(%arg20 : memref<!tpu.dma_semaphore, #tpu.memory_space<semaphore_mem>>) {add = true}
      }
      %scan3A_406 = arith.constant 19 : i32
      %dma_wait3A_407 = arith.constant 0 : i32
      %dma_wait3A_408 = arith.constant 0 : i32
      %dma_wait3A_409 = tpu.memref_slice %arg7[%dma_wait3A_407, %dma_wait3A_408] : memref<40x128xi32, #tpu.memory_space<vmem>> -> memref<1x128xi32, #tpu.memory_space<vmem>>
      %dma_wait3A_410 = tpu.memref_squeeze %dma_wait3A_409 : memref<1x128xi32, #tpu.memory_space<vmem>> -> memref<128xi32, #tpu.memory_space<vmem>>
      %dma_wait3A_411 = arith.constant 0 : i32
      %dma_wait3A_412 = arith.constant 0 : i32
      %dma_wait3A_413 = tpu.memref_slice %arg2[%dma_wait3A_411, %dma_wait3A_412] : memref<10000x128xf32, #tpu.memory_space<hbm>> -> memref<10000x128xf32, #tpu.memory_space<hbm>>
      tpu.wait_indirect_dma semaphore(%arg15 : memref<!tpu.dma_semaphore, #tpu.memory_space<semaphore_mem>>) src(%dma_wait3A_413 : memref<10000x128xf32, #tpu.memory_space<hbm>>) dst(%arg9 : memref<128x128xf32, #tpu.memory_space<vmem>>)
      %dma_wait3A_414 = arith.constant 0 : i32
      %dma_wait3A_415 = arith.constant 0 : i32
      %dma_wait3A_416 = tpu.memref_slice %arg8[%dma_wait3A_414, %dma_wait3A_415] : memref<40x128xi32, #tpu.memory_space<vmem>> -> memref<1x128xi32, #tpu.memory_space<vmem>>
      %dma_wait3A_417 = tpu.memref_squeeze %dma_wait3A_416 : memref<1x128xi32, #tpu.memory_space<vmem>> -> memref<128xi32, #tpu.memory_space<vmem>>
      %dma_wait3A_418 = arith.constant 0 : i32
      %dma_wait3A_419 = arith.constant 0 : i32
      %dma_wait3A_420 = tpu.memref_slice %arg13[%dma_wait3A_418, %dma_wait3A_419] : memref<10112x128xf32, #tpu.memory_space<vmem_shared>> -> memref<10112x128xf32, #tpu.memory_space<vmem_shared>>
      tpu.wait_indirect_dma semaphore(%arg18 : memref<!tpu.dma_semaphore, #tpu.memory_space<semaphore_mem>>) src(%arg10 : memref<128x128xf32, #tpu.memory_space<vmem>>) dst(%dma_wait3A_420 : memref<10112x128xf32, #tpu.memory_space<vmem_shared>>)
      %dma_wait3A_421 = arith.constant 0 : i32
      %dma_wait3A_422 = arith.constant 0 : i32
      %dma_wait3A_423 = tpu.memref_slice %arg8[%dma_wait3A_421, %dma_wait3A_422] : memref<40x128xi32, #tpu.memory_space<vmem>> -> memref<1x128xi32, #tpu.memory_space<vmem>>
      %dma_wait3A_424 = tpu.memref_squeeze %dma_wait3A_423 : memref<1x128xi32, #tpu.memory_space<vmem>> -> memref<128xi32, #tpu.memory_space<vmem>>
      %dma_wait3A_425 = arith.constant 0 : i32
      %dma_wait3A_426 = tpu.memref_slice %arg14[%dma_wait3A_425] : memref<10112xf32, #tpu.memory_space<vmem_shared>> -> memref<10112xf32, #tpu.memory_space<vmem_shared>>
      tpu.wait_indirect_dma semaphore(%arg20 : memref<!tpu.dma_semaphore, #tpu.memory_space<semaphore_mem>>) src(%arg11 : memref<128xf32, #tpu.memory_space<vmem>>) dst(%dma_wait3A_426 : memref<10112xf32, #tpu.memory_space<vmem_shared>>)
    } else {
    }
    %eq3A_212 = arith.constant 1 : i32
    %eq3A_213 = arith.cmpi eq, %arg0, %eq3A_212 : i32
    %convert_element_type3A_214 = arith.extui %eq3A_213 : i1 to i32
    %cond3A_215 = arith.constant 0 : i32
    %cond3A_216 = arith.cmpi ne, %convert_element_type3A_214, %cond3A_215 : i32
    scf.if %cond3A_216 {
      %mul3A_221 = arith.constant 80 : i32
      %mul3A_222 = arith.muli %arg1, %mul3A_221 : i32
      %add3A_223 = arith.constant 1280 : i32
      %add3A_224 = arith.addi %add3A_223, %mul3A_222 : i32
      %add3A_225 = arith.constant 0 : i32
      %add3A_226 = arith.addi %add3A_224, %add3A_225 : i32
      "tpu.region"() ({
        %run_scoped3A = tpu.sem_alloc : memref<!tpu.dma_semaphore, #tpu.memory_space<semaphore_mem>>
        %dma_start3A_431 = arith.constant 0 : i32
        %dma_start3A_432 = tpu.memref_slice %arg3[%add3A_226, %dma_start3A_431] : memref<2560x128xi32, #tpu.memory_space<hbm>> -> memref<40x128xi32, #tpu.memory_space<hbm>>
        %dma_start3A_433 = arith.constant 0 : i32
        %dma_start3A_434 = tpu.memref_slice %arg3[%add3A_226, %dma_start3A_433] : memref<2560x128xi32, #tpu.memory_space<hbm>> -> memref<40x128xi32, #tpu.memory_space<hbm>>
        tpu.enqueue_dma source(%dma_start3A_434 : memref<40x128xi32, #tpu.memory_space<hbm>>) target(%arg7 : memref<40x128xi32, #tpu.memory_space<vmem>>) target_semaphore(%run_scoped3A : memref<!tpu.dma_semaphore, #tpu.memory_space<semaphore_mem>>)
        %dma_wait3A_435 = arith.constant 0 : i32
        %dma_wait3A_436 = tpu.memref_slice %arg3[%add3A_226, %dma_wait3A_435] : memref<2560x128xi32, #tpu.memory_space<hbm>> -> memref<40x128xi32, #tpu.memory_space<hbm>>
        %dma_wait3A_437 = arith.constant 0 : i32
        %dma_wait3A_438 = tpu.memref_slice %arg3[%add3A_226, %dma_wait3A_437] : memref<2560x128xi32, #tpu.memory_space<hbm>> -> memref<40x128xi32, #tpu.memory_space<hbm>>
        tpu.wait_dma2 semaphore(%run_scoped3A : memref<!tpu.dma_semaphore, #tpu.memory_space<semaphore_mem>>) src(%dma_wait3A_438 : memref<40x128xi32, #tpu.memory_space<hbm>>) dst(%arg7 : memref<40x128xi32, #tpu.memory_space<vmem>>)
        tpu.yield
      }) : () -> ()
      "tpu.region"() ({
        %run_scoped3A = tpu.sem_alloc : memref<!tpu.dma_semaphore, #tpu.memory_space<semaphore_mem>>
        %dma_start3A_431 = arith.constant 0 : i32
        %dma_start3A_432 = tpu.memref_slice %arg4[%add3A_226, %dma_start3A_431] : memref<2560x128xi32, #tpu.memory_space<hbm>> -> memref<40x128xi32, #tpu.memory_space<hbm>>
        %dma_start3A_433 = arith.constant 0 : i32
        %dma_start3A_434 = tpu.memref_slice %arg4[%add3A_226, %dma_start3A_433] : memref<2560x128xi32, #tpu.memory_space<hbm>> -> memref<40x128xi32, #tpu.memory_space<hbm>>
        tpu.enqueue_dma source(%dma_start3A_434 : memref<40x128xi32, #tpu.memory_space<hbm>>) target(%arg8 : memref<40x128xi32, #tpu.memory_space<vmem>>) target_semaphore(%run_scoped3A : memref<!tpu.dma_semaphore, #tpu.memory_space<semaphore_mem>>)
        %dma_wait3A_435 = arith.constant 0 : i32
        %dma_wait3A_436 = tpu.memref_slice %arg4[%add3A_226, %dma_wait3A_435] : memref<2560x128xi32, #tpu.memory_space<hbm>> -> memref<40x128xi32, #tpu.memory_space<hbm>>
        %dma_wait3A_437 = arith.constant 0 : i32
        %dma_wait3A_438 = tpu.memref_slice %arg4[%add3A_226, %dma_wait3A_437] : memref<2560x128xi32, #tpu.memory_space<hbm>> -> memref<40x128xi32, #tpu.memory_space<hbm>>
        tpu.wait_dma2 semaphore(%run_scoped3A : memref<!tpu.dma_semaphore, #tpu.memory_space<semaphore_mem>>) src(%dma_wait3A_438 : memref<40x128xi32, #tpu.memory_space<hbm>>) dst(%arg8 : memref<40x128xi32, #tpu.memory_space<vmem>>)
        tpu.yield
      }) : () -> ()
      %dma_start3A = arith.constant 0 : i32
      %dma_start3A_227 = arith.constant 0 : i32
      %dma_start3A_228 = tpu.memref_slice %arg7[%dma_start3A, %dma_start3A_227] : memref<40x128xi32, #tpu.memory_space<vmem>> -> memref<1x128xi32, #tpu.memory_space<vmem>>
      %dma_start3A_229 = tpu.memref_squeeze %dma_start3A_228 : memref<1x128xi32, #tpu.memory_space<vmem>> -> memref<128xi32, #tpu.memory_space<vmem>>
      %dma_start3A_230 = arith.constant 0 : i32
      %dma_start3A_231 = arith.constant 0 : i32
      %dma_start3A_232 = tpu.memref_slice %arg2[%dma_start3A_230, %dma_start3A_231] : memref<10000x128xf32, #tpu.memory_space<hbm>> -> memref<10000x128xf32, #tpu.memory_space<hbm>>
      tpu.enqueue_indirect_dma source(%dma_start3A_232 : memref<10000x128xf32, #tpu.memory_space<hbm>>) target(%arg9 : memref<128x128xf32, #tpu.memory_space<vmem>>) offsets(%dma_start3A_229 : memref<128xi32, #tpu.memory_space<vmem>>) semaphore(%arg15 : memref<!tpu.dma_semaphore, #tpu.memory_space<semaphore_mem>>)
      %dma_wait3A = arith.constant 0 : i32
      %dma_wait3A_233 = arith.constant 0 : i32
      %dma_wait3A_234 = tpu.memref_slice %arg7[%dma_wait3A, %dma_wait3A_233] : memref<40x128xi32, #tpu.memory_space<vmem>> -> memref<1x128xi32, #tpu.memory_space<vmem>>
      %dma_wait3A_235 = tpu.memref_squeeze %dma_wait3A_234 : memref<1x128xi32, #tpu.memory_space<vmem>> -> memref<128xi32, #tpu.memory_space<vmem>>
      %dma_wait3A_236 = arith.constant 0 : i32
      %dma_wait3A_237 = arith.constant 0 : i32
      %dma_wait3A_238 = tpu.memref_slice %arg2[%dma_wait3A_236, %dma_wait3A_237] : memref<10000x128xf32, #tpu.memory_space<hbm>> -> memref<10000x128xf32, #tpu.memory_space<hbm>>
      tpu.wait_indirect_dma semaphore(%arg15 : memref<!tpu.dma_semaphore, #tpu.memory_space<semaphore_mem>>) src(%dma_wait3A_238 : memref<10000x128xf32, #tpu.memory_space<hbm>>) dst(%arg9 : memref<128x128xf32, #tpu.memory_space<vmem>>)
      %dma_start3A_239 = arith.constant 1 : i32
      %dma_start3A_240 = arith.constant 0 : i32
      %dma_start3A_241 = tpu.memref_slice %arg7[%dma_start3A_239, %dma_start3A_240] : memref<40x128xi32, #tpu.memory_space<vmem>> -> memref<1x128xi32, #tpu.memory_space<vmem>>
      %dma_start3A_242 = tpu.memref_squeeze %dma_start3A_241 : memref<1x128xi32, #tpu.memory_space<vmem>> -> memref<128xi32, #tpu.memory_space<vmem>>
      %dma_start3A_243 = arith.constant 0 : i32
      %dma_start3A_244 = arith.constant 0 : i32
      %dma_start3A_245 = tpu.memref_slice %arg2[%dma_start3A_243, %dma_start3A_244] : memref<10000x128xf32, #tpu.memory_space<hbm>> -> memref<10000x128xf32, #tpu.memory_space<hbm>>
      tpu.enqueue_indirect_dma source(%dma_start3A_245 : memref<10000x128xf32, #tpu.memory_space<hbm>>) target(%arg10 : memref<128x128xf32, #tpu.memory_space<vmem>>) offsets(%dma_start3A_242 : memref<128xi32, #tpu.memory_space<vmem>>) semaphore(%arg16 : memref<!tpu.dma_semaphore, #tpu.memory_space<semaphore_mem>>)
      %dma_start3A_246 = arith.constant 0 : i32
      %dma_start3A_247 = arith.constant 0 : i32
      %dma_start3A_248 = tpu.memref_slice %arg8[%dma_start3A_246, %dma_start3A_247] : memref<40x128xi32, #tpu.memory_space<vmem>> -> memref<1x128xi32, #tpu.memory_space<vmem>>
      %dma_start3A_249 = tpu.memref_squeeze %dma_start3A_248 : memref<1x128xi32, #tpu.memory_space<vmem>> -> memref<128xi32, #tpu.memory_space<vmem>>
      %dma_start3A_250 = arith.constant 0 : i32
      %dma_start3A_251 = arith.constant 0 : i32
      %dma_start3A_252 = tpu.memref_slice %arg13[%dma_start3A_250, %dma_start3A_251] : memref<10112x128xf32, #tpu.memory_space<vmem_shared>> -> memref<10112x128xf32, #tpu.memory_space<vmem_shared>>
      tpu.enqueue_indirect_dma source(%arg9 : memref<128x128xf32, #tpu.memory_space<vmem>>) target(%dma_start3A_252 : memref<10112x128xf32, #tpu.memory_space<vmem_shared>>) offsets(%dma_start3A_249 : memref<128xi32, #tpu.memory_space<vmem>>) semaphore(%arg17 : memref<!tpu.dma_semaphore, #tpu.memory_space<semaphore_mem>>) {add = true}
      %dma_start3A_253 = arith.constant 0 : i32
      %dma_start3A_254 = arith.constant 0 : i32
      %dma_start3A_255 = tpu.memref_slice %arg8[%dma_start3A_253, %dma_start3A_254] : memref<40x128xi32, #tpu.memory_space<vmem>> -> memref<1x128xi32, #tpu.memory_space<vmem>>
      %dma_start3A_256 = tpu.memref_squeeze %dma_start3A_255 : memref<1x128xi32, #tpu.memory_space<vmem>> -> memref<128xi32, #tpu.memory_space<vmem>>
      %dma_start3A_257 = arith.constant 0 : i32
      %dma_start3A_258 = tpu.memref_slice %arg14[%dma_start3A_257] : memref<10112xf32, #tpu.memory_space<vmem_shared>> -> memref<10112xf32, #tpu.memory_space<vmem_shared>>
      tpu.enqueue_indirect_dma source(%arg11 : memref<128xf32, #tpu.memory_space<vmem>>) target(%dma_start3A_258 : memref<10112xf32, #tpu.memory_space<vmem_shared>>) offsets(%dma_start3A_256 : memref<128xi32, #tpu.memory_space<vmem>>) semaphore(%arg19 : memref<!tpu.dma_semaphore, #tpu.memory_space<semaphore_mem>>) {add = true}
      %dma_wait3A_259 = arith.constant 0 : i32
      %dma_wait3A_260 = arith.constant 0 : i32
      %dma_wait3A_261 = tpu.memref_slice %arg7[%dma_wait3A_259, %dma_wait3A_260] : memref<40x128xi32, #tpu.memory_space<vmem>> -> memref<1x128xi32, #tpu.memory_space<vmem>>
      %dma_wait3A_262 = tpu.memref_squeeze %dma_wait3A_261 : memref<1x128xi32, #tpu.memory_space<vmem>> -> memref<128xi32, #tpu.memory_space<vmem>>
      %dma_wait3A_263 = arith.constant 0 : i32
      %dma_wait3A_264 = arith.constant 0 : i32
      %dma_wait3A_265 = tpu.memref_slice %arg2[%dma_wait3A_263, %dma_wait3A_264] : memref<10000x128xf32, #tpu.memory_space<hbm>> -> memref<10000x128xf32, #tpu.memory_space<hbm>>
      tpu.wait_indirect_dma semaphore(%arg16 : memref<!tpu.dma_semaphore, #tpu.memory_space<semaphore_mem>>) src(%dma_wait3A_265 : memref<10000x128xf32, #tpu.memory_space<hbm>>) dst(%arg10 : memref<128x128xf32, #tpu.memory_space<vmem>>)
      %dma_wait3A_266 = arith.constant 0 : i32
      %dma_wait3A_267 = arith.constant 0 : i32
      %dma_wait3A_268 = tpu.memref_slice %arg8[%dma_wait3A_266, %dma_wait3A_267] : memref<40x128xi32, #tpu.memory_space<vmem>> -> memref<1x128xi32, #tpu.memory_space<vmem>>
      %dma_wait3A_269 = tpu.memref_squeeze %dma_wait3A_268 : memref<1x128xi32, #tpu.memory_space<vmem>> -> memref<128xi32, #tpu.memory_space<vmem>>
      %dma_wait3A_270 = arith.constant 0 : i32
      %dma_wait3A_271 = arith.constant 0 : i32
      %dma_wait3A_272 = tpu.memref_slice %arg13[%dma_wait3A_270, %dma_wait3A_271] : memref<10112x128xf32, #tpu.memory_space<vmem_shared>> -> memref<10112x128xf32, #tpu.memory_space<vmem_shared>>
      tpu.wait_indirect_dma semaphore(%arg17 : memref<!tpu.dma_semaphore, #tpu.memory_space<semaphore_mem>>) src(%arg9 : memref<128x128xf32, #tpu.memory_space<vmem>>) dst(%dma_wait3A_272 : memref<10112x128xf32, #tpu.memory_space<vmem_shared>>)
      %dma_wait3A_273 = arith.constant 0 : i32
      %dma_wait3A_274 = arith.constant 0 : i32
      %dma_wait3A_275 = tpu.memref_slice %arg8[%dma_wait3A_273, %dma_wait3A_274] : memref<40x128xi32, #tpu.memory_space<vmem>> -> memref<1x128xi32, #tpu.memory_space<vmem>>
      %dma_wait3A_276 = tpu.memref_squeeze %dma_wait3A_275 : memref<1x128xi32, #tpu.memory_space<vmem>> -> memref<128xi32, #tpu.memory_space<vmem>>
      %dma_wait3A_277 = arith.constant 0 : i32
      %dma_wait3A_278 = tpu.memref_slice %arg14[%dma_wait3A_277] : memref<10112xf32, #tpu.memory_space<vmem_shared>> -> memref<10112xf32, #tpu.memory_space<vmem_shared>>
      tpu.wait_indirect_dma semaphore(%arg19 : memref<!tpu.dma_semaphore, #tpu.memory_space<semaphore_mem>>) src(%arg11 : memref<128xf32, #tpu.memory_space<vmem>>) dst(%dma_wait3A_278 : memref<10112xf32, #tpu.memory_space<vmem_shared>>)
      %dma_start3A_279 = arith.constant 2 : i32
      %dma_start3A_280 = arith.constant 0 : i32
      %dma_start3A_281 = tpu.memref_slice %arg7[%dma_start3A_279, %dma_start3A_280] : memref<40x128xi32, #tpu.memory_space<vmem>> -> memref<1x128xi32, #tpu.memory_space<vmem>>
      %dma_start3A_282 = tpu.memref_squeeze %dma_start3A_281 : memref<1x128xi32, #tpu.memory_space<vmem>> -> memref<128xi32, #tpu.memory_space<vmem>>
      %dma_start3A_283 = arith.constant 0 : i32
      %dma_start3A_284 = arith.constant 0 : i32
      %dma_start3A_285 = tpu.memref_slice %arg2[%dma_start3A_283, %dma_start3A_284] : memref<10000x128xf32, #tpu.memory_space<hbm>> -> memref<10000x128xf32, #tpu.memory_space<hbm>>
      tpu.enqueue_indirect_dma source(%dma_start3A_285 : memref<10000x128xf32, #tpu.memory_space<hbm>>) target(%arg9 : memref<128x128xf32, #tpu.memory_space<vmem>>) offsets(%dma_start3A_282 : memref<128xi32, #tpu.memory_space<vmem>>) semaphore(%arg15 : memref<!tpu.dma_semaphore, #tpu.memory_space<semaphore_mem>>)
      %dma_start3A_286 = arith.constant 1 : i32
      %dma_start3A_287 = arith.constant 0 : i32
      %dma_start3A_288 = tpu.memref_slice %arg8[%dma_start3A_286, %dma_start3A_287] : memref<40x128xi32, #tpu.memory_space<vmem>> -> memref<1x128xi32, #tpu.memory_space<vmem>>
      %dma_start3A_289 = tpu.memref_squeeze %dma_start3A_288 : memref<1x128xi32, #tpu.memory_space<vmem>> -> memref<128xi32, #tpu.memory_space<vmem>>
      %dma_start3A_290 = arith.constant 0 : i32
      %dma_start3A_291 = arith.constant 0 : i32
      %dma_start3A_292 = tpu.memref_slice %arg13[%dma_start3A_290, %dma_start3A_291] : memref<10112x128xf32, #tpu.memory_space<vmem_shared>> -> memref<10112x128xf32, #tpu.memory_space<vmem_shared>>
      tpu.enqueue_indirect_dma source(%arg10 : memref<128x128xf32, #tpu.memory_space<vmem>>) target(%dma_start3A_292 : memref<10112x128xf32, #tpu.memory_space<vmem_shared>>) offsets(%dma_start3A_289 : memref<128xi32, #tpu.memory_space<vmem>>) semaphore(%arg18 : memref<!tpu.dma_semaphore, #tpu.memory_space<semaphore_mem>>) {add = true}
      %dma_start3A_293 = arith.constant 1 : i32
      %dma_start3A_294 = arith.constant 0 : i32
      %dma_start3A_295 = tpu.memref_slice %arg8[%dma_start3A_293, %dma_start3A_294] : memref<40x128xi32, #tpu.memory_space<vmem>> -> memref<1x128xi32, #tpu.memory_space<vmem>>
      %dma_start3A_296 = tpu.memref_squeeze %dma_start3A_295 : memref<1x128xi32, #tpu.memory_space<vmem>> -> memref<128xi32, #tpu.memory_space<vmem>>
      %dma_start3A_297 = arith.constant 0 : i32
      %dma_start3A_298 = tpu.memref_slice %arg14[%dma_start3A_297] : memref<10112xf32, #tpu.memory_space<vmem_shared>> -> memref<10112xf32, #tpu.memory_space<vmem_shared>>
      tpu.enqueue_indirect_dma source(%arg11 : memref<128xf32, #tpu.memory_space<vmem>>) target(%dma_start3A_298 : memref<10112xf32, #tpu.memory_space<vmem_shared>>) offsets(%dma_start3A_296 : memref<128xi32, #tpu.memory_space<vmem>>) semaphore(%arg20 : memref<!tpu.dma_semaphore, #tpu.memory_space<semaphore_mem>>) {add = true}
      %scan3A_299 = arith.constant 0 : i32
      %scan3A_300 = arith.constant 1 : i32
      %scan3A_301 = arith.constant 19 : i32
      %scan3A_302 = arith.addi %scan3A_300, %scan3A_301 : i32
      %scan3A_303 = arith.constant 1 : i32
      scf.for %scan3A_431 = %scan3A_300 to %scan3A_302 step %scan3A_303  : i32 {
        %mul3A_432 = arith.constant 2 : i32
        %mul3A_433 = arith.muli %mul3A_432, %scan3A_431 : i32
        %mul3A_434 = arith.constant 2 : i32
        %mul3A_435 = arith.muli %mul3A_434, %scan3A_431 : i32
        %add3A_436 = arith.constant 1 : i32
        %add3A_437 = arith.addi %mul3A_435, %add3A_436 : i32
        %dma_wait3A_438 = arith.constant 0 : i32
        %dma_wait3A_439 = arith.constant 0 : i32
        %dma_wait3A_440 = tpu.memref_slice %arg7[%dma_wait3A_438, %dma_wait3A_439] : memref<40x128xi32, #tpu.memory_space<vmem>> -> memref<1x128xi32, #tpu.memory_space<vmem>>
        %dma_wait3A_441 = tpu.memref_squeeze %dma_wait3A_440 : memref<1x128xi32, #tpu.memory_space<vmem>> -> memref<128xi32, #tpu.memory_space<vmem>>
        %dma_wait3A_442 = arith.constant 0 : i32
        %dma_wait3A_443 = arith.constant 0 : i32
        %dma_wait3A_444 = tpu.memref_slice %arg2[%dma_wait3A_442, %dma_wait3A_443] : memref<10000x128xf32, #tpu.memory_space<hbm>> -> memref<10000x128xf32, #tpu.memory_space<hbm>>
        tpu.wait_indirect_dma semaphore(%arg15 : memref<!tpu.dma_semaphore, #tpu.memory_space<semaphore_mem>>) src(%dma_wait3A_444 : memref<10000x128xf32, #tpu.memory_space<hbm>>) dst(%arg9 : memref<128x128xf32, #tpu.memory_space<vmem>>)
        %dma_wait3A_445 = arith.constant 0 : i32
        %dma_wait3A_446 = arith.constant 0 : i32
        %dma_wait3A_447 = tpu.memref_slice %arg8[%dma_wait3A_445, %dma_wait3A_446] : memref<40x128xi32, #tpu.memory_space<vmem>> -> memref<1x128xi32, #tpu.memory_space<vmem>>
        %dma_wait3A_448 = tpu.memref_squeeze %dma_wait3A_447 : memref<1x128xi32, #tpu.memory_space<vmem>> -> memref<128xi32, #tpu.memory_space<vmem>>
        %dma_wait3A_449 = arith.constant 0 : i32
        %dma_wait3A_450 = arith.constant 0 : i32
        %dma_wait3A_451 = tpu.memref_slice %arg13[%dma_wait3A_449, %dma_wait3A_450] : memref<10112x128xf32, #tpu.memory_space<vmem_shared>> -> memref<10112x128xf32, #tpu.memory_space<vmem_shared>>
        tpu.wait_indirect_dma semaphore(%arg18 : memref<!tpu.dma_semaphore, #tpu.memory_space<semaphore_mem>>) src(%arg10 : memref<128x128xf32, #tpu.memory_space<vmem>>) dst(%dma_wait3A_451 : memref<10112x128xf32, #tpu.memory_space<vmem_shared>>)
        %dma_wait3A_452 = arith.constant 0 : i32
        %dma_wait3A_453 = arith.constant 0 : i32
        %dma_wait3A_454 = tpu.memref_slice %arg8[%dma_wait3A_452, %dma_wait3A_453] : memref<40x128xi32, #tpu.memory_space<vmem>> -> memref<1x128xi32, #tpu.memory_space<vmem>>
        %dma_wait3A_455 = tpu.memref_squeeze %dma_wait3A_454 : memref<1x128xi32, #tpu.memory_space<vmem>> -> memref<128xi32, #tpu.memory_space<vmem>>
        %dma_wait3A_456 = arith.constant 0 : i32
        %dma_wait3A_457 = tpu.memref_slice %arg14[%dma_wait3A_456] : memref<10112xf32, #tpu.memory_space<vmem_shared>> -> memref<10112xf32, #tpu.memory_space<vmem_shared>>
        tpu.wait_indirect_dma semaphore(%arg20 : memref<!tpu.dma_semaphore, #tpu.memory_space<semaphore_mem>>) src(%arg11 : memref<128xf32, #tpu.memory_space<vmem>>) dst(%dma_wait3A_457 : memref<10112xf32, #tpu.memory_space<vmem_shared>>)
        %dma_start3A_458 = arith.constant 0 : i32
        %dma_start3A_459 = tpu.memref_slice %arg7[%add3A_437, %dma_start3A_458] : memref<40x128xi32, #tpu.memory_space<vmem>> -> memref<1x128xi32, #tpu.memory_space<vmem>>
        %dma_start3A_460 = tpu.memref_squeeze %dma_start3A_459 : memref<1x128xi32, #tpu.memory_space<vmem>> -> memref<128xi32, #tpu.memory_space<vmem>>
        %dma_start3A_461 = arith.constant 0 : i32
        %dma_start3A_462 = arith.constant 0 : i32
        %dma_start3A_463 = tpu.memref_slice %arg2[%dma_start3A_461, %dma_start3A_462] : memref<10000x128xf32, #tpu.memory_space<hbm>> -> memref<10000x128xf32, #tpu.memory_space<hbm>>
        tpu.enqueue_indirect_dma source(%dma_start3A_463 : memref<10000x128xf32, #tpu.memory_space<hbm>>) target(%arg10 : memref<128x128xf32, #tpu.memory_space<vmem>>) offsets(%dma_start3A_460 : memref<128xi32, #tpu.memory_space<vmem>>) semaphore(%arg16 : memref<!tpu.dma_semaphore, #tpu.memory_space<semaphore_mem>>)
        %dma_start3A_464 = arith.constant 0 : i32
        %dma_start3A_465 = tpu.memref_slice %arg8[%mul3A_433, %dma_start3A_464] : memref<40x128xi32, #tpu.memory_space<vmem>> -> memref<1x128xi32, #tpu.memory_space<vmem>>
        %dma_start3A_466 = tpu.memref_squeeze %dma_start3A_465 : memref<1x128xi32, #tpu.memory_space<vmem>> -> memref<128xi32, #tpu.memory_space<vmem>>
        %dma_start3A_467 = arith.constant 0 : i32
        %dma_start3A_468 = arith.constant 0 : i32
        %dma_start3A_469 = tpu.memref_slice %arg13[%dma_start3A_467, %dma_start3A_468] : memref<10112x128xf32, #tpu.memory_space<vmem_shared>> -> memref<10112x128xf32, #tpu.memory_space<vmem_shared>>
        tpu.enqueue_indirect_dma source(%arg9 : memref<128x128xf32, #tpu.memory_space<vmem>>) target(%dma_start3A_469 : memref<10112x128xf32, #tpu.memory_space<vmem_shared>>) offsets(%dma_start3A_466 : memref<128xi32, #tpu.memory_space<vmem>>) semaphore(%arg17 : memref<!tpu.dma_semaphore, #tpu.memory_space<semaphore_mem>>) {add = true}
        %dma_start3A_470 = arith.constant 0 : i32
        %dma_start3A_471 = tpu.memref_slice %arg8[%mul3A_433, %dma_start3A_470] : memref<40x128xi32, #tpu.memory_space<vmem>> -> memref<1x128xi32, #tpu.memory_space<vmem>>
        %dma_start3A_472 = tpu.memref_squeeze %dma_start3A_471 : memref<1x128xi32, #tpu.memory_space<vmem>> -> memref<128xi32, #tpu.memory_space<vmem>>
        %dma_start3A_473 = arith.constant 0 : i32
        %dma_start3A_474 = tpu.memref_slice %arg14[%dma_start3A_473] : memref<10112xf32, #tpu.memory_space<vmem_shared>> -> memref<10112xf32, #tpu.memory_space<vmem_shared>>
        tpu.enqueue_indirect_dma source(%arg11 : memref<128xf32, #tpu.memory_space<vmem>>) target(%dma_start3A_474 : memref<10112xf32, #tpu.memory_space<vmem_shared>>) offsets(%dma_start3A_472 : memref<128xi32, #tpu.memory_space<vmem>>) semaphore(%arg19 : memref<!tpu.dma_semaphore, #tpu.memory_space<semaphore_mem>>) {add = true}
        %dma_wait3A_475 = arith.constant 0 : i32
        %dma_wait3A_476 = arith.constant 0 : i32
        %dma_wait3A_477 = tpu.memref_slice %arg7[%dma_wait3A_475, %dma_wait3A_476] : memref<40x128xi32, #tpu.memory_space<vmem>> -> memref<1x128xi32, #tpu.memory_space<vmem>>
        %dma_wait3A_478 = tpu.memref_squeeze %dma_wait3A_477 : memref<1x128xi32, #tpu.memory_space<vmem>> -> memref<128xi32, #tpu.memory_space<vmem>>
        %dma_wait3A_479 = arith.constant 0 : i32
        %dma_wait3A_480 = arith.constant 0 : i32
        %dma_wait3A_481 = tpu.memref_slice %arg2[%dma_wait3A_479, %dma_wait3A_480] : memref<10000x128xf32, #tpu.memory_space<hbm>> -> memref<10000x128xf32, #tpu.memory_space<hbm>>
        tpu.wait_indirect_dma semaphore(%arg16 : memref<!tpu.dma_semaphore, #tpu.memory_space<semaphore_mem>>) src(%dma_wait3A_481 : memref<10000x128xf32, #tpu.memory_space<hbm>>) dst(%arg10 : memref<128x128xf32, #tpu.memory_space<vmem>>)
        %dma_wait3A_482 = arith.constant 0 : i32
        %dma_wait3A_483 = arith.constant 0 : i32
        %dma_wait3A_484 = tpu.memref_slice %arg8[%dma_wait3A_482, %dma_wait3A_483] : memref<40x128xi32, #tpu.memory_space<vmem>> -> memref<1x128xi32, #tpu.memory_space<vmem>>
        %dma_wait3A_485 = tpu.memref_squeeze %dma_wait3A_484 : memref<1x128xi32, #tpu.memory_space<vmem>> -> memref<128xi32, #tpu.memory_space<vmem>>
        %dma_wait3A_486 = arith.constant 0 : i32
        %dma_wait3A_487 = arith.constant 0 : i32
        %dma_wait3A_488 = tpu.memref_slice %arg13[%dma_wait3A_486, %dma_wait3A_487] : memref<10112x128xf32, #tpu.memory_space<vmem_shared>> -> memref<10112x128xf32, #tpu.memory_space<vmem_shared>>
        tpu.wait_indirect_dma semaphore(%arg17 : memref<!tpu.dma_semaphore, #tpu.memory_space<semaphore_mem>>) src(%arg9 : memref<128x128xf32, #tpu.memory_space<vmem>>) dst(%dma_wait3A_488 : memref<10112x128xf32, #tpu.memory_space<vmem_shared>>)
        %dma_wait3A_489 = arith.constant 0 : i32
        %dma_wait3A_490 = arith.constant 0 : i32
        %dma_wait3A_491 = tpu.memref_slice %arg8[%dma_wait3A_489, %dma_wait3A_490] : memref<40x128xi32, #tpu.memory_space<vmem>> -> memref<1x128xi32, #tpu.memory_space<vmem>>
        %dma_wait3A_492 = tpu.memref_squeeze %dma_wait3A_491 : memref<1x128xi32, #tpu.memory_space<vmem>> -> memref<128xi32, #tpu.memory_space<vmem>>
        %dma_wait3A_493 = arith.constant 0 : i32
        %dma_wait3A_494 = tpu.memref_slice %arg14[%dma_wait3A_493] : memref<10112xf32, #tpu.memory_space<vmem_shared>> -> memref<10112xf32, #tpu.memory_space<vmem_shared>>
        tpu.wait_indirect_dma semaphore(%arg19 : memref<!tpu.dma_semaphore, #tpu.memory_space<semaphore_mem>>) src(%arg11 : memref<128xf32, #tpu.memory_space<vmem>>) dst(%dma_wait3A_494 : memref<10112xf32, #tpu.memory_space<vmem_shared>>)
        %add3A_495 = arith.constant 1 : i32
        %add3A_496 = arith.addi %add3A_437, %add3A_495 : i32
        %lt3A = arith.constant 40 : i32
        %lt3A_497 = arith.cmpi slt, %add3A_496, %lt3A : i32
        %add3A_498 = arith.constant 1 : i32
        %add3A_499 = arith.addi %add3A_437, %add3A_498 : i32
        %jit3A = arith.constant 0 : i32
        %select_n3A = arith.select %lt3A_497, %add3A_499, %jit3A : i32
        %dma_start3A_500 = arith.constant 0 : i32
        %dma_start3A_501 = tpu.memref_slice %arg7[%select_n3A, %dma_start3A_500] : memref<40x128xi32, #tpu.memory_space<vmem>> -> memref<1x128xi32, #tpu.memory_space<vmem>>
        %dma_start3A_502 = tpu.memref_squeeze %dma_start3A_501 : memref<1x128xi32, #tpu.memory_space<vmem>> -> memref<128xi32, #tpu.memory_space<vmem>>
        %dma_start3A_503 = arith.constant 0 : i32
        %dma_start3A_504 = arith.constant 0 : i32
        %dma_start3A_505 = tpu.memref_slice %arg2[%dma_start3A_503, %dma_start3A_504] : memref<10000x128xf32, #tpu.memory_space<hbm>> -> memref<10000x128xf32, #tpu.memory_space<hbm>>
        tpu.enqueue_indirect_dma source(%dma_start3A_505 : memref<10000x128xf32, #tpu.memory_space<hbm>>) target(%arg9 : memref<128x128xf32, #tpu.memory_space<vmem>>) offsets(%dma_start3A_502 : memref<128xi32, #tpu.memory_space<vmem>>) semaphore(%arg15 : memref<!tpu.dma_semaphore, #tpu.memory_space<semaphore_mem>>)
        %dma_start3A_506 = arith.constant 0 : i32
        %dma_start3A_507 = tpu.memref_slice %arg8[%add3A_437, %dma_start3A_506] : memref<40x128xi32, #tpu.memory_space<vmem>> -> memref<1x128xi32, #tpu.memory_space<vmem>>
        %dma_start3A_508 = tpu.memref_squeeze %dma_start3A_507 : memref<1x128xi32, #tpu.memory_space<vmem>> -> memref<128xi32, #tpu.memory_space<vmem>>
        %dma_start3A_509 = arith.constant 0 : i32
        %dma_start3A_510 = arith.constant 0 : i32
        %dma_start3A_511 = tpu.memref_slice %arg13[%dma_start3A_509, %dma_start3A_510] : memref<10112x128xf32, #tpu.memory_space<vmem_shared>> -> memref<10112x128xf32, #tpu.memory_space<vmem_shared>>
        tpu.enqueue_indirect_dma source(%arg10 : memref<128x128xf32, #tpu.memory_space<vmem>>) target(%dma_start3A_511 : memref<10112x128xf32, #tpu.memory_space<vmem_shared>>) offsets(%dma_start3A_508 : memref<128xi32, #tpu.memory_space<vmem>>) semaphore(%arg18 : memref<!tpu.dma_semaphore, #tpu.memory_space<semaphore_mem>>) {add = true}
        %dma_start3A_512 = arith.constant 0 : i32
        %dma_start3A_513 = tpu.memref_slice %arg8[%add3A_437, %dma_start3A_512] : memref<40x128xi32, #tpu.memory_space<vmem>> -> memref<1x128xi32, #tpu.memory_space<vmem>>
        %dma_start3A_514 = tpu.memref_squeeze %dma_start3A_513 : memref<1x128xi32, #tpu.memory_space<vmem>> -> memref<128xi32, #tpu.memory_space<vmem>>
        %dma_start3A_515 = arith.constant 0 : i32
        %dma_start3A_516 = tpu.memref_slice %arg14[%dma_start3A_515] : memref<10112xf32, #tpu.memory_space<vmem_shared>> -> memref<10112xf32, #tpu.memory_space<vmem_shared>>
        tpu.enqueue_indirect_dma source(%arg11 : memref<128xf32, #tpu.memory_space<vmem>>) target(%dma_start3A_516 : memref<10112xf32, #tpu.memory_space<vmem_shared>>) offsets(%dma_start3A_514 : memref<128xi32, #tpu.memory_space<vmem>>) semaphore(%arg20 : memref<!tpu.dma_semaphore, #tpu.memory_space<semaphore_mem>>) {add = true}
      }
      %scan3A_304 = arith.constant 19 : i32
      %dma_wait3A_305 = arith.constant 0 : i32
      %dma_wait3A_306 = arith.constant 0 : i32
      %dma_wait3A_307 = tpu.memref_slice %arg7[%dma_wait3A_305, %dma_wait3A_306] : memref<40x128xi32, #tpu.memory_space<vmem>> -> memref<1x128xi32, #tpu.memory_space<vmem>>
      %dma_wait3A_308 = tpu.memref_squeeze %dma_wait3A_307 : memref<1x128xi32, #tpu.memory_space<vmem>> -> memref<128xi32, #tpu.memory_space<vmem>>
      %dma_wait3A_309 = arith.constant 0 : i32
      %dma_wait3A_310 = arith.constant 0 : i32
      %dma_wait3A_311 = tpu.memref_slice %arg2[%dma_wait3A_309, %dma_wait3A_310] : memref<10000x128xf32, #tpu.memory_space<hbm>> -> memref<10000x128xf32, #tpu.memory_space<hbm>>
      tpu.wait_indirect_dma semaphore(%arg15 : memref<!tpu.dma_semaphore, #tpu.memory_space<semaphore_mem>>) src(%dma_wait3A_311 : memref<10000x128xf32, #tpu.memory_space<hbm>>) dst(%arg9 : memref<128x128xf32, #tpu.memory_space<vmem>>)
      %dma_wait3A_312 = arith.constant 0 : i32
      %dma_wait3A_313 = arith.constant 0 : i32
      %dma_wait3A_314 = tpu.memref_slice %arg8[%dma_wait3A_312, %dma_wait3A_313] : memref<40x128xi32, #tpu.memory_space<vmem>> -> memref<1x128xi32, #tpu.memory_space<vmem>>
      %dma_wait3A_315 = tpu.memref_squeeze %dma_wait3A_314 : memref<1x128xi32, #tpu.memory_space<vmem>> -> memref<128xi32, #tpu.memory_space<vmem>>
      %dma_wait3A_316 = arith.constant 0 : i32
      %dma_wait3A_317 = arith.constant 0 : i32
      %dma_wait3A_318 = tpu.memref_slice %arg13[%dma_wait3A_316, %dma_wait3A_317] : memref<10112x128xf32, #tpu.memory_space<vmem_shared>> -> memref<10112x128xf32, #tpu.memory_space<vmem_shared>>
      tpu.wait_indirect_dma semaphore(%arg18 : memref<!tpu.dma_semaphore, #tpu.memory_space<semaphore_mem>>) src(%arg10 : memref<128x128xf32, #tpu.memory_space<vmem>>) dst(%dma_wait3A_318 : memref<10112x128xf32, #tpu.memory_space<vmem_shared>>)
      %dma_wait3A_319 = arith.constant 0 : i32
      %dma_wait3A_320 = arith.constant 0 : i32
      %dma_wait3A_321 = tpu.memref_slice %arg8[%dma_wait3A_319, %dma_wait3A_320] : memref<40x128xi32, #tpu.memory_space<vmem>> -> memref<1x128xi32, #tpu.memory_space<vmem>>
      %dma_wait3A_322 = tpu.memref_squeeze %dma_wait3A_321 : memref<1x128xi32, #tpu.memory_space<vmem>> -> memref<128xi32, #tpu.memory_space<vmem>>
      %dma_wait3A_323 = arith.constant 0 : i32
      %dma_wait3A_324 = tpu.memref_slice %arg14[%dma_wait3A_323] : memref<10112xf32, #tpu.memory_space<vmem_shared>> -> memref<10112xf32, #tpu.memory_space<vmem_shared>>
      tpu.wait_indirect_dma semaphore(%arg20 : memref<!tpu.dma_semaphore, #tpu.memory_space<semaphore_mem>>) src(%arg11 : memref<128xf32, #tpu.memory_space<vmem>>) dst(%dma_wait3A_324 : memref<10112xf32, #tpu.memory_space<vmem_shared>>)
      %mul3A_325 = arith.constant 80 : i32
      %mul3A_326 = arith.muli %arg1, %mul3A_325 : i32
      %add3A_327 = arith.constant 1280 : i32
      %add3A_328 = arith.addi %add3A_327, %mul3A_326 : i32
      %add3A_329 = arith.constant 40 : i32
      %add3A_330 = arith.addi %add3A_328, %add3A_329 : i32
      "tpu.region"() ({
        %run_scoped3A = tpu.sem_alloc : memref<!tpu.dma_semaphore, #tpu.memory_space<semaphore_mem>>
        %dma_start3A_431 = arith.constant 0 : i32
        %dma_start3A_432 = tpu.memref_slice %arg3[%add3A_330, %dma_start3A_431] : memref<2560x128xi32, #tpu.memory_space<hbm>> -> memref<40x128xi32, #tpu.memory_space<hbm>>
        %dma_start3A_433 = arith.constant 0 : i32
        %dma_start3A_434 = tpu.memref_slice %arg3[%add3A_330, %dma_start3A_433] : memref<2560x128xi32, #tpu.memory_space<hbm>> -> memref<40x128xi32, #tpu.memory_space<hbm>>
        tpu.enqueue_dma source(%dma_start3A_434 : memref<40x128xi32, #tpu.memory_space<hbm>>) target(%arg7 : memref<40x128xi32, #tpu.memory_space<vmem>>) target_semaphore(%run_scoped3A : memref<!tpu.dma_semaphore, #tpu.memory_space<semaphore_mem>>)
        %dma_wait3A_435 = arith.constant 0 : i32
        %dma_wait3A_436 = tpu.memref_slice %arg3[%add3A_330, %dma_wait3A_435] : memref<2560x128xi32, #tpu.memory_space<hbm>> -> memref<40x128xi32, #tpu.memory_space<hbm>>
        %dma_wait3A_437 = arith.constant 0 : i32
        %dma_wait3A_438 = tpu.memref_slice %arg3[%add3A_330, %dma_wait3A_437] : memref<2560x128xi32, #tpu.memory_space<hbm>> -> memref<40x128xi32, #tpu.memory_space<hbm>>
        tpu.wait_dma2 semaphore(%run_scoped3A : memref<!tpu.dma_semaphore, #tpu.memory_space<semaphore_mem>>) src(%dma_wait3A_438 : memref<40x128xi32, #tpu.memory_space<hbm>>) dst(%arg7 : memref<40x128xi32, #tpu.memory_space<vmem>>)
        tpu.yield
      }) : () -> ()
      "tpu.region"() ({
        %run_scoped3A = tpu.sem_alloc : memref<!tpu.dma_semaphore, #tpu.memory_space<semaphore_mem>>
        %dma_start3A_431 = arith.constant 0 : i32
        %dma_start3A_432 = tpu.memref_slice %arg4[%add3A_330, %dma_start3A_431] : memref<2560x128xi32, #tpu.memory_space<hbm>> -> memref<40x128xi32, #tpu.memory_space<hbm>>
        %dma_start3A_433 = arith.constant 0 : i32
        %dma_start3A_434 = tpu.memref_slice %arg4[%add3A_330, %dma_start3A_433] : memref<2560x128xi32, #tpu.memory_space<hbm>> -> memref<40x128xi32, #tpu.memory_space<hbm>>
        tpu.enqueue_dma source(%dma_start3A_434 : memref<40x128xi32, #tpu.memory_space<hbm>>) target(%arg8 : memref<40x128xi32, #tpu.memory_space<vmem>>) target_semaphore(%run_scoped3A : memref<!tpu.dma_semaphore, #tpu.memory_space<semaphore_mem>>)
        %dma_wait3A_435 = arith.constant 0 : i32
        %dma_wait3A_436 = tpu.memref_slice %arg4[%add3A_330, %dma_wait3A_435] : memref<2560x128xi32, #tpu.memory_space<hbm>> -> memref<40x128xi32, #tpu.memory_space<hbm>>
        %dma_wait3A_437 = arith.constant 0 : i32
        %dma_wait3A_438 = tpu.memref_slice %arg4[%add3A_330, %dma_wait3A_437] : memref<2560x128xi32, #tpu.memory_space<hbm>> -> memref<40x128xi32, #tpu.memory_space<hbm>>
        tpu.wait_dma2 semaphore(%run_scoped3A : memref<!tpu.dma_semaphore, #tpu.memory_space<semaphore_mem>>) src(%dma_wait3A_438 : memref<40x128xi32, #tpu.memory_space<hbm>>) dst(%arg8 : memref<40x128xi32, #tpu.memory_space<vmem>>)
        tpu.yield
      }) : () -> ()
      %dma_start3A_331 = arith.constant 0 : i32
      %dma_start3A_332 = arith.constant 0 : i32
      %dma_start3A_333 = tpu.memref_slice %arg7[%dma_start3A_331, %dma_start3A_332] : memref<40x128xi32, #tpu.memory_space<vmem>> -> memref<1x128xi32, #tpu.memory_space<vmem>>
      %dma_start3A_334 = tpu.memref_squeeze %dma_start3A_333 : memref<1x128xi32, #tpu.memory_space<vmem>> -> memref<128xi32, #tpu.memory_space<vmem>>
      %dma_start3A_335 = arith.constant 0 : i32
      %dma_start3A_336 = arith.constant 0 : i32
      %dma_start3A_337 = tpu.memref_slice %arg2[%dma_start3A_335, %dma_start3A_336] : memref<10000x128xf32, #tpu.memory_space<hbm>> -> memref<10000x128xf32, #tpu.memory_space<hbm>>
      tpu.enqueue_indirect_dma source(%dma_start3A_337 : memref<10000x128xf32, #tpu.memory_space<hbm>>) target(%arg9 : memref<128x128xf32, #tpu.memory_space<vmem>>) offsets(%dma_start3A_334 : memref<128xi32, #tpu.memory_space<vmem>>) semaphore(%arg15 : memref<!tpu.dma_semaphore, #tpu.memory_space<semaphore_mem>>)
      %dma_wait3A_338 = arith.constant 0 : i32
      %dma_wait3A_339 = arith.constant 0 : i32
      %dma_wait3A_340 = tpu.memref_slice %arg7[%dma_wait3A_338, %dma_wait3A_339] : memref<40x128xi32, #tpu.memory_space<vmem>> -> memref<1x128xi32, #tpu.memory_space<vmem>>
      %dma_wait3A_341 = tpu.memref_squeeze %dma_wait3A_340 : memref<1x128xi32, #tpu.memory_space<vmem>> -> memref<128xi32, #tpu.memory_space<vmem>>
      %dma_wait3A_342 = arith.constant 0 : i32
      %dma_wait3A_343 = arith.constant 0 : i32
      %dma_wait3A_344 = tpu.memref_slice %arg2[%dma_wait3A_342, %dma_wait3A_343] : memref<10000x128xf32, #tpu.memory_space<hbm>> -> memref<10000x128xf32, #tpu.memory_space<hbm>>
      tpu.wait_indirect_dma semaphore(%arg15 : memref<!tpu.dma_semaphore, #tpu.memory_space<semaphore_mem>>) src(%dma_wait3A_344 : memref<10000x128xf32, #tpu.memory_space<hbm>>) dst(%arg9 : memref<128x128xf32, #tpu.memory_space<vmem>>)
      %dma_start3A_345 = arith.constant 1 : i32
      %dma_start3A_346 = arith.constant 0 : i32
      %dma_start3A_347 = tpu.memref_slice %arg7[%dma_start3A_345, %dma_start3A_346] : memref<40x128xi32, #tpu.memory_space<vmem>> -> memref<1x128xi32, #tpu.memory_space<vmem>>
      %dma_start3A_348 = tpu.memref_squeeze %dma_start3A_347 : memref<1x128xi32, #tpu.memory_space<vmem>> -> memref<128xi32, #tpu.memory_space<vmem>>
      %dma_start3A_349 = arith.constant 0 : i32
      %dma_start3A_350 = arith.constant 0 : i32
      %dma_start3A_351 = tpu.memref_slice %arg2[%dma_start3A_349, %dma_start3A_350] : memref<10000x128xf32, #tpu.memory_space<hbm>> -> memref<10000x128xf32, #tpu.memory_space<hbm>>
      tpu.enqueue_indirect_dma source(%dma_start3A_351 : memref<10000x128xf32, #tpu.memory_space<hbm>>) target(%arg10 : memref<128x128xf32, #tpu.memory_space<vmem>>) offsets(%dma_start3A_348 : memref<128xi32, #tpu.memory_space<vmem>>) semaphore(%arg16 : memref<!tpu.dma_semaphore, #tpu.memory_space<semaphore_mem>>)
      %dma_start3A_352 = arith.constant 0 : i32
      %dma_start3A_353 = arith.constant 0 : i32
      %dma_start3A_354 = tpu.memref_slice %arg8[%dma_start3A_352, %dma_start3A_353] : memref<40x128xi32, #tpu.memory_space<vmem>> -> memref<1x128xi32, #tpu.memory_space<vmem>>
      %dma_start3A_355 = tpu.memref_squeeze %dma_start3A_354 : memref<1x128xi32, #tpu.memory_space<vmem>> -> memref<128xi32, #tpu.memory_space<vmem>>
      %dma_start3A_356 = arith.constant 0 : i32
      %dma_start3A_357 = arith.constant 0 : i32
      %dma_start3A_358 = tpu.memref_slice %arg13[%dma_start3A_356, %dma_start3A_357] : memref<10112x128xf32, #tpu.memory_space<vmem_shared>> -> memref<10112x128xf32, #tpu.memory_space<vmem_shared>>
      tpu.enqueue_indirect_dma source(%arg9 : memref<128x128xf32, #tpu.memory_space<vmem>>) target(%dma_start3A_358 : memref<10112x128xf32, #tpu.memory_space<vmem_shared>>) offsets(%dma_start3A_355 : memref<128xi32, #tpu.memory_space<vmem>>) semaphore(%arg17 : memref<!tpu.dma_semaphore, #tpu.memory_space<semaphore_mem>>) {add = true}
      %dma_start3A_359 = arith.constant 0 : i32
      %dma_start3A_360 = arith.constant 0 : i32
      %dma_start3A_361 = tpu.memref_slice %arg8[%dma_start3A_359, %dma_start3A_360] : memref<40x128xi32, #tpu.memory_space<vmem>> -> memref<1x128xi32, #tpu.memory_space<vmem>>
      %dma_start3A_362 = tpu.memref_squeeze %dma_start3A_361 : memref<1x128xi32, #tpu.memory_space<vmem>> -> memref<128xi32, #tpu.memory_space<vmem>>
      %dma_start3A_363 = arith.constant 0 : i32
      %dma_start3A_364 = tpu.memref_slice %arg14[%dma_start3A_363] : memref<10112xf32, #tpu.memory_space<vmem_shared>> -> memref<10112xf32, #tpu.memory_space<vmem_shared>>
      tpu.enqueue_indirect_dma source(%arg11 : memref<128xf32, #tpu.memory_space<vmem>>) target(%dma_start3A_364 : memref<10112xf32, #tpu.memory_space<vmem_shared>>) offsets(%dma_start3A_362 : memref<128xi32, #tpu.memory_space<vmem>>) semaphore(%arg19 : memref<!tpu.dma_semaphore, #tpu.memory_space<semaphore_mem>>) {add = true}
      %dma_wait3A_365 = arith.constant 0 : i32
      %dma_wait3A_366 = arith.constant 0 : i32
      %dma_wait3A_367 = tpu.memref_slice %arg7[%dma_wait3A_365, %dma_wait3A_366] : memref<40x128xi32, #tpu.memory_space<vmem>> -> memref<1x128xi32, #tpu.memory_space<vmem>>
      %dma_wait3A_368 = tpu.memref_squeeze %dma_wait3A_367 : memref<1x128xi32, #tpu.memory_space<vmem>> -> memref<128xi32, #tpu.memory_space<vmem>>
      %dma_wait3A_369 = arith.constant 0 : i32
      %dma_wait3A_370 = arith.constant 0 : i32
      %dma_wait3A_371 = tpu.memref_slice %arg2[%dma_wait3A_369, %dma_wait3A_370] : memref<10000x128xf32, #tpu.memory_space<hbm>> -> memref<10000x128xf32, #tpu.memory_space<hbm>>
      tpu.wait_indirect_dma semaphore(%arg16 : memref<!tpu.dma_semaphore, #tpu.memory_space<semaphore_mem>>) src(%dma_wait3A_371 : memref<10000x128xf32, #tpu.memory_space<hbm>>) dst(%arg10 : memref<128x128xf32, #tpu.memory_space<vmem>>)
      %dma_wait3A_372 = arith.constant 0 : i32
      %dma_wait3A_373 = arith.constant 0 : i32
      %dma_wait3A_374 = tpu.memref_slice %arg8[%dma_wait3A_372, %dma_wait3A_373] : memref<40x128xi32, #tpu.memory_space<vmem>> -> memref<1x128xi32, #tpu.memory_space<vmem>>
      %dma_wait3A_375 = tpu.memref_squeeze %dma_wait3A_374 : memref<1x128xi32, #tpu.memory_space<vmem>> -> memref<128xi32, #tpu.memory_space<vmem>>
      %dma_wait3A_376 = arith.constant 0 : i32
      %dma_wait3A_377 = arith.constant 0 : i32
      %dma_wait3A_378 = tpu.memref_slice %arg13[%dma_wait3A_376, %dma_wait3A_377] : memref<10112x128xf32, #tpu.memory_space<vmem_shared>> -> memref<10112x128xf32, #tpu.memory_space<vmem_shared>>
      tpu.wait_indirect_dma semaphore(%arg17 : memref<!tpu.dma_semaphore, #tpu.memory_space<semaphore_mem>>) src(%arg9 : memref<128x128xf32, #tpu.memory_space<vmem>>) dst(%dma_wait3A_378 : memref<10112x128xf32, #tpu.memory_space<vmem_shared>>)
      %dma_wait3A_379 = arith.constant 0 : i32
      %dma_wait3A_380 = arith.constant 0 : i32
      %dma_wait3A_381 = tpu.memref_slice %arg8[%dma_wait3A_379, %dma_wait3A_380] : memref<40x128xi32, #tpu.memory_space<vmem>> -> memref<1x128xi32, #tpu.memory_space<vmem>>
      %dma_wait3A_382 = tpu.memref_squeeze %dma_wait3A_381 : memref<1x128xi32, #tpu.memory_space<vmem>> -> memref<128xi32, #tpu.memory_space<vmem>>
      %dma_wait3A_383 = arith.constant 0 : i32
      %dma_wait3A_384 = tpu.memref_slice %arg14[%dma_wait3A_383] : memref<10112xf32, #tpu.memory_space<vmem_shared>> -> memref<10112xf32, #tpu.memory_space<vmem_shared>>
      tpu.wait_indirect_dma semaphore(%arg19 : memref<!tpu.dma_semaphore, #tpu.memory_space<semaphore_mem>>) src(%arg11 : memref<128xf32, #tpu.memory_space<vmem>>) dst(%dma_wait3A_384 : memref<10112xf32, #tpu.memory_space<vmem_shared>>)
      %dma_start3A_385 = arith.constant 2 : i32
      %dma_start3A_386 = arith.constant 0 : i32
      %dma_start3A_387 = tpu.memref_slice %arg7[%dma_start3A_385, %dma_start3A_386] : memref<40x128xi32, #tpu.memory_space<vmem>> -> memref<1x128xi32, #tpu.memory_space<vmem>>
      %dma_start3A_388 = tpu.memref_squeeze %dma_start3A_387 : memref<1x128xi32, #tpu.memory_space<vmem>> -> memref<128xi32, #tpu.memory_space<vmem>>
      %dma_start3A_389 = arith.constant 0 : i32
      %dma_start3A_390 = arith.constant 0 : i32
      %dma_start3A_391 = tpu.memref_slice %arg2[%dma_start3A_389, %dma_start3A_390] : memref<10000x128xf32, #tpu.memory_space<hbm>> -> memref<10000x128xf32, #tpu.memory_space<hbm>>
      tpu.enqueue_indirect_dma source(%dma_start3A_391 : memref<10000x128xf32, #tpu.memory_space<hbm>>) target(%arg9 : memref<128x128xf32, #tpu.memory_space<vmem>>) offsets(%dma_start3A_388 : memref<128xi32, #tpu.memory_space<vmem>>) semaphore(%arg15 : memref<!tpu.dma_semaphore, #tpu.memory_space<semaphore_mem>>)
      %dma_start3A_392 = arith.constant 1 : i32
      %dma_start3A_393 = arith.constant 0 : i32
      %dma_start3A_394 = tpu.memref_slice %arg8[%dma_start3A_392, %dma_start3A_393] : memref<40x128xi32, #tpu.memory_space<vmem>> -> memref<1x128xi32, #tpu.memory_space<vmem>>
      %dma_start3A_395 = tpu.memref_squeeze %dma_start3A_394 : memref<1x128xi32, #tpu.memory_space<vmem>> -> memref<128xi32, #tpu.memory_space<vmem>>
      %dma_start3A_396 = arith.constant 0 : i32
      %dma_start3A_397 = arith.constant 0 : i32
      %dma_start3A_398 = tpu.memref_slice %arg13[%dma_start3A_396, %dma_start3A_397] : memref<10112x128xf32, #tpu.memory_space<vmem_shared>> -> memref<10112x128xf32, #tpu.memory_space<vmem_shared>>
      tpu.enqueue_indirect_dma source(%arg10 : memref<128x128xf32, #tpu.memory_space<vmem>>) target(%dma_start3A_398 : memref<10112x128xf32, #tpu.memory_space<vmem_shared>>) offsets(%dma_start3A_395 : memref<128xi32, #tpu.memory_space<vmem>>) semaphore(%arg18 : memref<!tpu.dma_semaphore, #tpu.memory_space<semaphore_mem>>) {add = true}
      %dma_start3A_399 = arith.constant 1 : i32
      %dma_start3A_400 = arith.constant 0 : i32
      %dma_start3A_401 = tpu.memref_slice %arg8[%dma_start3A_399, %dma_start3A_400] : memref<40x128xi32, #tpu.memory_space<vmem>> -> memref<1x128xi32, #tpu.memory_space<vmem>>
      %dma_start3A_402 = tpu.memref_squeeze %dma_start3A_401 : memref<1x128xi32, #tpu.memory_space<vmem>> -> memref<128xi32, #tpu.memory_space<vmem>>
      %dma_start3A_403 = arith.constant 0 : i32
      %dma_start3A_404 = tpu.memref_slice %arg14[%dma_start3A_403] : memref<10112xf32, #tpu.memory_space<vmem_shared>> -> memref<10112xf32, #tpu.memory_space<vmem_shared>>
      tpu.enqueue_indirect_dma source(%arg11 : memref<128xf32, #tpu.memory_space<vmem>>) target(%dma_start3A_404 : memref<10112xf32, #tpu.memory_space<vmem_shared>>) offsets(%dma_start3A_402 : memref<128xi32, #tpu.memory_space<vmem>>) semaphore(%arg20 : memref<!tpu.dma_semaphore, #tpu.memory_space<semaphore_mem>>) {add = true}
      %scan3A_405 = arith.constant 0 : i32
      %scan3A_406 = arith.constant 1 : i32
      %scan3A_407 = arith.constant 19 : i32
      %scan3A_408 = arith.addi %scan3A_406, %scan3A_407 : i32
      %scan3A_409 = arith.constant 1 : i32
      scf.for %scan3A_431 = %scan3A_406 to %scan3A_408 step %scan3A_409  : i32 {
        %mul3A_432 = arith.constant 2 : i32
        %mul3A_433 = arith.muli %mul3A_432, %scan3A_431 : i32
        %mul3A_434 = arith.constant 2 : i32
        %mul3A_435 = arith.muli %mul3A_434, %scan3A_431 : i32
        %add3A_436 = arith.constant 1 : i32
        %add3A_437 = arith.addi %mul3A_435, %add3A_436 : i32
        %dma_wait3A_438 = arith.constant 0 : i32
        %dma_wait3A_439 = arith.constant 0 : i32
        %dma_wait3A_440 = tpu.memref_slice %arg7[%dma_wait3A_438, %dma_wait3A_439] : memref<40x128xi32, #tpu.memory_space<vmem>> -> memref<1x128xi32, #tpu.memory_space<vmem>>
        %dma_wait3A_441 = tpu.memref_squeeze %dma_wait3A_440 : memref<1x128xi32, #tpu.memory_space<vmem>> -> memref<128xi32, #tpu.memory_space<vmem>>
        %dma_wait3A_442 = arith.constant 0 : i32
        %dma_wait3A_443 = arith.constant 0 : i32
        %dma_wait3A_444 = tpu.memref_slice %arg2[%dma_wait3A_442, %dma_wait3A_443] : memref<10000x128xf32, #tpu.memory_space<hbm>> -> memref<10000x128xf32, #tpu.memory_space<hbm>>
        tpu.wait_indirect_dma semaphore(%arg15 : memref<!tpu.dma_semaphore, #tpu.memory_space<semaphore_mem>>) src(%dma_wait3A_444 : memref<10000x128xf32, #tpu.memory_space<hbm>>) dst(%arg9 : memref<128x128xf32, #tpu.memory_space<vmem>>)
        %dma_wait3A_445 = arith.constant 0 : i32
        %dma_wait3A_446 = arith.constant 0 : i32
        %dma_wait3A_447 = tpu.memref_slice %arg8[%dma_wait3A_445, %dma_wait3A_446] : memref<40x128xi32, #tpu.memory_space<vmem>> -> memref<1x128xi32, #tpu.memory_space<vmem>>
        %dma_wait3A_448 = tpu.memref_squeeze %dma_wait3A_447 : memref<1x128xi32, #tpu.memory_space<vmem>> -> memref<128xi32, #tpu.memory_space<vmem>>
        %dma_wait3A_449 = arith.constant 0 : i32
        %dma_wait3A_450 = arith.constant 0 : i32
        %dma_wait3A_451 = tpu.memref_slice %arg13[%dma_wait3A_449, %dma_wait3A_450] : memref<10112x128xf32, #tpu.memory_space<vmem_shared>> -> memref<10112x128xf32, #tpu.memory_space<vmem_shared>>
        tpu.wait_indirect_dma semaphore(%arg18 : memref<!tpu.dma_semaphore, #tpu.memory_space<semaphore_mem>>) src(%arg10 : memref<128x128xf32, #tpu.memory_space<vmem>>) dst(%dma_wait3A_451 : memref<10112x128xf32, #tpu.memory_space<vmem_shared>>)
        %dma_wait3A_452 = arith.constant 0 : i32
        %dma_wait3A_453 = arith.constant 0 : i32
        %dma_wait3A_454 = tpu.memref_slice %arg8[%dma_wait3A_452, %dma_wait3A_453] : memref<40x128xi32, #tpu.memory_space<vmem>> -> memref<1x128xi32, #tpu.memory_space<vmem>>
        %dma_wait3A_455 = tpu.memref_squeeze %dma_wait3A_454 : memref<1x128xi32, #tpu.memory_space<vmem>> -> memref<128xi32, #tpu.memory_space<vmem>>
        %dma_wait3A_456 = arith.constant 0 : i32
        %dma_wait3A_457 = tpu.memref_slice %arg14[%dma_wait3A_456] : memref<10112xf32, #tpu.memory_space<vmem_shared>> -> memref<10112xf32, #tpu.memory_space<vmem_shared>>
        tpu.wait_indirect_dma semaphore(%arg20 : memref<!tpu.dma_semaphore, #tpu.memory_space<semaphore_mem>>) src(%arg11 : memref<128xf32, #tpu.memory_space<vmem>>) dst(%dma_wait3A_457 : memref<10112xf32, #tpu.memory_space<vmem_shared>>)
        %dma_start3A_458 = arith.constant 0 : i32
        %dma_start3A_459 = tpu.memref_slice %arg7[%add3A_437, %dma_start3A_458] : memref<40x128xi32, #tpu.memory_space<vmem>> -> memref<1x128xi32, #tpu.memory_space<vmem>>
        %dma_start3A_460 = tpu.memref_squeeze %dma_start3A_459 : memref<1x128xi32, #tpu.memory_space<vmem>> -> memref<128xi32, #tpu.memory_space<vmem>>
        %dma_start3A_461 = arith.constant 0 : i32
        %dma_start3A_462 = arith.constant 0 : i32
        %dma_start3A_463 = tpu.memref_slice %arg2[%dma_start3A_461, %dma_start3A_462] : memref<10000x128xf32, #tpu.memory_space<hbm>> -> memref<10000x128xf32, #tpu.memory_space<hbm>>
        tpu.enqueue_indirect_dma source(%dma_start3A_463 : memref<10000x128xf32, #tpu.memory_space<hbm>>) target(%arg10 : memref<128x128xf32, #tpu.memory_space<vmem>>) offsets(%dma_start3A_460 : memref<128xi32, #tpu.memory_space<vmem>>) semaphore(%arg16 : memref<!tpu.dma_semaphore, #tpu.memory_space<semaphore_mem>>)
        %dma_start3A_464 = arith.constant 0 : i32
        %dma_start3A_465 = tpu.memref_slice %arg8[%mul3A_433, %dma_start3A_464] : memref<40x128xi32, #tpu.memory_space<vmem>> -> memref<1x128xi32, #tpu.memory_space<vmem>>
        %dma_start3A_466 = tpu.memref_squeeze %dma_start3A_465 : memref<1x128xi32, #tpu.memory_space<vmem>> -> memref<128xi32, #tpu.memory_space<vmem>>
        %dma_start3A_467 = arith.constant 0 : i32
        %dma_start3A_468 = arith.constant 0 : i32
        %dma_start3A_469 = tpu.memref_slice %arg13[%dma_start3A_467, %dma_start3A_468] : memref<10112x128xf32, #tpu.memory_space<vmem_shared>> -> memref<10112x128xf32, #tpu.memory_space<vmem_shared>>
        tpu.enqueue_indirect_dma source(%arg9 : memref<128x128xf32, #tpu.memory_space<vmem>>) target(%dma_start3A_469 : memref<10112x128xf32, #tpu.memory_space<vmem_shared>>) offsets(%dma_start3A_466 : memref<128xi32, #tpu.memory_space<vmem>>) semaphore(%arg17 : memref<!tpu.dma_semaphore, #tpu.memory_space<semaphore_mem>>) {add = true}
        %dma_start3A_470 = arith.constant 0 : i32
        %dma_start3A_471 = tpu.memref_slice %arg8[%mul3A_433, %dma_start3A_470] : memref<40x128xi32, #tpu.memory_space<vmem>> -> memref<1x128xi32, #tpu.memory_space<vmem>>
        %dma_start3A_472 = tpu.memref_squeeze %dma_start3A_471 : memref<1x128xi32, #tpu.memory_space<vmem>> -> memref<128xi32, #tpu.memory_space<vmem>>
        %dma_start3A_473 = arith.constant 0 : i32
        %dma_start3A_474 = tpu.memref_slice %arg14[%dma_start3A_473] : memref<10112xf32, #tpu.memory_space<vmem_shared>> -> memref<10112xf32, #tpu.memory_space<vmem_shared>>
        tpu.enqueue_indirect_dma source(%arg11 : memref<128xf32, #tpu.memory_space<vmem>>) target(%dma_start3A_474 : memref<10112xf32, #tpu.memory_space<vmem_shared>>) offsets(%dma_start3A_472 : memref<128xi32, #tpu.memory_space<vmem>>) semaphore(%arg19 : memref<!tpu.dma_semaphore, #tpu.memory_space<semaphore_mem>>) {add = true}
        %dma_wait3A_475 = arith.constant 0 : i32
        %dma_wait3A_476 = arith.constant 0 : i32
        %dma_wait3A_477 = tpu.memref_slice %arg7[%dma_wait3A_475, %dma_wait3A_476] : memref<40x128xi32, #tpu.memory_space<vmem>> -> memref<1x128xi32, #tpu.memory_space<vmem>>
        %dma_wait3A_478 = tpu.memref_squeeze %dma_wait3A_477 : memref<1x128xi32, #tpu.memory_space<vmem>> -> memref<128xi32, #tpu.memory_space<vmem>>
        %dma_wait3A_479 = arith.constant 0 : i32
        %dma_wait3A_480 = arith.constant 0 : i32
        %dma_wait3A_481 = tpu.memref_slice %arg2[%dma_wait3A_479, %dma_wait3A_480] : memref<10000x128xf32, #tpu.memory_space<hbm>> -> memref<10000x128xf32, #tpu.memory_space<hbm>>
        tpu.wait_indirect_dma semaphore(%arg16 : memref<!tpu.dma_semaphore, #tpu.memory_space<semaphore_mem>>) src(%dma_wait3A_481 : memref<10000x128xf32, #tpu.memory_space<hbm>>) dst(%arg10 : memref<128x128xf32, #tpu.memory_space<vmem>>)
        %dma_wait3A_482 = arith.constant 0 : i32
        %dma_wait3A_483 = arith.constant 0 : i32
        %dma_wait3A_484 = tpu.memref_slice %arg8[%dma_wait3A_482, %dma_wait3A_483] : memref<40x128xi32, #tpu.memory_space<vmem>> -> memref<1x128xi32, #tpu.memory_space<vmem>>
        %dma_wait3A_485 = tpu.memref_squeeze %dma_wait3A_484 : memref<1x128xi32, #tpu.memory_space<vmem>> -> memref<128xi32, #tpu.memory_space<vmem>>
        %dma_wait3A_486 = arith.constant 0 : i32
        %dma_wait3A_487 = arith.constant 0 : i32
        %dma_wait3A_488 = tpu.memref_slice %arg13[%dma_wait3A_486, %dma_wait3A_487] : memref<10112x128xf32, #tpu.memory_space<vmem_shared>> -> memref<10112x128xf32, #tpu.memory_space<vmem_shared>>
        tpu.wait_indirect_dma semaphore(%arg17 : memref<!tpu.dma_semaphore, #tpu.memory_space<semaphore_mem>>) src(%arg9 : memref<128x128xf32, #tpu.memory_space<vmem>>) dst(%dma_wait3A_488 : memref<10112x128xf32, #tpu.memory_space<vmem_shared>>)
        %dma_wait3A_489 = arith.constant 0 : i32
        %dma_wait3A_490 = arith.constant 0 : i32
        %dma_wait3A_491 = tpu.memref_slice %arg8[%dma_wait3A_489, %dma_wait3A_490] : memref<40x128xi32, #tpu.memory_space<vmem>> -> memref<1x128xi32, #tpu.memory_space<vmem>>
        %dma_wait3A_492 = tpu.memref_squeeze %dma_wait3A_491 : memref<1x128xi32, #tpu.memory_space<vmem>> -> memref<128xi32, #tpu.memory_space<vmem>>
        %dma_wait3A_493 = arith.constant 0 : i32
        %dma_wait3A_494 = tpu.memref_slice %arg14[%dma_wait3A_493] : memref<10112xf32, #tpu.memory_space<vmem_shared>> -> memref<10112xf32, #tpu.memory_space<vmem_shared>>
        tpu.wait_indirect_dma semaphore(%arg19 : memref<!tpu.dma_semaphore, #tpu.memory_space<semaphore_mem>>) src(%arg11 : memref<128xf32, #tpu.memory_space<vmem>>) dst(%dma_wait3A_494 : memref<10112xf32, #tpu.memory_space<vmem_shared>>)
        %add3A_495 = arith.constant 1 : i32
        %add3A_496 = arith.addi %add3A_437, %add3A_495 : i32
        %lt3A = arith.constant 40 : i32
        %lt3A_497 = arith.cmpi slt, %add3A_496, %lt3A : i32
        %add3A_498 = arith.constant 1 : i32
        %add3A_499 = arith.addi %add3A_437, %add3A_498 : i32
        %jit3A = arith.constant 0 : i32
        %select_n3A = arith.select %lt3A_497, %add3A_499, %jit3A : i32
        %dma_start3A_500 = arith.constant 0 : i32
        %dma_start3A_501 = tpu.memref_slice %arg7[%select_n3A, %dma_start3A_500] : memref<40x128xi32, #tpu.memory_space<vmem>> -> memref<1x128xi32, #tpu.memory_space<vmem>>
        %dma_start3A_502 = tpu.memref_squeeze %dma_start3A_501 : memref<1x128xi32, #tpu.memory_space<vmem>> -> memref<128xi32, #tpu.memory_space<vmem>>
        %dma_start3A_503 = arith.constant 0 : i32
        %dma_start3A_504 = arith.constant 0 : i32
        %dma_start3A_505 = tpu.memref_slice %arg2[%dma_start3A_503, %dma_start3A_504] : memref<10000x128xf32, #tpu.memory_space<hbm>> -> memref<10000x128xf32, #tpu.memory_space<hbm>>
        tpu.enqueue_indirect_dma source(%dma_start3A_505 : memref<10000x128xf32, #tpu.memory_space<hbm>>) target(%arg9 : memref<128x128xf32, #tpu.memory_space<vmem>>) offsets(%dma_start3A_502 : memref<128xi32, #tpu.memory_space<vmem>>) semaphore(%arg15 : memref<!tpu.dma_semaphore, #tpu.memory_space<semaphore_mem>>)
        %dma_start3A_506 = arith.constant 0 : i32
        %dma_start3A_507 = tpu.memref_slice %arg8[%add3A_437, %dma_start3A_506] : memref<40x128xi32, #tpu.memory_space<vmem>> -> memref<1x128xi32, #tpu.memory_space<vmem>>
        %dma_start3A_508 = tpu.memref_squeeze %dma_start3A_507 : memref<1x128xi32, #tpu.memory_space<vmem>> -> memref<128xi32, #tpu.memory_space<vmem>>
        %dma_start3A_509 = arith.constant 0 : i32
        %dma_start3A_510 = arith.constant 0 : i32
        %dma_start3A_511 = tpu.memref_slice %arg13[%dma_start3A_509, %dma_start3A_510] : memref<10112x128xf32, #tpu.memory_space<vmem_shared>> -> memref<10112x128xf32, #tpu.memory_space<vmem_shared>>
        tpu.enqueue_indirect_dma source(%arg10 : memref<128x128xf32, #tpu.memory_space<vmem>>) target(%dma_start3A_511 : memref<10112x128xf32, #tpu.memory_space<vmem_shared>>) offsets(%dma_start3A_508 : memref<128xi32, #tpu.memory_space<vmem>>) semaphore(%arg18 : memref<!tpu.dma_semaphore, #tpu.memory_space<semaphore_mem>>) {add = true}
        %dma_start3A_512 = arith.constant 0 : i32
        %dma_start3A_513 = tpu.memref_slice %arg8[%add3A_437, %dma_start3A_512] : memref<40x128xi32, #tpu.memory_space<vmem>> -> memref<1x128xi32, #tpu.memory_space<vmem>>
        %dma_start3A_514 = tpu.memref_squeeze %dma_start3A_513 : memref<1x128xi32, #tpu.memory_space<vmem>> -> memref<128xi32, #tpu.memory_space<vmem>>
        %dma_start3A_515 = arith.constant 0 : i32
        %dma_start3A_516 = tpu.memref_slice %arg14[%dma_start3A_515] : memref<10112xf32, #tpu.memory_space<vmem_shared>> -> memref<10112xf32, #tpu.memory_space<vmem_shared>>
        tpu.enqueue_indirect_dma source(%arg11 : memref<128xf32, #tpu.memory_space<vmem>>) target(%dma_start3A_516 : memref<10112xf32, #tpu.memory_space<vmem_shared>>) offsets(%dma_start3A_514 : memref<128xi32, #tpu.memory_space<vmem>>) semaphore(%arg20 : memref<!tpu.dma_semaphore, #tpu.memory_space<semaphore_mem>>) {add = true}
      }
      %scan3A_410 = arith.constant 19 : i32
      %dma_wait3A_411 = arith.constant 0 : i32
      %dma_wait3A_412 = arith.constant 0 : i32
      %dma_wait3A_413 = tpu.memref_slice %arg7[%dma_wait3A_411, %dma_wait3A_412] : memref<40x128xi32, #tpu.memory_space<vmem>> -> memref<1x128xi32, #tpu.memory_space<vmem>>
      %dma_wait3A_414 = tpu.memref_squeeze %dma_wait3A_413 : memref<1x128xi32, #tpu.memory_space<vmem>> -> memref<128xi32, #tpu.memory_space<vmem>>
      %dma_wait3A_415 = arith.constant 0 : i32
      %dma_wait3A_416 = arith.constant 0 : i32
      %dma_wait3A_417 = tpu.memref_slice %arg2[%dma_wait3A_415, %dma_wait3A_416] : memref<10000x128xf32, #tpu.memory_space<hbm>> -> memref<10000x128xf32, #tpu.memory_space<hbm>>
      tpu.wait_indirect_dma semaphore(%arg15 : memref<!tpu.dma_semaphore, #tpu.memory_space<semaphore_mem>>) src(%dma_wait3A_417 : memref<10000x128xf32, #tpu.memory_space<hbm>>) dst(%arg9 : memref<128x128xf32, #tpu.memory_space<vmem>>)
      %dma_wait3A_418 = arith.constant 0 : i32
      %dma_wait3A_419 = arith.constant 0 : i32
      %dma_wait3A_420 = tpu.memref_slice %arg8[%dma_wait3A_418, %dma_wait3A_419] : memref<40x128xi32, #tpu.memory_space<vmem>> -> memref<1x128xi32, #tpu.memory_space<vmem>>
      %dma_wait3A_421 = tpu.memref_squeeze %dma_wait3A_420 : memref<1x128xi32, #tpu.memory_space<vmem>> -> memref<128xi32, #tpu.memory_space<vmem>>
      %dma_wait3A_422 = arith.constant 0 : i32
      %dma_wait3A_423 = arith.constant 0 : i32
      %dma_wait3A_424 = tpu.memref_slice %arg13[%dma_wait3A_422, %dma_wait3A_423] : memref<10112x128xf32, #tpu.memory_space<vmem_shared>> -> memref<10112x128xf32, #tpu.memory_space<vmem_shared>>
      tpu.wait_indirect_dma semaphore(%arg18 : memref<!tpu.dma_semaphore, #tpu.memory_space<semaphore_mem>>) src(%arg10 : memref<128x128xf32, #tpu.memory_space<vmem>>) dst(%dma_wait3A_424 : memref<10112x128xf32, #tpu.memory_space<vmem_shared>>)
      %dma_wait3A_425 = arith.constant 0 : i32
      %dma_wait3A_426 = arith.constant 0 : i32
      %dma_wait3A_427 = tpu.memref_slice %arg8[%dma_wait3A_425, %dma_wait3A_426] : memref<40x128xi32, #tpu.memory_space<vmem>> -> memref<1x128xi32, #tpu.memory_space<vmem>>
      %dma_wait3A_428 = tpu.memref_squeeze %dma_wait3A_427 : memref<1x128xi32, #tpu.memory_space<vmem>> -> memref<128xi32, #tpu.memory_space<vmem>>
      %dma_wait3A_429 = arith.constant 0 : i32
      %dma_wait3A_430 = tpu.memref_slice %arg14[%dma_wait3A_429] : memref<10112xf32, #tpu.memory_space<vmem_shared>> -> memref<10112xf32, #tpu.memory_space<vmem_shared>>
      tpu.wait_indirect_dma semaphore(%arg20 : memref<!tpu.dma_semaphore, #tpu.memory_space<semaphore_mem>>) src(%arg11 : memref<128xf32, #tpu.memory_space<vmem>>) dst(%dma_wait3A_430 : memref<10112xf32, #tpu.memory_space<vmem_shared>>)
    } else {
    }
    %barrier3A_217 = arith.constant 0 : index
    tpu.barrier barrier_id(%barrier3A_217)
    %mul3A_218 = arith.constant 10112 : i32
    %mul3A_219 = arith.muli %arg0, %mul3A_218 : i32
    %add3A_220 = arith.addi %mul3A_219, %mul3A_199 : i32
    "tpu.region"() ({
      %run_scoped3A = tpu.sem_alloc : memref<!tpu.dma_semaphore, #tpu.memory_space<semaphore_mem>>
      %dma_start3A = arith.constant 0 : i32
      %dma_start3A_221 = tpu.memref_slice %arg5[%add3A_220, %dma_start3A] : memref<20224x128xf32, #tpu.memory_space<hbm>> -> memref<632x128xf32, #tpu.memory_space<hbm>>
      %dma_start3A_222 = arith.constant 0 : i32
      %dma_start3A_223 = tpu.memref_slice %arg13[%mul3A_199, %dma_start3A_222] : memref<10112x128xf32, #tpu.memory_space<vmem_shared>> -> memref<632x128xf32, #tpu.memory_space<vmem_shared>>
      tpu.enqueue_dma source(%dma_start3A_223 : memref<632x128xf32, #tpu.memory_space<vmem_shared>>) target(%dma_start3A_221 : memref<632x128xf32, #tpu.memory_space<hbm>>) target_semaphore(%run_scoped3A : memref<!tpu.dma_semaphore, #tpu.memory_space<semaphore_mem>>)
      %dma_wait3A = arith.constant 0 : i32
      %dma_wait3A_224 = tpu.memref_slice %arg5[%add3A_220, %dma_wait3A] : memref<20224x128xf32, #tpu.memory_space<hbm>> -> memref<632x128xf32, #tpu.memory_space<hbm>>
      %dma_wait3A_225 = arith.constant 0 : i32
      %dma_wait3A_226 = tpu.memref_slice %arg13[%mul3A_199, %dma_wait3A_225] : memref<10112x128xf32, #tpu.memory_space<vmem_shared>> -> memref<632x128xf32, #tpu.memory_space<vmem_shared>>
      tpu.wait_dma2 semaphore(%run_scoped3A : memref<!tpu.dma_semaphore, #tpu.memory_space<semaphore_mem>>) src(%dma_wait3A_226 : memref<632x128xf32, #tpu.memory_space<vmem_shared>>) dst(%dma_wait3A_224 : memref<632x128xf32, #tpu.memory_space<hbm>>)
      tpu.yield
    }) : () -> ()
    "tpu.region"() ({
      %run_scoped3A = tpu.sem_alloc : memref<!tpu.dma_semaphore, #tpu.memory_space<semaphore_mem>>
      %dma_start3A = tpu.memref_slice %arg14[%mul3A_199] : memref<10112xf32, #tpu.memory_space<vmem_shared>> -> memref<632xf32, #tpu.memory_space<vmem_shared>>
      %dma_start3A_221 = tpu.memref_slice %arg14[%mul3A_199] : memref<10112xf32, #tpu.memory_space<vmem_shared>> -> memref<632xf32, #tpu.memory_space<vmem_shared>>
      tpu.enqueue_dma source(%dma_start3A_221 : memref<632xf32, #tpu.memory_space<vmem_shared>>) target(%arg12 : memref<632xf32, #tpu.memory_space<vmem>>) target_semaphore(%run_scoped3A : memref<!tpu.dma_semaphore, #tpu.memory_space<semaphore_mem>>)
      %dma_wait3A = tpu.memref_slice %arg14[%mul3A_199] : memref<10112xf32, #tpu.memory_space<vmem_shared>> -> memref<632xf32, #tpu.memory_space<vmem_shared>>
      %dma_wait3A_222 = tpu.memref_slice %arg14[%mul3A_199] : memref<10112xf32, #tpu.memory_space<vmem_shared>> -> memref<632xf32, #tpu.memory_space<vmem_shared>>
      tpu.wait_dma2 semaphore(%run_scoped3A : memref<!tpu.dma_semaphore, #tpu.memory_space<semaphore_mem>>) src(%dma_wait3A_222 : memref<632xf32, #tpu.memory_space<vmem_shared>>) dst(%arg12 : memref<632xf32, #tpu.memory_space<vmem>>)
      tpu.yield
    }) : () -> ()
    "tpu.region"() ({
      %run_scoped3A = tpu.sem_alloc : memref<!tpu.dma_semaphore, #tpu.memory_space<semaphore_mem>>
      %dma_start3A = tpu.memref_slice %arg6[%add3A_220] : memref<20224xf32, #tpu.memory_space<hbm>> -> memref<632xf32, #tpu.memory_space<hbm>>
      %dma_start3A_221 = tpu.memref_slice %arg6[%add3A_220] : memref<20224xf32, #tpu.memory_space<hbm>> -> memref<632xf32, #tpu.memory_space<hbm>>
      tpu.enqueue_dma source(%arg12 : memref<632xf32, #tpu.memory_space<vmem>>) target(%dma_start3A_221 : memref<632xf32, #tpu.memory_space<hbm>>) target_semaphore(%run_scoped3A : memref<!tpu.dma_semaphore, #tpu.memory_space<semaphore_mem>>)
      %dma_wait3A = tpu.memref_slice %arg6[%add3A_220] : memref<20224xf32, #tpu.memory_space<hbm>> -> memref<632xf32, #tpu.memory_space<hbm>>
      %dma_wait3A_222 = tpu.memref_slice %arg6[%add3A_220] : memref<20224xf32, #tpu.memory_space<hbm>> -> memref<632xf32, #tpu.memory_space<hbm>>
      tpu.wait_dma2 semaphore(%run_scoped3A : memref<!tpu.dma_semaphore, #tpu.memory_space<semaphore_mem>>) src(%arg12 : memref<632xf32, #tpu.memory_space<vmem>>) dst(%dma_wait3A_222 : memref<632xf32, #tpu.memory_space<hbm>>)
      tpu.yield
    }) : () -> ()
    return
  }
}

module attributes {stable_mosaic.version = 14 : i64} {
  func.func @body(%arg0: memref<20224x128xf32, #tpu.memory_space<vmem>>, %arg1: memref<20224xf32, #tpu.memory_space<vmem>>, %arg2: memref<10000x128xf32, #tpu.memory_space<vmem>>) attributes {dimension_semantics = [], scalar_prefetch = 0 : i64, scratch_operands = 0 : i64, tpu.core_type = #tpu.core_type<tc>} {
    %get3A = arith.constant 0 : index
    %get3A_0 = arith.constant 0 : index
    %get3A_1 = vector.load %arg0[%get3A, %get3A_0] : memref<20224x128xf32, #tpu.memory_space<vmem>>, vector<10000x128xf32>
    %get3A_2 = arith.constant 10112 : index
    %get3A_3 = arith.constant 0 : index
    %get3A_4 = vector.load %arg0[%get3A_2, %get3A_3] : memref<20224x128xf32, #tpu.memory_space<vmem>>, vector<10000x128xf32>
    %get3A_5 = arith.constant 0 : index
    %get3A_6 = vector.load %arg1[%get3A_5] : memref<20224xf32, #tpu.memory_space<vmem>>, vector<10000xf32>
    %get3A_7 = arith.constant 10112 : index
    %get3A_8 = vector.load %arg1[%get3A_7] : memref<20224xf32, #tpu.memory_space<vmem>>, vector<10000xf32>
    %add3A = arith.addf %get3A_6, %get3A_8 : vector<10000xf32>
    %max3A = arith.constant 1.000000e+00 : f32
    %max3A_9 = vector.broadcast %max3A : f32 to vector<10000xf32>
    %max3A_10 = arith.maximumf %add3A, %max3A_9 : vector<10000xf32>
    %add3A_11 = arith.addf %get3A_1, %get3A_4 : vector<10000x128xf32>
    %reshape3A = vector.shape_cast %max3A_10 : vector<10000xf32> to vector<10000x1xf32>
    %div3A = vector.broadcast %reshape3A : vector<10000x1xf32> to vector<10000x128xf32>
    %div3A_12 = arith.divf %add3A_11, %div3A : vector<10000x128xf32>
    %swap3A = arith.constant 0 : index
    %swap3A_13 = arith.constant 0 : index
    %swap3A_14 = vector.load %arg2[%swap3A, %swap3A_13] : memref<10000x128xf32, #tpu.memory_space<vmem>>, vector<10000x128xf32>
    tpu.vector_store %arg2[%swap3A, %swap3A_13], %div3A_12 {strides = array<i32>} : memref<10000x128xf32, #tpu.memory_space<vmem>>, vector<10000x128xf32>,
    return
  }
}

</mosaic_0001>

<sc_bundles>
// kernel: kernel.4.cloned.1.call-start
scs
__scs_entry_jumppad:
0x0: {  	(pc) =	sbr.rel $0x88, $3  }
0x1: {  	(tag) =	ssettag $0x0;
	lr =	simm.s32 $0x1  }
0x2: {  	[smem:$0x3F9F] =	sst lr;
	_ =	strace $0xD0000000  }
0x3: {  	_ = 	snop  }
0x4: {  	_ = 	snop  }
0x5: {  	_ = 	snop  }
0x6: {  	_ = 	snop  }
0x7: {  	_ = 	snop  }
__scs_overlays_trampoline_lowered:
0x8: {  	[smem:$0x3FAE] =	sst s0  }
0x9: {  	[smem:$0x3FAF] =	sst s1  }
0xa: {  	[smem:$0x3FB0] =	sst s2  }
0xb: {  	[smem:$0x3FB1] =	sst s3  }
0xc: {  	[smem:$0x3FB2] =	sst s4  }
0xd: {  	[smem:$0x3FB3] =	sst s5  }
0xe: {  	[smem:$0x3FB4] =	sst s6  }
0xf: {  	[smem:$0x3FB5] =	sst s7  }
0x10: {  	[smem:$0x3FB6] =	sst s8  }
0x11: {  	[smem:$0x3FB7] =	sst s9;
	s0 =	simm.s32 @!p0 $0x0  }
0x12: {  	s1 =	sld [smem:$0x3F9D];
	s0 =	simm.s32 @p0 $0x1  }
0x13: {  	[smem:$0x3FB8] =	sst s0;
	s0 =	simm.s32 @!p1 $0x0  }
0x14: {  	s2 =	sld [smem:$0x3F9C];
	s0 =	simm.s32 @p1 $0x1  }
0x15: {  	[smem:$0x3FB9] =	sst s0;
	s0 =	simm.s32 @!p2 $0x0  }
0x16: {  	s3 =	sld [smem:$0x3FDB];
	s0 =	simm.s32 @p2 $0x1  }
0x17: {  	s4 =	simm.s32 $0x1BF5;
	[smem:$0x3FBB] =	sst s0  }
0x18: {  	s0 =	sld [smem:$0x3F9E];
	_ =	swait.ge [sflag:s4], $0x0  }
0x19: {  	s7 =	sld [smem:$0x3F9F]  }
0x1a: {  	s8 =	sadd.s32 $0xFFFFE003, lr  }
0x1b: {  	s9 =	sadd.s32 $0xFFFFFEF7, lr;
	s5 =	simm.s32 $0xFFFFFFFF;
	p2 =	slt.u32 s8, $0xFFFFF086  }
0x1c: {  	p1 =	slt.u32 s9, $0xF7A;
	s5 =	simm.s32 @!p2 $0x0  }
0x1d: {  	s5 =	simm.s32 @p1 $0x1;
	p0 =	seq.s32 s7, s2  }
0x1e: {  	s7 =	smul.u32 @!p0 $0xF7A, s2;
	p2 =	seq.s32 @!p0 s5, $0x0  }
0x1f: {  	s9 =	smul.u32 $0xF7A, s1;
	s8 =	simm.s32 @!p0 $0x1BF5;
	p2 =	por !p2, p0  }
0x20: {  	[sflag:s8] =	ssyncset.s32 @!p0 $0xFFFFF086;
	s6 =	sadd.s32 @!p0 s3, s7;
	s7 =	simm.s32 @!p0 $0x108  }
0x21: {  	s3 =	sadd.s32 s3, s9;
	s6 =	sadd.s32 @!p0 $0x88, s6;
	s7 =	simm.s32 @p2 $0x1082  }
0x22: {  	[simem:s7], [sflag:s8] =	dma.local @!p0 [hbm:s6], $0xF7A  }
0x23: {  	s9 =	sor.u32 $0xD0000000, s2;
	s6 =	simm.s32 $0x108;
	_ =	swait.ge @!p0 [sflag:s8], $0x0  }
0x24: {  	s3 =	sadd.s32 $0x88, s3;
	s6 =	simm.s32 @!p1 $0x1082;
	[sflag:s4] =	ssyncset.s32 $0xFFFFF086  }
0x25: {  	[simem:s6], [sflag:s4] =	dma.local [hbm:s3], $0xF7A  }
0x26: {  	[smem:$0x3F9F] =	sst s1;
	(tag) =	ssettag s2;
	_ =	strace s9  }
0x27: {  	s1 =	sld [smem:$0x3FAF]  }
0x28: {  	s2 =	sld [smem:$0x3FB0]  }
0x29: {  	s4 =	sld [smem:$0x3FB2]  }
0x2a: {  	p0 =	seq.s32 s5, $0x0;
	s5 =	sld [smem:$0x3FB3]  }
0x2b: {  	s6 =	sld [smem:$0x3FB4]  }
0x2c: {  	s7 =	sld [smem:$0x3FB5]  }
0x2d: {  	s3 =	simm.s32 $0x108;
	s8 =	sld [smem:$0x3FB6]  }
0x2e: {  	s3 =	simm.s32 @!p0 $0x1082;
	s9 =	sld [smem:$0x3FB7]  }
0x2f: {  	lr =	sadd.s32 s0, s3;
	s0 =	sld [smem:$0x3FAE]  }
0x30: {  	s3 =	sld [smem:$0x3FB1]  }
0x31: {  	[smem:$0x3FBA] =	sst s10  }
0x32: {  	s10 =	sld [smem:$0x3FB8];
	_ =	sdelay $0x3  }
0x33: {  	p0 =	seq.s32 s10, $0x1;
	s10 =	sld [smem:$0x3FBA];
	_ =	sdelay $0x3  }
0x34: {  	[smem:$0x3FBA] =	sst s10  }
0x35: {  	s10 =	sld [smem:$0x3FB9];
	_ =	sdelay $0x3  }
0x36: {  	p1 =	seq.s32 s10, $0x1;
	s10 =	sld [smem:$0x3FBA];
	_ =	sdelay $0x3  }
0x37: {  	[smem:$0x3FBA] =	sst s10  }
0x38: {  	s10 =	sld [smem:$0x3FBB]  }
0x39: {  	_ = 	snop;
	(pc) =	sbr.ind lr, $3  }
0x3a: {  	_ = 	snop  }
0x3b: {  	_ = 	snop  }
0x3c: {  	p2 =	seq.s32 s10, $0x1;
	s10 =	sld [smem:$0x3FBA]  }
0x3d: {  	_ =	shalt  }
0x3e: {  	_ =	shalt  }
0x3f: {  	_ =	shalt  }
0x40: {  	_ =	shalt  }
0x41: {  	_ =	shalt  }
0x42: {  	_ =	shalt  }
0x43: {  	_ =	shalt  }
0x44: {  	_ =	shalt  }
0x45: {  	_ =	shalt  }
0x46: {  	_ =	shalt  }
0x47: {  	_ =	shalt  }
0x48: {  	_ =	shalt  }
0x49: {  	_ =	shalt  }
0x4a: {  	_ =	shalt  }
0x4b: {  	_ =	shalt  }
0x4c: {  	_ =	shalt  }
0x4d: {  	_ =	shalt  }
0x4e: {  	_ =	shalt  }
0x4f: {  	_ =	shalt  }
0x50: {  	_ =	shalt  }
0x51: {  	_ =	shalt  }
0x52: {  	_ =	shalt  }
0x53: {  	_ =	shalt  }
0x54: {  	_ =	shalt  }
0x55: {  	_ =	shalt  }
0x56: {  	_ =	shalt  }
0x57: {  	_ =	shalt  }
0x58: {  	_ =	shalt  }
0x59: {  	_ =	shalt  }
0x5a: {  	_ =	shalt  }
0x5b: {  	_ =	shalt  }
0x5c: {  	_ =	shalt  }
0x5d: {  	_ =	shalt  }
0x5e: {  	_ =	shalt  }
0x5f: {  	_ =	shalt  }
0x60: {  	_ =	shalt  }
0x61: {  	_ =	shalt  }
0x62: {  	_ =	shalt  }
0x63: {  	_ =	shalt  }
0x64: {  	_ =	shalt  }
0x65: {  	_ =	shalt  }
0x66: {  	_ =	shalt  }
0x67: {  	_ =	shalt  }
0x68: {  	_ =	shalt  }
0x69: {  	_ =	shalt  }
0x6a: {  	_ =	shalt  }
0x6b: {  	_ =	shalt  }
0x6c: {  	_ =	shalt  }
0x6d: {  	_ =	shalt  }
0x6e: {  	_ =	shalt  }
0x6f: {  	_ =	shalt  }
0x70: {  	_ =	shalt  }
0x71: {  	_ =	shalt  }
0x72: {  	_ =	shalt  }
0x73: {  	_ =	shalt  }
0x74: {  	_ =	shalt  }
0x75: {  	_ =	shalt  }
0x76: {  	_ =	shalt  }
0x77: {  	_ =	shalt  }
0x78: {  	_ =	shalt  }
0x79: {  	_ =	shalt  }
0x7a: {  	_ =	shalt  }
0x7b: {  	_ =	shalt  }
0x7c: {  	_ =	shalt  }
0x7d: {  	_ =	shalt  }
0x7e: {  	_ =	shalt  }
0x7f: {  	_ =	shalt  }
0x80: {  	_ =	shalt  }
0x81: {  	_ =	shalt  }
0x82: {  	_ =	shalt  }
0x83: {  	_ =	shalt  }
0x84: {  	_ =	shalt  }
0x85: {  	_ =	shalt  }
0x86: {  	_ =	shalt  }
0x87: {  	_ =	shalt  }
.Lfunc_end0:
.L_simem_size_0:
called_computation_lowered:
.L_overlay_start_0:
0x88: {  	s2 =	sld [smem:$0x3FD9]  }
0x89: {  	s3 =	sld [smem:$0x3FFE];
	_ =	sdelay $0x1  }
0x8a: {  	s1 =	srdreg.scid  }
0x8b: {  	s0 =	sand.u32 $0x1, s1  }
0x8c: {  	s17 =	sshll.u32 s0, $0xA;
	s2 =	sadd.s32 s3, s2  }
0x8d: {  	s2 =	sadd.s32 s2, s17  }
0x8e: {  	[smem:$0x3FC6] =	sst s2  }
0x8f: {  	_ = 	snop  }
0x90: {  	s2 =	sld [smem:$0x3FC9]  }
0x91: {  	s18 =	sld [smem:$0x3FD0];
	(tm) =	ssettm $0x1  }
0x92: {  	s4 =	sld [smem:$0x3FFB];
	_ =	sdelay $0x3  }
0x93: {  	_ =	strace s4  }
0x94: {  	s4 =	sld [smem:$0x3FFC];
	_ =	sdelay $0x3  }
0x95: {  	_ =	strace s4  }
0x96: {  	s4 =	sld [smem:$0x3FFD];
	_ =	sdelay $0x3  }
0x97: {  	_ =	strace s4  }
0x98: {  	_ =	strace $0x8FFFFFFF  }
0x99: {  	s19 =	sld [smem:$0x3FDB];
	_ =	sdelay $0x1  }
0x9a: {  	s5 =	simm.s32 $_scs_section_size  }
0x9b: {  	s6 =	simm.s32 $_size__tile_overlayer_lowered;
	s7 =	simm.s32 $_tile_overlayer_lowered  }
0x9c: {  	s22 =	simm.s32 $0x1BFF;
	s21 =	sshll.u32 s7, $0x1;
	s4 =	sadd.s32 s5, s19  }
0x9d: {  	s8 =	simm.s32 $0x0;
	s20 =	sshll.u32 s6, $0x1;
	s6 =	sadd.s32 s21, s4  }
0x9e: {  	[timem:s8], [sflag:s22] =	dma.local [hbm:s6], s20  }
0x9f: {  	_ =	swait.ge [sflag:s22], s20  }
0xa0: {  	s5 =	ssub.s32 $0x0, s20;
	[sflag:s22] =	ssyncset.done $0x0  }
0xa1: {  	[sflag:s22] =	ssyncadd.s32 s5;
	_ =	sdelay $0x1  }
0xa2: {  	s23 =	simm.s32 $0x1B8B  }
0xa3: {  	_ =	swait.ge [sflag:s23], $0x1  }
0xa4: {  	[sflag:s23] =	ssyncset.done $0x0  }
0xa5: {  	s25 =	simm.s32 $0x1B8E;
	s24 =	sld [smem:$0x3FFE];
	[sflag:s23] =	ssyncadd.s32 $0xFFFFFFFF  }
0xa6: {  	s26 =	simm.s32 $execute0_lowered;
	[smem:$0x3FD2] =	sst s25  }
0xa7: {  	s6 =	sshll.u32 s26, $0x1;
	_ =	strace $0x80000046;
	[dreg:$0x1] =	wrdreg $0xFFFFFFFF  }
0xa8: {  	s28 =	simm.s32 $_size_execute0_lowered;
	s4 =	sadd.s32 s4, s6;
	[dreg:$0x0] =	wrdreg $0x0  }
0xa9: {  	s6 =	sshll.u32 s28, $0x1;
	[dreg:$0x2] =	wrdreg s4  }
0xaa: {  	[dreg:$0x3] =	wrdreg s6  }
0xab: {  	[dreg:$0x4] =	wrdreg $0xC0  }
0xac: {  	_ =	task [dreg:s8], $0x5FFFF  }
0xad: {  	[dreg:$0x1] =	wrdreg $0xFFFFFFFF  }
0xae: {  	[dreg:$0x0] =	wrdreg $0x60  }
0xaf: {  	[dreg:$0x2] =	wrdreg s2  }
0xb0: {  	[dreg:$0x3] =	wrdreg s18  }
0xb1: {  	[dreg:$0x4] =	wrdreg s24  }
0xb2: {  	[dreg:$0x5] =	wrdreg $0xAB000  }
0xb3: {  	[dreg:$0x6] =	wrdreg $0x1E7000  }
0xb4: {  	[dreg:$0x7] =	wrdreg $0x9  }
0xb5: {  	_ =	task.clear_ibuf [dreg:s8], $0x8FFFF;
	_ =	strace $0x90000046  }
0xb6: {  	s29 =	simm.s32 $0x9;
	_ =	strace $0x80000048  }
0xb7: {  	_ =	swait.ge [sflag:s29], $0x1  }
0xb8: {  	[sflag:s29] =	ssyncadd.s32 $0xFFFFFFFF  }
0xb9: {  	_ =	strace $0x90000048  }
0xba: {  	_ =	sfence  }
0xbb: {  	s30 =	sld [smem:$0x0];
	_ =	sdelay $0x2  }
0xbc: {  	s31 =	sshll.u32 s1, $0xD;
	s1 =	sshrl.u32 s1, $0x2  }
0xbd: {  	s3 =	sand.u32 $0x4000, s31;
	s1 =	sadd.s32 s1, s30  }
0xbe: {  	s0 =	sor.u32 s3, s0;
	s1 =	sshll.u32 s1, $0x11  }
0xbf: {  	s0 =	sor.u32 s1, s0  }
0xc0: {  	s0 =	sadd.s32 $0x8F2B, s0  }
0xc1: {  	[sflag:s0] =	ssyncadd.remote.s32 $0x1  }
0xc2: {  	_ =	sfence.sel $0xFFFF  }
0xc3: {  	[dreg:$0x0] =	wrdreg $0xFFFFFFFF;
	(pc) =	sbr.abs _section_cstart, $3  }
0xc4: {  	[dreg:$0x1] =	wrdreg $0xFFFFFFFF  }
0xc5: {  	_ =	task.clear_ibuf [dreg:s8], $0x2FFFF;
	_ =	strace $0x9FFFFFFF  }
0xc6: {  	(tm) =	ssettm $0x7FFFFFFF  }
0xc7: {  	_ =	shalt  }
tec
execute0_lowered:
.L_overlay_start_1:
0x0: {  	(tag) =	ssettag $0x1  }
0x1: {  	s1 =	rddreg [dreg:$0x0]  }
0x2: {  	s0 =	rddreg [dreg:$0x1]  }
0x3: {  	s2 =	rddreg [dreg:$0x2]  }
0x4: {  	s4 =	srdreg.scid;
	s15 =	stileid.u32  }
0x5: {  	s3 =	rddreg [dreg:$0x3];
	s5 =	simm.s32 $0x0;
	s8 =	smul.u32 $0x278, s15  }
0x6: {  	s28 =	simm.s32 $0x80;
	s29 =	simm.s32 $0x1;
	s10 =	smul.u32 $0x4F000, s15  }
0x7: {  	s30 =	simm.s32 $0x6800;
	s31 =	simm.s32 $0xA800;
	s14 =	smul.u32 $0x2800, s15  }
0x8: {  	s7 =	sand.u32 $0x1, s4;
	s4 =	rddreg [dreg:$0x4];
	s15 =	smul.u32 $0x500, s15  }
0x9: {  	[smem:$0x7FF] =	sst s5;
	s12 =	sadd.s32 $0x800, s2;
	s6 =	smul.u32 $0x2780, s7  }
0xa: {  	_ =	strace $0x80000047;
	s11 =	ssub.s32 $0x2, s7;
	p0 =	seq.s32 s7, $0x1  }
0xb: {  	s13 =	sshrl.u32 s11, $0x1;
	s10 =	sshrl.u32 s10, $0x2;
	s19 =	sshrl.u32 s14, $0x3  }
0xc: {  	s20 =	sadd.s32 s0, s15;
	s21 =	sadd.s32 s12, s15;
	s14 =	simm.s32 $0x100  }
0xd: {  	s15 =	simm.s32 $0x1480;
	s6 =	sadd.s32 s8, s6;
	[dreg:$0xa] =	wrdreg s20  }
0xe: {  	s13 =	ssub.s32 s11, s13;
	s11 =	sadd.s32 s8, s4;
	[dreg:$0xb] =	wrdreg s21  }
0xf: {  	s22 =	sadd.s32 $0x280, s19;
	s24 =	sadd.s32 $0x5000, s19;
	s7 =	sadd.s32 $0x5280, s19  }
0x10: {  	s19 =	simm.s32 $0x2700;
	s9 =	sshll.u32 s6, $0x4;
	s6 =	sshrl.u32 s6, $0x3  }
0x11: {  	s23 =	sadd.s32 s0, s22;
	s8 =	sadd.s32 s12, s22;
	s25 =	sadd.s32 s0, s24  }
0x12: {  	s0 =	sadd.s32 s0, s7;
	s26 =	sadd.s32 s12, s7;
	[dreg:$0xc] =	wrdreg s23  }
0x13: {  	s22 =	smax.u32 s13, $0x1;
	s13 =	simm.s32 $0x5;
	[dreg:$0xd] =	wrdreg s8  }
0x14: {  	s7 =	simm.s32 $0x0;
	s9 =	sadd.s32 s9, s2;
	[dreg:$0xe] =	wrdreg s25  }
0x15: {  	s2 =	sadd.s32 s6, s2;
	s6 =	sadd.s32 s10, s3;
	[dreg:$0x10] =	wrdreg s0  }
0x16: {  	s8 =	sadd.s32 s12, s24;
	[dreg:$0x11] =	wrdreg s26;
	s23 =	simm.s32 $0x2800  }
0x17: {  	s24 =	simm.s32 $0x7;
	s25 =	simm.s32 $0xA880;
	s26 =	simm.s32 $0x1400  }
0x18: {  	s12 =	simm.s32 $0x3;
	s10 =	sadd.s32 $0x4000, s6;
	[dreg:$0xf] =	wrdreg s8  }
.Ltmp0:
0x19: {  	s16 =	sadd.s32 $0x8000, s6;
	[dreg:$0x6] =	wrdreg s10;
	(pc) =	sbr.rel .LBB2_1-.Ltmp0, $4  }
0x1a: {  	s0 =	simm.s32 $0x2780;
	s17 =	sadd.s32 $0xC000, s6;
	[dreg:$0x7] =	wrdreg s16  }
0x1b: {  	s18 =	sadd.s32 $0x10000, s6;
	s20 =	sadd.s32 $0xA800, s9;
	[dreg:$0x8] =	wrdreg s17  }
0x1c: {  	s21 =	sadd.s32 $0x59800, s2;
	s2 =	simm.s32 $0x2;
	[dreg:$0x9] =	wrdreg s18  }
0x1d: {  	v0 =	vimm.f32 $0.0e+00;
	v1 =	vimm.f32 $1.000000000e+00;
	s16 =	simm.s32 $0x4;
	s17 =	simm.s32 $0x6;
	s18 =	simm.s32 $0x1380  }
.LBB2_8:
0x1e: {  	[spmem:s4] =	stream.indirect.scatter.add.f32 [tilespmem:s31], [sflag:$0x6], $0x1, s9, s28, $0xb8;
	[tilespmem:$0x1E978] =	vst v63  }
.LBB2_14:
0x1f: {  	_ =	swait.ge [sflag:s29], $0x4000  }
0x20: {  	[sflag:s29] =	ssyncset.done $0x0  }
0x21: {  	[sflag:s29] =	ssyncadd.s32 $0xFFFFC000  }
0x22: {  	_ =	swait.ge [sflag:s16], $0x4000  }
0x23: {  	[sflag:s16] =	ssyncset.done $0x0  }
0x24: {  	[sflag:s16] =	ssyncadd.s32 $0xFFFFC000  }
0x25: {  	_ =	swait.ge [sflag:s17], $0x80  }
0x26: {  	[sflag:s17] =	ssyncset.done $0x0  }
0x27: {  	[sflag:s17] =	ssyncadd.s32 $0xFFFFFF80  }
0x28: {  	[tilespmem:s30], [sflag:$0x2] =	stream.indirect.gather [hbm4b:s1+s28], $0x80, s18, s28, $0xb8;
	[tilespmem:$0x1E978] =	vst v63  }
0x29: {  	_ = 	snop  }
0x2a: {  	[spmem:s3] =	stream.indirect.scatter.add.f32 [tilespmem:s23], [sflag:$0x3], $0x80, s19, s28, $0xb8;
	[tilespmem:$0x1E978] =	vst v63  }
0x2b: {  	_ = 	snop  }
0x2c: {  	[spmem:s4] =	stream.indirect.scatter.add.f32 [tilespmem:s31], [sflag:$0x5], $0x1, s19, s28, $0xb8;
	[tilespmem:$0x1E978] =	vst v63  }
0x2d: {  	_ =	swait.ge [sflag:s2], $0x4000  }
0x2e: {  	[sflag:s2] =	ssyncset.done $0x0  }
0x2f: {  	[sflag:s2] =	ssyncadd.s32 $0xFFFFC000  }
0x30: {  	_ =	swait.ge [sflag:s12], $0x4000  }
0x31: {  	[sflag:s12] =	ssyncset.done $0x0  }
0x32: {  	[sflag:s12] =	ssyncadd.s32 $0xFFFFC000  }
0x33: {  	_ =	swait.ge [sflag:s13], $0x80  }
0x34: {  	[sflag:s13] =	ssyncset.done $0x0  }
0x35: {  	[sflag:s13] =	ssyncadd.s32 $0xFFFFFF80  }
0x36: {  	[tilespmem:s23], [sflag:$0x1] =	stream.indirect.gather [hbm4b:s1+s28], $0x80, s5, s28, $0xb8;
	[tilespmem:$0x1E978] =	vst v63  }
0x37: {  	_ = 	snop  }
0x38: {  	[spmem:s3] =	stream.indirect.scatter.add.f32 [tilespmem:s30], [sflag:$0x4], $0x80, s0, s28, $0xb8;
	[tilespmem:$0x1E978] =	vst v63  }
0x39: {  	_ = 	snop  }
0x3a: {  	[spmem:s4] =	stream.indirect.scatter.add.f32 [tilespmem:s31], [sflag:$0x6], $0x1, s0, s28, $0xb8;
	[tilespmem:$0x1E978] =	vst v63  }
0x3b: {  	_ =	swait.ge [sflag:s29], $0x4000  }
0x3c: {  	[sflag:s29] =	ssyncset.done $0x0  }
0x3d: {  	[sflag:s29] =	ssyncadd.s32 $0xFFFFC000  }
0x3e: {  	_ =	swait.ge [sflag:s16], $0x4000  }
0x3f: {  	[sflag:s16] =	ssyncset.done $0x0  }
0x40: {  	[sflag:s16] =	ssyncadd.s32 $0xFFFFC000  }
0x41: {  	_ =	swait.ge [sflag:s17], $0x80  }
0x42: {  	s8 =	stileid.u32;
	[sflag:s17] =	ssyncset.done $0x0  }
0x43: {  	s8 =	sshll.u32 s8, $0x6;
	[sflag:s17] =	ssyncadd.s32 $0xFFFFFF80  }
0x44: {  	s9 =	sshrl.u32 s6, $0x3;
	s8 =	sor.u32 $0x1C07, s8;
	[bflag:$0x0] =	sbarrier.arrive $0xFFFF  }
0x45: {  	[hbm:s20], [sflag:s8] =	dma.local [spmem:s9], $0x2780  }
0x46: {  	_ =	swait.ge [sflag:s24], $0x2780  }
0x47: {  	[sflag:s24] =	ssyncset.done $0x0  }
0x48: {  	[sflag:s24] =	ssyncadd.s32 $0xFFFFD880  }
0x49: {  	[tilespmem:s25], [sflag:$0x7] =	stream.linear.gather [spmem:s11], $0x278, $0x38;
	[tilespmem:$0x1E978] =	vst v63  }
0x4a: {  	s7 =	sadd.s32 $0x1, s7;
	_ =	swait.ge [sflag:s24], $0x278  }
0x4b: {  	p1 =	sne.s32 s7, s22;
	[sflag:s24] =	ssyncset.done $0x0  }
.Ltmp1:
0x4c: {  	[sflag:s24] =	ssyncadd.s32 $0xFFFFFD88;
	(pc) =	sbr.rel @!p1 .LBB2_15-.Ltmp1, $4  }
0x4d: {  	[hbm4b:s21+s5] =	stream.linear.scatter [tilespmem:s25], [sflag:$0x7], $0x278, $0x38;
	[tilespmem:$0x1E978] =	vst v63  }
0x4e: {  	_ =	swait.ge [sflag:s24], $0x278  }
0x4f: {  	[sflag:s24] =	ssyncset.done $0x0  }
0x50: {  	[sflag:s24] =	ssyncadd.s32 $0xFFFFFD88  }
.LBB2_1:
0x51: {  	s8 =	simm.s32 $0x0;
	s9 =	simm.s32 $0x200  }
.LBB2_2:
0x52: {  	p1 =	sne.s32 s9, $0xFE00;
	[tilespmem:s8+$0x2870] =	vst v0  }
0x53: {  	[tilespmem:s8+$0x2800] =	vst v0  }
0x54: {  	[tilespmem:s8+$0x2810] =	vst v0  }
.Ltmp2:
0x55: {  	[tilespmem:s8+$0x2820] =	vst v0;
	(pc) =	sbr.rel @p1 .LBB2_2-.Ltmp2, $4  }
0x56: {  	[tilespmem:s8+$0x2830] =	vst v0  }
0x57: {  	[tilespmem:s8+$0x2840] =	vst v0  }
0x58: {  	[tilespmem:s8+$0x2850] =	vst v0  }
0x59: {  	[tilespmem:s8+$0x2860] =	vst v0;
	s8 =	sshra.s32 s9, $0x2;
	s9 =	sadd.s32 $0x200, s9  }
0x5a: {  	[tilespmem:s8+$0x2870] =	vst v0  }
0x5b: {  	[tilespmem:s8+$0x2800] =	vst v0  }
0x5c: {  	[tilespmem:s8+$0x2810] =	vst v0  }
0x5d: {  	[tilespmem:s8+$0x2820] =	vst v0  }
0x5e: {  	[tilespmem:s8+$0x2830] =	vst v0  }
0x5f: {  	[tilespmem:s8+$0x2840] =	vst v0  }
0x60: {  	[tilespmem:s8+$0x2850] =	vst v0  }
0x61: {  	[tilespmem:s8+$0x2860] =	vst v0  }
0x62: {  	[tilespmem:$0xA800] =	vst v1  }
0x63: {  	[tilespmem:$0xA810] =	vst v1  }
0x64: {  	[tilespmem:$0xA820] =	vst v1  }
0x65: {  	[tilespmem:$0xA830] =	vst v1  }
0x66: {  	[tilespmem:$0xA840] =	vst v1  }
0x67: {  	[tilespmem:$0xA850] =	vst v1  }
0x68: {  	[tilespmem:$0xA860] =	vst v1  }
0x69: {  	[tilespmem:$0xA870] =	vst v1  }
0x6a: {  	[tilespmem:$0xA880] =	vst v0  }
0x6b: {  	[tilespmem:$0xA890] =	vst v0  }
0x6c: {  	[tilespmem:$0xA8A0] =	vst v0  }
0x6d: {  	[tilespmem:$0xA8B0] =	vst v0  }
0x6e: {  	[tilespmem:$0xA8C0] =	vst v0  }
0x6f: {  	[tilespmem:$0xA8D0] =	vst v0  }
0x70: {  	[tilespmem:$0xA8E0] =	vst v0  }
0x71: {  	[tilespmem:$0xA8F0] =	vst v0  }
0x72: {  	[tilespmem:$0xA900] =	vst v0  }
0x73: {  	[tilespmem:$0xA910] =	vst v0  }
0x74: {  	[tilespmem:$0xA920] =	vst v0  }
0x75: {  	[tilespmem:$0xA930] =	vst v0  }
0x76: {  	[tilespmem:$0xA940] =	vst v0  }
0x77: {  	[tilespmem:$0xA950] =	vst v0  }
0x78: {  	[tilespmem:$0xA960] =	vst v0  }
0x79: {  	[tilespmem:$0xA970] =	vst v0  }
0x7a: {  	[tilespmem:$0xA980] =	vst v0  }
0x7b: {  	[tilespmem:$0xA990] =	vst v0  }
0x7c: {  	[tilespmem:$0xA9A0] =	vst v0  }
0x7d: {  	[tilespmem:$0xA9B0] =	vst v0  }
0x7e: {  	[tilespmem:$0xA9C0] =	vst v0  }
0x7f: {  	[tilespmem:$0xA9D0] =	vst v0  }
0x80: {  	[tilespmem:$0xA9E0] =	vst v0  }
0x81: {  	[tilespmem:$0xA9F0] =	vst v0  }
0x82: {  	[tilespmem:$0xAA00] =	vst v0  }
0x83: {  	[tilespmem:$0xAA10] =	vst v0  }
0x84: {  	[tilespmem:$0xAA20] =	vst v0  }
0x85: {  	[tilespmem:$0xAA30] =	vst v0  }
0x86: {  	[tilespmem:$0xAA40] =	vst v0  }
0x87: {  	[tilespmem:$0xAA50] =	vst v0  }
0x88: {  	[tilespmem:$0xAA60] =	vst v0  }
0x89: {  	[tilespmem:$0xAA70] =	vst v0  }
0x8a: {  	[tilespmem:$0xAA80] =	vst v0  }
0x8b: {  	[tilespmem:$0xAA90] =	vst v0  }
0x8c: {  	[tilespmem:$0xAAA0] =	vst v0  }
0x8d: {  	[tilespmem:$0xAAB0] =	vst v0  }
0x8e: {  	[tilespmem:$0xAAC0] =	vst v0  }
0x8f: {  	[tilespmem:$0xAAD0] =	vst v0  }
0x90: {  	[tilespmem:$0xAAE0] =	vst v0  }
0x91: {  	[tilespmem:$0xAAE8] =	vst v0  }
0x92: {  	[spmem:s6] =	stream.linear.scatter [tilespmem:s23], [sflag:$0x7], $0x4000, $0x38;
	[tilespmem:$0x1E978] =	vst v63  }
0x93: {  	_ =	swait.ge [sflag:s24], $0x4000  }
0x94: {  	[sflag:s24] =	ssyncset.done $0x0  }
0x95: {  	s9 =	rddreg [dreg:$0x6];
	[sflag:s24] =	ssyncadd.s32 $0xFFFFC000  }
0x96: {  	[spmem:s9] =	stream.linear.scatter [tilespmem:s23], [sflag:$0x7], $0x4000, $0x38;
	[tilespmem:$0x1E978] =	vst v63  }
0x97: {  	_ =	swait.ge [sflag:s24], $0x4000  }
0x98: {  	[sflag:s24] =	ssyncset.done $0x0  }
0x99: {  	s10 =	rddreg [dreg:$0x7];
	[sflag:s24] =	ssyncadd.s32 $0xFFFFC000  }
0x9a: {  	[spmem:s10] =	stream.linear.scatter [tilespmem:s23], [sflag:$0x7], $0x4000, $0x38;
	[tilespmem:$0x1E978] =	vst v63  }
0x9b: {  	_ =	swait.ge [sflag:s24], $0x4000  }
0x9c: {  	[sflag:s24] =	ssyncset.done $0x0  }
0x9d: {  	s9 =	rddreg [dreg:$0x8];
	[sflag:s24] =	ssyncadd.s32 $0xFFFFC000  }
0x9e: {  	[spmem:s9] =	stream.linear.scatter [tilespmem:s23], [sflag:$0x7], $0x4000, $0x38;
	[tilespmem:$0x1E978] =	vst v63  }
0x9f: {  	_ =	swait.ge [sflag:s24], $0x4000  }
0xa0: {  	[sflag:s24] =	ssyncset.done $0x0  }
0xa1: {  	s10 =	rddreg [dreg:$0x9];
	[sflag:s24] =	ssyncadd.s32 $0xFFFFC000  }
0xa2: {  	[spmem:s10] =	stream.linear.scatter [tilespmem:s23], [sflag:$0x7], $0x3C00, $0x38;
	[tilespmem:$0x1E978] =	vst v63  }
0xa3: {  	_ =	swait.ge [sflag:s24], $0x3C00  }
0xa4: {  	[sflag:s24] =	ssyncset.done $0x0  }
0xa5: {  	[sflag:s24] =	ssyncadd.s32 $0xFFFFC400  }
0xa6: {  	[spmem:s11] =	stream.linear.scatter [tilespmem:s25], [sflag:$0x7], $0x278, $0x38;
	[tilespmem:$0x1E978] =	vst v63  }
.Ltmp3:
0xa7: {  	_ =	swait.ge [sflag:s24], $0x278;
	(pc) =	sbr.rel @!p0 .LBB2_4-.Ltmp3, $3  }
0xa8: {  	[sflag:s24] =	ssyncset.done $0x0  }
0xa9: {  	[sflag:s24] =	ssyncadd.s32 $0xFFFFFD88  }
0xaa: {  	[bflag:$0x0] =	sbarrier.arrive $0xFFFF;
	_ =	sdelay $0x1  }
0xab: {  	s8 =	rddreg [dreg:$0xe]  }
0xac: {  	[tilespmem:s5], [sflag:$0x7] =	stream.linear.gather [hbm4b:s8+s5], $0x1400, $0x38;
	[tilespmem:$0x1E978] =	vst v63  }
0xad: {  	_ =	swait.ge [sflag:s24], $0x1400  }
0xae: {  	[sflag:s24] =	ssyncset.done $0x0  }
0xaf: {  	s9 =	rddreg [dreg:$0xf];
	[sflag:s24] =	ssyncadd.s32 $0xFFFFEC00  }
0xb0: {  	[tilespmem:s26], [sflag:$0x7] =	stream.linear.gather [hbm4b:s9+s5], $0x1400, $0x38;
	[tilespmem:$0x1E978] =	vst v63  }
0xb1: {  	_ =	swait.ge [sflag:s24], $0x1400  }
0xb2: {  	[sflag:s24] =	ssyncset.done $0x0  }
0xb3: {  	[sflag:s24] =	ssyncadd.s32 $0xFFFFEC00  }
0xb4: {  	[tilespmem:s23], [sflag:$0x1] =	stream.indirect.gather [hbm4b:s1+s28], $0x80, s5, s28, $0xb8;
	[tilespmem:$0x1E978] =	vst v63  }
0xb5: {  	_ =	swait.ge [sflag:s29], $0x4000  }
0xb6: {  	[sflag:s29] =	ssyncset.done $0x0  }
0xb7: {  	[sflag:s29] =	ssyncadd.s32 $0xFFFFC000  }
0xb8: {  	[tilespmem:s30], [sflag:$0x2] =	stream.indirect.gather [hbm4b:s1+s28], $0x80, s28, s28, $0xb8;
	[tilespmem:$0x1E978] =	vst v63  }
0xb9: {  	_ = 	snop  }
0xba: {  	[spmem:s3] =	stream.indirect.scatter.add.f32 [tilespmem:s23], [sflag:$0x3], $0x80, s26, s28, $0xb8;
	[tilespmem:$0x1E978] =	vst v63  }
0xbb: {  	_ = 	snop  }
0xbc: {  	[spmem:s4] =	stream.indirect.scatter.add.f32 [tilespmem:s31], [sflag:$0x5], $0x1, s26, s28, $0xb8;
	[tilespmem:$0x1E978] =	vst v63  }
0xbd: {  	_ =	swait.ge [sflag:s2], $0x4000  }
0xbe: {  	[sflag:s2] =	ssyncset.done $0x0  }
0xbf: {  	[sflag:s2] =	ssyncadd.s32 $0xFFFFC000  }
0xc0: {  	_ =	swait.ge [sflag:s12], $0x4000  }
0xc1: {  	[sflag:s12] =	ssyncset.done $0x0  }
0xc2: {  	[sflag:s12] =	ssyncadd.s32 $0xFFFFC000  }
0xc3: {  	_ =	swait.ge [sflag:s13], $0x80  }
0xc4: {  	[sflag:s13] =	ssyncset.done $0x0  }
0xc5: {  	[sflag:s13] =	ssyncadd.s32 $0xFFFFFF80  }
0xc6: {  	[tilespmem:s23], [sflag:$0x1] =	stream.indirect.gather [hbm4b:s1+s28], $0x80, s14, s28, $0xb8;
	[tilespmem:$0x1E978] =	vst v63  }
0xc7: {  	_ = 	snop  }
0xc8: {  	[spmem:s3] =	stream.indirect.scatter.add.f32 [tilespmem:s30], [sflag:$0x4], $0x80, s15, s28, $0xb8;
	[tilespmem:$0x1E978] =	vst v63  }
0xc9: {  	_ = 	snop  }
0xca: {  	[spmem:s4] =	stream.indirect.scatter.add.f32 [tilespmem:s31], [sflag:$0x6], $0x1, s15, s28, $0xb8;
	[tilespmem:$0x1E978] =	vst v63  }
0xcb: {  	_ =	swait.ge [sflag:s29], $0x4000  }
0xcc: {  	[sflag:s29] =	ssyncset.done $0x0  }
0xcd: {  	[sflag:s29] =	ssyncadd.s32 $0xFFFFC000  }
0xce: {  	_ =	swait.ge [sflag:s16], $0x4000  }
0xcf: {  	[sflag:s16] =	ssyncset.done $0x0  }
0xd0: {  	[sflag:s16] =	ssyncadd.s32 $0xFFFFC000  }
0xd1: {  	_ =	swait.ge [sflag:s17], $0x80  }
0xd2: {  	[sflag:s17] =	ssyncset.done $0x0  }
0xd3: {  	s10 =	simm.s32 $0x180;
	[sflag:s17] =	ssyncadd.s32 $0xFFFFFF80  }
0xd4: {  	[tilespmem:s30], [sflag:$0x2] =	stream.indirect.gather [hbm4b:s1+s28], $0x80, s10, s28, $0xb8;
	[tilespmem:$0x1E978] =	vst v63  }
0xd5: {  	s9 =	simm.s32 $0x1500  }
0xd6: {  	[spmem:s3] =	stream.indirect.scatter.add.f32 [tilespmem:s23], [sflag:$0x3], $0x80, s9, s28, $0xb8;
	[tilespmem:$0x1E978] =	vst v63  }
0xd7: {  	_ = 	snop  }
0xd8: {  	[spmem:s4] =	stream.indirect.scatter.add.f32 [tilespmem:s31], [sflag:$0x5], $0x1, s9, s28, $0xb8;
	[tilespmem:$0x1E978] =	vst v63  }
0xd9: {  	_ =	swait.ge [sflag:s2], $0x4000  }
0xda: {  	[sflag:s2] =	ssyncset.done $0x0  }
0xdb: {  	[sflag:s2] =	ssyncadd.s32 $0xFFFFC000  }
0xdc: {  	_ =	swait.ge [sflag:s12], $0x4000  }
0xdd: {  	[sflag:s12] =	ssyncset.done $0x0  }
0xde: {  	[sflag:s12] =	ssyncadd.s32 $0xFFFFC000  }
0xdf: {  	_ =	swait.ge [sflag:s13], $0x80  }
0xe0: {  	[sflag:s13] =	ssyncset.done $0x0  }
0xe1: {  	s10 =	simm.s32 $0x200;
	[sflag:s13] =	ssyncadd.s32 $0xFFFFFF80  }
0xe2: {  	[tilespmem:s23], [sflag:$0x1] =	stream.indirect.gather [hbm4b:s1+s28], $0x80, s10, s28, $0xb8;
	[tilespmem:$0x1E978] =	vst v63  }
0xe3: {  	s8 =	simm.s32 $0xFFFFBC00;
	s9 =	simm.s32 $0x1580  }
0xe4: {  	[spmem:s3] =	stream.indirect.scatter.add.f32 [tilespmem:s30], [sflag:$0x4], $0x80, s9, s28, $0xb8;
	[tilespmem:$0x1E978] =	vst v63  }
.LBB2_10:
0xe5: {  	[spmem:s4] =	stream.indirect.scatter.add.f32 [tilespmem:s31], [sflag:$0x6], $0x1, s9, s28, $0xb8;
	[tilespmem:$0x1E978] =	vst v63  }
0xe6: {  	s9 =	smov.u32 s8  }
0xe7: {  	p1 =	sne.s32 s8, $0xFFFFFC00;
	s8 =	sadd.s32 $0x400, s8;
	_ =	swait.ge [sflag:s29], $0x4000  }
0xe8: {  	[sflag:s29] =	ssyncset.done $0x0  }
0xe9: {  	[sflag:s29] =	ssyncadd.s32 $0xFFFFC000  }
0xea: {  	_ =	swait.ge [sflag:s16], $0x4000  }
0xeb: {  	[sflag:s16] =	ssyncset.done $0x0  }
0xec: {  	[sflag:s16] =	ssyncadd.s32 $0xFFFFC000  }
0xed: {  	_ =	swait.ge [sflag:s17], $0x80  }
0xee: {  	s9 =	sshra.s32 s9, $0x2;
	[sflag:s17] =	ssyncset.done $0x0  }
0xef: {  	s10 =	sadd.s32 $0x1380, s9;
	[sflag:s17] =	ssyncadd.s32 $0xFFFFFF80  }
0xf0: {  	[tilespmem:s30], [sflag:$0x2] =	stream.indirect.gather [hbm4b:s1+s28], $0x80, s10, s28, $0xb8;
	[tilespmem:$0x1E978] =	vst v63  }
0xf1: {  	s10 =	sadd.s32 $0x2700, s9  }
0xf2: {  	[spmem:s3] =	stream.indirect.scatter.add.f32 [tilespmem:s23], [sflag:$0x3], $0x80, s10, s28, $0xb8;
	[tilespmem:$0x1E978] =	vst v63  }
0xf3: {  	_ = 	snop  }
0xf4: {  	[spmem:s4] =	stream.indirect.scatter.add.f32 [tilespmem:s31], [sflag:$0x5], $0x1, s10, s28, $0xb8;
	[tilespmem:$0x1E978] =	vst v63  }
0xf5: {  	_ =	swait.ge [sflag:s2], $0x4000  }
0xf6: {  	[sflag:s2] =	ssyncset.done $0x0  }
0xf7: {  	[sflag:s2] =	ssyncadd.s32 $0xFFFFC000  }
0xf8: {  	_ =	swait.ge [sflag:s12], $0x4000  }
0xf9: {  	[sflag:s12] =	ssyncset.done $0x0  }
0xfa: {  	[sflag:s12] =	ssyncadd.s32 $0xFFFFC000  }
0xfb: {  	_ =	swait.ge [sflag:s13], $0x80  }
.Ltmp4:
0xfc: {  	[sflag:s13] =	ssyncset.done $0x0;
	(pc) =	sbr.rel @p1 .LBB2_10-.Ltmp4, $4  }
0xfd: {  	s10 =	sadd.s32 $0x1400, s9;
	[sflag:s13] =	ssyncadd.s32 $0xFFFFFF80  }
0xfe: {  	[tilespmem:s23], [sflag:$0x1] =	stream.indirect.gather [hbm4b:s1+s28], $0x80, s10, s28, $0xb8;
	[tilespmem:$0x1E978] =	vst v63  }
0xff: {  	s9 =	sadd.s32 $0x2780, s9  }
0x100: {  	[spmem:s3] =	stream.indirect.scatter.add.f32 [tilespmem:s30], [sflag:$0x4], $0x80, s9, s28, $0xb8;
	[tilespmem:$0x1E978] =	vst v63  }
0x101: {  	[spmem:s4] =	stream.indirect.scatter.add.f32 [tilespmem:s31], [sflag:$0x6], $0x1, s9, s28, $0xb8;
	[tilespmem:$0x1E978] =	vst v63  }
0x102: {  	_ =	swait.ge [sflag:s29], $0x4000  }
0x103: {  	[sflag:s29] =	ssyncset.done $0x0  }
0x104: {  	[sflag:s29] =	ssyncadd.s32 $0xFFFFC000  }
0x105: {  	_ =	swait.ge [sflag:s16], $0x4000  }
0x106: {  	[sflag:s16] =	ssyncset.done $0x0  }
0x107: {  	[sflag:s16] =	ssyncadd.s32 $0xFFFFC000  }
0x108: {  	_ =	swait.ge [sflag:s17], $0x80  }
0x109: {  	[sflag:s17] =	ssyncset.done $0x0  }
0x10a: {  	[sflag:s17] =	ssyncadd.s32 $0xFFFFFF80  }
0x10b: {  	[tilespmem:s30], [sflag:$0x2] =	stream.indirect.gather [hbm4b:s1+s28], $0x80, s18, s28, $0xb8;
	[tilespmem:$0x1E978] =	vst v63  }
0x10c: {  	_ = 	snop  }
0x10d: {  	[spmem:s3] =	stream.indirect.scatter.add.f32 [tilespmem:s23], [sflag:$0x3], $0x80, s19, s28, $0xb8;
	[tilespmem:$0x1E978] =	vst v63  }
0x10e: {  	_ = 	snop  }
0x10f: {  	[spmem:s4] =	stream.indirect.scatter.add.f32 [tilespmem:s31], [sflag:$0x5], $0x1, s19, s28, $0xb8;
	[tilespmem:$0x1E978] =	vst v63  }
0x110: {  	_ =	swait.ge [sflag:s2], $0x4000  }
0x111: {  	[sflag:s2] =	ssyncset.done $0x0  }
0x112: {  	[sflag:s2] =	ssyncadd.s32 $0xFFFFC000  }
0x113: {  	_ =	swait.ge [sflag:s12], $0x4000  }
0x114: {  	[sflag:s12] =	ssyncset.done $0x0  }
0x115: {  	[sflag:s12] =	ssyncadd.s32 $0xFFFFC000  }
0x116: {  	_ =	swait.ge [sflag:s13], $0x80  }
0x117: {  	[sflag:s13] =	ssyncset.done $0x0  }
0x118: {  	[sflag:s13] =	ssyncadd.s32 $0xFFFFFF80  }
0x119: {  	[tilespmem:s23], [sflag:$0x1] =	stream.indirect.gather [hbm4b:s1+s28], $0x80, s5, s28, $0xb8;
	[tilespmem:$0x1E978] =	vst v63  }
0x11a: {  	_ = 	snop  }
0x11b: {  	[spmem:s3] =	stream.indirect.scatter.add.f32 [tilespmem:s30], [sflag:$0x4], $0x80, s0, s28, $0xb8;
	[tilespmem:$0x1E978] =	vst v63  }
0x11c: {  	_ = 	snop  }
0x11d: {  	[spmem:s4] =	stream.indirect.scatter.add.f32 [tilespmem:s31], [sflag:$0x6], $0x1, s0, s28, $0xb8;
	[tilespmem:$0x1E978] =	vst v63  }
0x11e: {  	_ =	swait.ge [sflag:s29], $0x4000  }
0x11f: {  	[sflag:s29] =	ssyncset.done $0x0  }
0x120: {  	[sflag:s29] =	ssyncadd.s32 $0xFFFFC000  }
0x121: {  	_ =	swait.ge [sflag:s16], $0x4000  }
0x122: {  	[sflag:s16] =	ssyncset.done $0x0  }
0x123: {  	[sflag:s16] =	ssyncadd.s32 $0xFFFFC000  }
0x124: {  	_ =	swait.ge [sflag:s17], $0x80  }
0x125: {  	[sflag:s17] =	ssyncset.done $0x0  }
0x126: {  	s8 =	rddreg [dreg:$0x10];
	[sflag:s17] =	ssyncadd.s32 $0xFFFFFF80  }
0x127: {  	[tilespmem:s5], [sflag:$0x7] =	stream.linear.gather [hbm4b:s8+s5], $0x1400, $0x38;
	[tilespmem:$0x1E978] =	vst v63  }
0x128: {  	_ =	swait.ge [sflag:s24], $0x1400  }
0x129: {  	[sflag:s24] =	ssyncset.done $0x0  }
0x12a: {  	s9 =	rddreg [dreg:$0x11];
	[sflag:s24] =	ssyncadd.s32 $0xFFFFEC00  }
0x12b: {  	[tilespmem:s26], [sflag:$0x7] =	stream.linear.gather [hbm4b:s9+s5], $0x1400, $0x38;
	[tilespmem:$0x1E978] =	vst v63  }
0x12c: {  	_ =	swait.ge [sflag:s24], $0x1400  }
0x12d: {  	[sflag:s24] =	ssyncset.done $0x0  }
0x12e: {  	[sflag:s24] =	ssyncadd.s32 $0xFFFFEC00  }
0x12f: {  	[tilespmem:s23], [sflag:$0x1] =	stream.indirect.gather [hbm4b:s1+s28], $0x80, s5, s28, $0xb8;
	[tilespmem:$0x1E978] =	vst v63  }
0x130: {  	_ =	swait.ge [sflag:s29], $0x4000  }
0x131: {  	[sflag:s29] =	ssyncset.done $0x0  }
0x132: {  	[sflag:s29] =	ssyncadd.s32 $0xFFFFC000  }
0x133: {  	[tilespmem:s30], [sflag:$0x2] =	stream.indirect.gather [hbm4b:s1+s28], $0x80, s28, s28, $0xb8;
	[tilespmem:$0x1E978] =	vst v63  }
0x134: {  	_ = 	snop  }
0x135: {  	[spmem:s3] =	stream.indirect.scatter.add.f32 [tilespmem:s23], [sflag:$0x3], $0x80, s26, s28, $0xb8;
	[tilespmem:$0x1E978] =	vst v63  }
0x136: {  	_ = 	snop  }
0x137: {  	[spmem:s4] =	stream.indirect.scatter.add.f32 [tilespmem:s31], [sflag:$0x5], $0x1, s26, s28, $0xb8;
	[tilespmem:$0x1E978] =	vst v63  }
0x138: {  	_ =	swait.ge [sflag:s2], $0x4000  }
0x139: {  	[sflag:s2] =	ssyncset.done $0x0  }
0x13a: {  	[sflag:s2] =	ssyncadd.s32 $0xFFFFC000  }
0x13b: {  	_ =	swait.ge [sflag:s12], $0x4000  }
0x13c: {  	[sflag:s12] =	ssyncset.done $0x0  }
0x13d: {  	[sflag:s12] =	ssyncadd.s32 $0xFFFFC000  }
0x13e: {  	_ =	swait.ge [sflag:s13], $0x80  }
0x13f: {  	[sflag:s13] =	ssyncset.done $0x0  }
0x140: {  	[sflag:s13] =	ssyncadd.s32 $0xFFFFFF80  }
0x141: {  	[tilespmem:s23], [sflag:$0x1] =	stream.indirect.gather [hbm4b:s1+s28], $0x80, s14, s28, $0xb8;
	[tilespmem:$0x1E978] =	vst v63  }
0x142: {  	_ = 	snop  }
0x143: {  	[spmem:s3] =	stream.indirect.scatter.add.f32 [tilespmem:s30], [sflag:$0x4], $0x80, s15, s28, $0xb8;
	[tilespmem:$0x1E978] =	vst v63  }
0x144: {  	_ = 	snop  }
0x145: {  	[spmem:s4] =	stream.indirect.scatter.add.f32 [tilespmem:s31], [sflag:$0x6], $0x1, s15, s28, $0xb8;
	[tilespmem:$0x1E978] =	vst v63  }
0x146: {  	_ =	swait.ge [sflag:s29], $0x4000  }
0x147: {  	[sflag:s29] =	ssyncset.done $0x0  }
0x148: {  	[sflag:s29] =	ssyncadd.s32 $0xFFFFC000  }
0x149: {  	_ =	swait.ge [sflag:s16], $0x4000  }
0x14a: {  	[sflag:s16] =	ssyncset.done $0x0  }
0x14b: {  	[sflag:s16] =	ssyncadd.s32 $0xFFFFC000  }
0x14c: {  	_ =	swait.ge [sflag:s17], $0x80  }
0x14d: {  	[sflag:s17] =	ssyncset.done $0x0  }
0x14e: {  	s10 =	simm.s32 $0x180;
	[sflag:s17] =	ssyncadd.s32 $0xFFFFFF80  }
0x14f: {  	[tilespmem:s30], [sflag:$0x2] =	stream.indirect.gather [hbm4b:s1+s28], $0x80, s10, s28, $0xb8;
	[tilespmem:$0x1E978] =	vst v63  }
0x150: {  	s9 =	simm.s32 $0x1500  }
0x151: {  	[spmem:s3] =	stream.indirect.scatter.add.f32 [tilespmem:s23], [sflag:$0x3], $0x80, s9, s28, $0xb8;
	[tilespmem:$0x1E978] =	vst v63  }
0x152: {  	_ = 	snop  }
0x153: {  	[spmem:s4] =	stream.indirect.scatter.add.f32 [tilespmem:s31], [sflag:$0x5], $0x1, s9, s28, $0xb8;
	[tilespmem:$0x1E978] =	vst v63  }
0x154: {  	_ =	swait.ge [sflag:s2], $0x4000  }
0x155: {  	[sflag:s2] =	ssyncset.done $0x0  }
0x156: {  	[sflag:s2] =	ssyncadd.s32 $0xFFFFC000  }
0x157: {  	_ =	swait.ge [sflag:s12], $0x4000  }
0x158: {  	[sflag:s12] =	ssyncset.done $0x0  }
0x159: {  	[sflag:s12] =	ssyncadd.s32 $0xFFFFC000  }
0x15a: {  	_ =	swait.ge [sflag:s13], $0x80  }
0x15b: {  	[sflag:s13] =	ssyncset.done $0x0  }
0x15c: {  	s10 =	simm.s32 $0x200;
	[sflag:s13] =	ssyncadd.s32 $0xFFFFFF80  }
0x15d: {  	[tilespmem:s23], [sflag:$0x1] =	stream.indirect.gather [hbm4b:s1+s28], $0x80, s10, s28, $0xb8;
	[tilespmem:$0x1E978] =	vst v63  }
0x15e: {  	s8 =	simm.s32 $0xFFFFBC00;
	s9 =	simm.s32 $0x1580  }
0x15f: {  	[spmem:s3] =	stream.indirect.scatter.add.f32 [tilespmem:s30], [sflag:$0x4], $0x80, s9, s28, $0xb8;
	[tilespmem:$0x1E978] =	vst v63  }
.LBB2_12:
0x160: {  	[spmem:s4] =	stream.indirect.scatter.add.f32 [tilespmem:s31], [sflag:$0x6], $0x1, s9, s28, $0xb8;
	[tilespmem:$0x1E978] =	vst v63  }
0x161: {  	s9 =	smov.u32 s8  }
0x162: {  	p1 =	sne.s32 s8, $0xFFFFFC00;
	s8 =	sadd.s32 $0x400, s8;
	_ =	swait.ge [sflag:s29], $0x4000  }
0x163: {  	[sflag:s29] =	ssyncset.done $0x0  }
0x164: {  	[sflag:s29] =	ssyncadd.s32 $0xFFFFC000  }
0x165: {  	_ =	swait.ge [sflag:s16], $0x4000  }
0x166: {  	[sflag:s16] =	ssyncset.done $0x0  }
0x167: {  	[sflag:s16] =	ssyncadd.s32 $0xFFFFC000  }
0x168: {  	_ =	swait.ge [sflag:s17], $0x80  }
0x169: {  	s9 =	sshra.s32 s9, $0x2;
	[sflag:s17] =	ssyncset.done $0x0  }
0x16a: {  	s10 =	sadd.s32 $0x1380, s9;
	[sflag:s17] =	ssyncadd.s32 $0xFFFFFF80  }
0x16b: {  	[tilespmem:s30], [sflag:$0x2] =	stream.indirect.gather [hbm4b:s1+s28], $0x80, s10, s28, $0xb8;
	[tilespmem:$0x1E978] =	vst v63  }
0x16c: {  	s10 =	sadd.s32 $0x2700, s9  }
0x16d: {  	[spmem:s3] =	stream.indirect.scatter.add.f32 [tilespmem:s23], [sflag:$0x3], $0x80, s10, s28, $0xb8;
	[tilespmem:$0x1E978] =	vst v63  }
0x16e: {  	_ = 	snop  }
0x16f: {  	[spmem:s4] =	stream.indirect.scatter.add.f32 [tilespmem:s31], [sflag:$0x5], $0x1, s10, s28, $0xb8;
	[tilespmem:$0x1E978] =	vst v63  }
0x170: {  	_ =	swait.ge [sflag:s2], $0x4000  }
0x171: {  	[sflag:s2] =	ssyncset.done $0x0  }
0x172: {  	[sflag:s2] =	ssyncadd.s32 $0xFFFFC000  }
0x173: {  	_ =	swait.ge [sflag:s12], $0x4000  }
0x174: {  	[sflag:s12] =	ssyncset.done $0x0  }
0x175: {  	[sflag:s12] =	ssyncadd.s32 $0xFFFFC000  }
0x176: {  	_ =	swait.ge [sflag:s13], $0x80  }
.Ltmp5:
0x177: {  	[sflag:s13] =	ssyncset.done $0x0;
	(pc) =	sbr.rel @p1 .LBB2_12-.Ltmp5, $4  }
0x178: {  	s10 =	sadd.s32 $0x1400, s9;
	[sflag:s13] =	ssyncadd.s32 $0xFFFFFF80  }
0x179: {  	[tilespmem:s23], [sflag:$0x1] =	stream.indirect.gather [hbm4b:s1+s28], $0x80, s10, s28, $0xb8;
	[tilespmem:$0x1E978] =	vst v63  }
0x17a: {  	s9 =	sadd.s32 $0x2780, s9  }
0x17b: {  	[spmem:s3] =	stream.indirect.scatter.add.f32 [tilespmem:s30], [sflag:$0x4], $0x80, s9, s28, $0xb8;
	[tilespmem:$0x1E978] =	vst v63  }
.Ltmp6:
0x17c: {  	(pc) =	sbr.rel .LBB2_14-.Ltmp6, $2  }
0x17d: {  	_ =	sdelay $0x2  }
0x17e: {  	[spmem:s4] =	stream.indirect.scatter.add.f32 [tilespmem:s31], [sflag:$0x6], $0x1, s9, s28, $0xb8;
	[tilespmem:$0x1E978] =	vst v63  }
.LBB2_4:
0x17f: {  	s8 =	rddreg [dreg:$0xa]  }
0x180: {  	[tilespmem:s5], [sflag:$0x7] =	stream.linear.gather [hbm4b:s8+s5], $0x1400, $0x38;
	[tilespmem:$0x1E978] =	vst v63  }
0x181: {  	_ =	swait.ge [sflag:s24], $0x1400  }
0x182: {  	[sflag:s24] =	ssyncset.done $0x0  }
0x183: {  	s9 =	rddreg [dreg:$0xb];
	[sflag:s24] =	ssyncadd.s32 $0xFFFFEC00  }
0x184: {  	[tilespmem:s26], [sflag:$0x7] =	stream.linear.gather [hbm4b:s9+s5], $0x1400, $0x38;
	[tilespmem:$0x1E978] =	vst v63  }
0x185: {  	_ =	swait.ge [sflag:s24], $0x1400  }
0x186: {  	[sflag:s24] =	ssyncset.done $0x0  }
0x187: {  	[sflag:s24] =	ssyncadd.s32 $0xFFFFEC00  }
0x188: {  	[tilespmem:s23], [sflag:$0x1] =	stream.indirect.gather [hbm4b:s1+s28], $0x80, s5, s28, $0xb8;
	[tilespmem:$0x1E978] =	vst v63  }
0x189: {  	_ =	swait.ge [sflag:s29], $0x4000  }
0x18a: {  	[sflag:s29] =	ssyncset.done $0x0  }
0x18b: {  	[sflag:s29] =	ssyncadd.s32 $0xFFFFC000  }
0x18c: {  	[tilespmem:s30], [sflag:$0x2] =	stream.indirect.gather [hbm4b:s1+s28], $0x80, s28, s28, $0xb8;
	[tilespmem:$0x1E978] =	vst v63  }
0x18d: {  	_ = 	snop  }
0x18e: {  	[spmem:s3] =	stream.indirect.scatter.add.f32 [tilespmem:s23], [sflag:$0x3], $0x80, s26, s28, $0xb8;
	[tilespmem:$0x1E978] =	vst v63  }
0x18f: {  	_ = 	snop  }
0x190: {  	[spmem:s4] =	stream.indirect.scatter.add.f32 [tilespmem:s31], [sflag:$0x5], $0x1, s26, s28, $0xb8;
	[tilespmem:$0x1E978] =	vst v63  }
0x191: {  	_ =	swait.ge [sflag:s2], $0x4000  }
0x192: {  	[sflag:s2] =	ssyncset.done $0x0  }
0x193: {  	[sflag:s2] =	ssyncadd.s32 $0xFFFFC000  }
0x194: {  	_ =	swait.ge [sflag:s12], $0x4000  }
0x195: {  	[sflag:s12] =	ssyncset.done $0x0  }
0x196: {  	[sflag:s12] =	ssyncadd.s32 $0xFFFFC000  }
0x197: {  	_ =	swait.ge [sflag:s13], $0x80  }
0x198: {  	[sflag:s13] =	ssyncset.done $0x0  }
0x199: {  	[sflag:s13] =	ssyncadd.s32 $0xFFFFFF80  }
0x19a: {  	[tilespmem:s23], [sflag:$0x1] =	stream.indirect.gather [hbm4b:s1+s28], $0x80, s14, s28, $0xb8;
	[tilespmem:$0x1E978] =	vst v63  }
0x19b: {  	_ = 	snop  }
0x19c: {  	[spmem:s3] =	stream.indirect.scatter.add.f32 [tilespmem:s30], [sflag:$0x4], $0x80, s15, s28, $0xb8;
	[tilespmem:$0x1E978] =	vst v63  }
0x19d: {  	_ = 	snop  }
0x19e: {  	[spmem:s4] =	stream.indirect.scatter.add.f32 [tilespmem:s31], [sflag:$0x6], $0x1, s15, s28, $0xb8;
	[tilespmem:$0x1E978] =	vst v63  }
0x19f: {  	_ =	swait.ge [sflag:s29], $0x4000  }
0x1a0: {  	[sflag:s29] =	ssyncset.done $0x0  }
0x1a1: {  	[sflag:s29] =	ssyncadd.s32 $0xFFFFC000  }
0x1a2: {  	_ =	swait.ge [sflag:s16], $0x4000  }
0x1a3: {  	[sflag:s16] =	ssyncset.done $0x0  }
0x1a4: {  	[sflag:s16] =	ssyncadd.s32 $0xFFFFC000  }
0x1a5: {  	_ =	swait.ge [sflag:s17], $0x80  }
0x1a6: {  	[sflag:s17] =	ssyncset.done $0x0  }
0x1a7: {  	s10 =	simm.s32 $0x180;
	[sflag:s17] =	ssyncadd.s32 $0xFFFFFF80  }
0x1a8: {  	[tilespmem:s30], [sflag:$0x2] =	stream.indirect.gather [hbm4b:s1+s28], $0x80, s10, s28, $0xb8;
	[tilespmem:$0x1E978] =	vst v63  }
0x1a9: {  	s9 =	simm.s32 $0x1500  }
0x1aa: {  	[spmem:s3] =	stream.indirect.scatter.add.f32 [tilespmem:s23], [sflag:$0x3], $0x80, s9, s28, $0xb8;
	[tilespmem:$0x1E978] =	vst v63  }
0x1ab: {  	_ = 	snop  }
0x1ac: {  	[spmem:s4] =	stream.indirect.scatter.add.f32 [tilespmem:s31], [sflag:$0x5], $0x1, s9, s28, $0xb8;
	[tilespmem:$0x1E978] =	vst v63  }
0x1ad: {  	_ =	swait.ge [sflag:s2], $0x4000  }
0x1ae: {  	[sflag:s2] =	ssyncset.done $0x0  }
0x1af: {  	[sflag:s2] =	ssyncadd.s32 $0xFFFFC000  }
0x1b0: {  	_ =	swait.ge [sflag:s12], $0x4000  }
0x1b1: {  	[sflag:s12] =	ssyncset.done $0x0  }
0x1b2: {  	[sflag:s12] =	ssyncadd.s32 $0xFFFFC000  }
0x1b3: {  	_ =	swait.ge [sflag:s13], $0x80  }
0x1b4: {  	[sflag:s13] =	ssyncset.done $0x0  }
0x1b5: {  	s10 =	simm.s32 $0x200;
	[sflag:s13] =	ssyncadd.s32 $0xFFFFFF80  }
0x1b6: {  	[tilespmem:s23], [sflag:$0x1] =	stream.indirect.gather [hbm4b:s1+s28], $0x80, s10, s28, $0xb8;
	[tilespmem:$0x1E978] =	vst v63  }
0x1b7: {  	s8 =	simm.s32 $0xFFFFBC00;
	s9 =	simm.s32 $0x1580  }
0x1b8: {  	[spmem:s3] =	stream.indirect.scatter.add.f32 [tilespmem:s30], [sflag:$0x4], $0x80, s9, s28, $0xb8;
	[tilespmem:$0x1E978] =	vst v63  }
.LBB2_5:
0x1b9: {  	[spmem:s4] =	stream.indirect.scatter.add.f32 [tilespmem:s31], [sflag:$0x6], $0x1, s9, s28, $0xb8;
	[tilespmem:$0x1E978] =	vst v63  }
0x1ba: {  	s9 =	smov.u32 s8  }
0x1bb: {  	p1 =	sne.s32 s8, $0xFFFFFC00;
	s8 =	sadd.s32 $0x400, s8;
	_ =	swait.ge [sflag:s29], $0x4000  }
0x1bc: {  	[sflag:s29] =	ssyncset.done $0x0  }
0x1bd: {  	[sflag:s29] =	ssyncadd.s32 $0xFFFFC000  }
0x1be: {  	_ =	swait.ge [sflag:s16], $0x4000  }
0x1bf: {  	[sflag:s16] =	ssyncset.done $0x0  }
0x1c0: {  	[sflag:s16] =	ssyncadd.s32 $0xFFFFC000  }
0x1c1: {  	_ =	swait.ge [sflag:s17], $0x80  }
0x1c2: {  	s9 =	sshra.s32 s9, $0x2;
	[sflag:s17] =	ssyncset.done $0x0  }
0x1c3: {  	s10 =	sadd.s32 $0x1380, s9;
	[sflag:s17] =	ssyncadd.s32 $0xFFFFFF80  }
0x1c4: {  	[tilespmem:s30], [sflag:$0x2] =	stream.indirect.gather [hbm4b:s1+s28], $0x80, s10, s28, $0xb8;
	[tilespmem:$0x1E978] =	vst v63  }
0x1c5: {  	s10 =	sadd.s32 $0x2700, s9  }
0x1c6: {  	[spmem:s3] =	stream.indirect.scatter.add.f32 [tilespmem:s23], [sflag:$0x3], $0x80, s10, s28, $0xb8;
	[tilespmem:$0x1E978] =	vst v63  }
0x1c7: {  	_ = 	snop  }
0x1c8: {  	[spmem:s4] =	stream.indirect.scatter.add.f32 [tilespmem:s31], [sflag:$0x5], $0x1, s10, s28, $0xb8;
	[tilespmem:$0x1E978] =	vst v63  }
0x1c9: {  	_ =	swait.ge [sflag:s2], $0x4000  }
0x1ca: {  	[sflag:s2] =	ssyncset.done $0x0  }
0x1cb: {  	[sflag:s2] =	ssyncadd.s32 $0xFFFFC000  }
0x1cc: {  	_ =	swait.ge [sflag:s12], $0x4000  }
0x1cd: {  	[sflag:s12] =	ssyncset.done $0x0  }
0x1ce: {  	[sflag:s12] =	ssyncadd.s32 $0xFFFFC000  }
0x1cf: {  	_ =	swait.ge [sflag:s13], $0x80  }
.Ltmp7:
0x1d0: {  	[sflag:s13] =	ssyncset.done $0x0;
	(pc) =	sbr.rel @p1 .LBB2_5-.Ltmp7, $4  }
0x1d1: {  	s10 =	sadd.s32 $0x1400, s9;
	[sflag:s13] =	ssyncadd.s32 $0xFFFFFF80  }
0x1d2: {  	[tilespmem:s23], [sflag:$0x1] =	stream.indirect.gather [hbm4b:s1+s28], $0x80, s10, s28, $0xb8;
	[tilespmem:$0x1E978] =	vst v63  }
0x1d3: {  	s9 =	sadd.s32 $0x2780, s9  }
0x1d4: {  	[spmem:s3] =	stream.indirect.scatter.add.f32 [tilespmem:s30], [sflag:$0x4], $0x80, s9, s28, $0xb8;
	[tilespmem:$0x1E978] =	vst v63  }
0x1d5: {  	[spmem:s4] =	stream.indirect.scatter.add.f32 [tilespmem:s31], [sflag:$0x6], $0x1, s9, s28, $0xb8;
	[tilespmem:$0x1E978] =	vst v63  }
0x1d6: {  	_ =	swait.ge [sflag:s29], $0x4000  }
0x1d7: {  	[sflag:s29] =	ssyncset.done $0x0  }
0x1d8: {  	[sflag:s29] =	ssyncadd.s32 $0xFFFFC000  }
0x1d9: {  	_ =	swait.ge [sflag:s16], $0x4000  }
0x1da: {  	[sflag:s16] =	ssyncset.done $0x0  }
0x1db: {  	[sflag:s16] =	ssyncadd.s32 $0xFFFFC000  }
0x1dc: {  	_ =	swait.ge [sflag:s17], $0x80  }
0x1dd: {  	[sflag:s17] =	ssyncset.done $0x0  }
0x1de: {  	[sflag:s17] =	ssyncadd.s32 $0xFFFFFF80  }
0x1df: {  	[tilespmem:s30], [sflag:$0x2] =	stream.indirect.gather [hbm4b:s1+s28], $0x80, s18, s28, $0xb8;
	[tilespmem:$0x1E978] =	vst v63  }
0x1e0: {  	_ = 	snop  }
0x1e1: {  	[spmem:s3] =	stream.indirect.scatter.add.f32 [tilespmem:s23], [sflag:$0x3], $0x80, s19, s28, $0xb8;
	[tilespmem:$0x1E978] =	vst v63  }
0x1e2: {  	_ = 	snop  }
0x1e3: {  	[spmem:s4] =	stream.indirect.scatter.add.f32 [tilespmem:s31], [sflag:$0x5], $0x1, s19, s28, $0xb8;
	[tilespmem:$0x1E978] =	vst v63  }
0x1e4: {  	_ =	swait.ge [sflag:s2], $0x4000  }
0x1e5: {  	[sflag:s2] =	ssyncset.done $0x0  }
0x1e6: {  	[sflag:s2] =	ssyncadd.s32 $0xFFFFC000  }
0x1e7: {  	_ =	swait.ge [sflag:s12], $0x4000  }
0x1e8: {  	[sflag:s12] =	ssyncset.done $0x0  }
0x1e9: {  	[sflag:s12] =	ssyncadd.s32 $0xFFFFC000  }
0x1ea: {  	_ =	swait.ge [sflag:s13], $0x80  }
0x1eb: {  	[sflag:s13] =	ssyncset.done $0x0  }
0x1ec: {  	[sflag:s13] =	ssyncadd.s32 $0xFFFFFF80  }
0x1ed: {  	[tilespmem:s23], [sflag:$0x1] =	stream.indirect.gather [hbm4b:s1+s28], $0x80, s5, s28, $0xb8;
	[tilespmem:$0x1E978] =	vst v63  }
0x1ee: {  	_ = 	snop  }
0x1ef: {  	[spmem:s3] =	stream.indirect.scatter.add.f32 [tilespmem:s30], [sflag:$0x4], $0x80, s0, s28, $0xb8;
	[tilespmem:$0x1E978] =	vst v63  }
0x1f0: {  	_ = 	snop  }
0x1f1: {  	[spmem:s4] =	stream.indirect.scatter.add.f32 [tilespmem:s31], [sflag:$0x6], $0x1, s0, s28, $0xb8;
	[tilespmem:$0x1E978] =	vst v63  }
0x1f2: {  	_ =	swait.ge [sflag:s29], $0x4000  }
0x1f3: {  	[sflag:s29] =	ssyncset.done $0x0  }
0x1f4: {  	[sflag:s29] =	ssyncadd.s32 $0xFFFFC000  }
0x1f5: {  	_ =	swait.ge [sflag:s16], $0x4000  }
0x1f6: {  	[sflag:s16] =	ssyncset.done $0x0  }
0x1f7: {  	[sflag:s16] =	ssyncadd.s32 $0xFFFFC000  }
0x1f8: {  	_ =	swait.ge [sflag:s17], $0x80  }
0x1f9: {  	[sflag:s17] =	ssyncset.done $0x0  }
0x1fa: {  	s8 =	rddreg [dreg:$0xc];
	[sflag:s17] =	ssyncadd.s32 $0xFFFFFF80  }
0x1fb: {  	[tilespmem:s5], [sflag:$0x7] =	stream.linear.gather [hbm4b:s8+s5], $0x1400, $0x38;
	[tilespmem:$0x1E978] =	vst v63  }
0x1fc: {  	_ =	swait.ge [sflag:s24], $0x1400  }
0x1fd: {  	[sflag:s24] =	ssyncset.done $0x0  }
0x1fe: {  	s9 =	rddreg [dreg:$0xd];
	[sflag:s24] =	ssyncadd.s32 $0xFFFFEC00  }
0x1ff: {  	[tilespmem:s26], [sflag:$0x7] =	stream.linear.gather [hbm4b:s9+s5], $0x1400, $0x38;
	[tilespmem:$0x1E978] =	vst v63  }
0x200: {  	_ =	swait.ge [sflag:s24], $0x1400  }
0x201: {  	[sflag:s24] =	ssyncset.done $0x0  }
0x202: {  	[sflag:s24] =	ssyncadd.s32 $0xFFFFEC00  }
0x203: {  	[tilespmem:s23], [sflag:$0x1] =	stream.indirect.gather [hbm4b:s1+s28], $0x80, s5, s28, $0xb8;
	[tilespmem:$0x1E978] =	vst v63  }
0x204: {  	_ =	swait.ge [sflag:s29], $0x4000  }
0x205: {  	[sflag:s29] =	ssyncset.done $0x0  }
0x206: {  	[sflag:s29] =	ssyncadd.s32 $0xFFFFC000  }
0x207: {  	[tilespmem:s30], [sflag:$0x2] =	stream.indirect.gather [hbm4b:s1+s28], $0x80, s28, s28, $0xb8;
	[tilespmem:$0x1E978] =	vst v63  }
0x208: {  	_ = 	snop  }
0x209: {  	[spmem:s3] =	stream.indirect.scatter.add.f32 [tilespmem:s23], [sflag:$0x3], $0x80, s26, s28, $0xb8;
	[tilespmem:$0x1E978] =	vst v63  }
0x20a: {  	_ = 	snop  }
0x20b: {  	[spmem:s4] =	stream.indirect.scatter.add.f32 [tilespmem:s31], [sflag:$0x5], $0x1, s26, s28, $0xb8;
	[tilespmem:$0x1E978] =	vst v63  }
0x20c: {  	_ =	swait.ge [sflag:s2], $0x4000  }
0x20d: {  	[sflag:s2] =	ssyncset.done $0x0  }
0x20e: {  	[sflag:s2] =	ssyncadd.s32 $0xFFFFC000  }
0x20f: {  	_ =	swait.ge [sflag:s12], $0x4000  }
0x210: {  	[sflag:s12] =	ssyncset.done $0x0  }
0x211: {  	[sflag:s12] =	ssyncadd.s32 $0xFFFFC000  }
0x212: {  	_ =	swait.ge [sflag:s13], $0x80  }
0x213: {  	[sflag:s13] =	ssyncset.done $0x0  }
0x214: {  	[sflag:s13] =	ssyncadd.s32 $0xFFFFFF80  }
0x215: {  	[tilespmem:s23], [sflag:$0x1] =	stream.indirect.gather [hbm4b:s1+s28], $0x80, s14, s28, $0xb8;
	[tilespmem:$0x1E978] =	vst v63  }
0x216: {  	_ = 	snop  }
0x217: {  	[spmem:s3] =	stream.indirect.scatter.add.f32 [tilespmem:s30], [sflag:$0x4], $0x80, s15, s28, $0xb8;
	[tilespmem:$0x1E978] =	vst v63  }
0x218: {  	_ = 	snop  }
0x219: {  	[spmem:s4] =	stream.indirect.scatter.add.f32 [tilespmem:s31], [sflag:$0x6], $0x1, s15, s28, $0xb8;
	[tilespmem:$0x1E978] =	vst v63  }
0x21a: {  	_ =	swait.ge [sflag:s29], $0x4000  }
0x21b: {  	[sflag:s29] =	ssyncset.done $0x0  }
0x21c: {  	[sflag:s29] =	ssyncadd.s32 $0xFFFFC000  }
0x21d: {  	_ =	swait.ge [sflag:s16], $0x4000  }
0x21e: {  	[sflag:s16] =	ssyncset.done $0x0  }
0x21f: {  	[sflag:s16] =	ssyncadd.s32 $0xFFFFC000  }
0x220: {  	_ =	swait.ge [sflag:s17], $0x80  }
0x221: {  	[sflag:s17] =	ssyncset.done $0x0  }
0x222: {  	s10 =	simm.s32 $0x180;
	[sflag:s17] =	ssyncadd.s32 $0xFFFFFF80  }
0x223: {  	[tilespmem:s30], [sflag:$0x2] =	stream.indirect.gather [hbm4b:s1+s28], $0x80, s10, s28, $0xb8;
	[tilespmem:$0x1E978] =	vst v63  }
0x224: {  	s9 =	simm.s32 $0x1500  }
0x225: {  	[spmem:s3] =	stream.indirect.scatter.add.f32 [tilespmem:s23], [sflag:$0x3], $0x80, s9, s28, $0xb8;
	[tilespmem:$0x1E978] =	vst v63  }
0x226: {  	_ = 	snop  }
0x227: {  	[spmem:s4] =	stream.indirect.scatter.add.f32 [tilespmem:s31], [sflag:$0x5], $0x1, s9, s28, $0xb8;
	[tilespmem:$0x1E978] =	vst v63  }
0x228: {  	_ =	swait.ge [sflag:s2], $0x4000  }
0x229: {  	[sflag:s2] =	ssyncset.done $0x0  }
0x22a: {  	[sflag:s2] =	ssyncadd.s32 $0xFFFFC000  }
0x22b: {  	_ =	swait.ge [sflag:s12], $0x4000  }
0x22c: {  	[sflag:s12] =	ssyncset.done $0x0  }
0x22d: {  	[sflag:s12] =	ssyncadd.s32 $0xFFFFC000  }
0x22e: {  	_ =	swait.ge [sflag:s13], $0x80  }
0x22f: {  	[sflag:s13] =	ssyncset.done $0x0  }
0x230: {  	s10 =	simm.s32 $0x200;
	[sflag:s13] =	ssyncadd.s32 $0xFFFFFF80  }
0x231: {  	[tilespmem:s23], [sflag:$0x1] =	stream.indirect.gather [hbm4b:s1+s28], $0x80, s10, s28, $0xb8;
	[tilespmem:$0x1E978] =	vst v63  }
0x232: {  	s8 =	simm.s32 $0xFFFFBC00;
	s9 =	simm.s32 $0x1580  }
0x233: {  	[spmem:s3] =	stream.indirect.scatter.add.f32 [tilespmem:s30], [sflag:$0x4], $0x80, s9, s28, $0xb8;
	[tilespmem:$0x1E978] =	vst v63  }
.LBB2_7:
0x234: {  	[spmem:s4] =	stream.indirect.scatter.add.f32 [tilespmem:s31], [sflag:$0x6], $0x1, s9, s28, $0xb8;
	[tilespmem:$0x1E978] =	vst v63  }
0x235: {  	s9 =	smov.u32 s8  }
0x236: {  	p1 =	seq.s32 s8, $0xFFFFFC00;
	s8 =	sadd.s32 $0x400, s8;
	_ =	swait.ge [sflag:s29], $0x4000  }
0x237: {  	[sflag:s29] =	ssyncset.done $0x0  }
0x238: {  	[sflag:s29] =	ssyncadd.s32 $0xFFFFC000  }
0x239: {  	_ =	swait.ge [sflag:s16], $0x4000  }
0x23a: {  	[sflag:s16] =	ssyncset.done $0x0  }
0x23b: {  	[sflag:s16] =	ssyncadd.s32 $0xFFFFC000  }
0x23c: {  	_ =	swait.ge [sflag:s17], $0x80  }
0x23d: {  	s9 =	sshra.s32 s9, $0x2;
	[sflag:s17] =	ssyncset.done $0x0  }
0x23e: {  	s10 =	sadd.s32 $0x1380, s9;
	[sflag:s17] =	ssyncadd.s32 $0xFFFFFF80  }
0x23f: {  	[tilespmem:s30], [sflag:$0x2] =	stream.indirect.gather [hbm4b:s1+s28], $0x80, s10, s28, $0xb8;
	[tilespmem:$0x1E978] =	vst v63  }
0x240: {  	s10 =	sadd.s32 $0x2700, s9  }
0x241: {  	[spmem:s3] =	stream.indirect.scatter.add.f32 [tilespmem:s23], [sflag:$0x3], $0x80, s10, s28, $0xb8;
	[tilespmem:$0x1E978] =	vst v63  }
0x242: {  	_ = 	snop  }
0x243: {  	[spmem:s4] =	stream.indirect.scatter.add.f32 [tilespmem:s31], [sflag:$0x5], $0x1, s10, s28, $0xb8;
	[tilespmem:$0x1E978] =	vst v63  }
0x244: {  	_ =	swait.ge [sflag:s2], $0x4000  }
0x245: {  	[sflag:s2] =	ssyncset.done $0x0  }
0x246: {  	[sflag:s2] =	ssyncadd.s32 $0xFFFFC000  }
0x247: {  	_ =	swait.ge [sflag:s12], $0x4000  }
0x248: {  	[sflag:s12] =	ssyncset.done $0x0  }
0x249: {  	[sflag:s12] =	ssyncadd.s32 $0xFFFFC000  }
0x24a: {  	_ =	swait.ge [sflag:s13], $0x80  }
.Ltmp8:
0x24b: {  	[sflag:s13] =	ssyncset.done $0x0;
	(pc) =	sbr.rel @!p1 .LBB2_7-.Ltmp8, $4  }
0x24c: {  	s10 =	sadd.s32 $0x1400, s9;
	[sflag:s13] =	ssyncadd.s32 $0xFFFFFF80  }
0x24d: {  	[tilespmem:s23], [sflag:$0x1] =	stream.indirect.gather [hbm4b:s1+s28], $0x80, s10, s28, $0xb8;
	[tilespmem:$0x1E978] =	vst v63  }
0x24e: {  	s9 =	sadd.s32 $0x2780, s9  }
0x24f: {  	[spmem:s3] =	stream.indirect.scatter.add.f32 [tilespmem:s30], [sflag:$0x4], $0x80, s9, s28, $0xb8;
	[tilespmem:$0x1E978] =	vst v63  }
.Ltmp9:
0x250: {  	_ = 	snop;
	(pc) =	sbr.rel .LBB2_8-.Ltmp9, $1  }
0x251: {  	_ =	sdelay $0x3  }
.LBB2_15:
0x252: {  	_ =	sfence.sel $0x180000  }
0x253: {  	[bflag:$0x0] =	sbarrier.arrive $0xFFFF  }
0x254: {  	_ =	strace $0x90000047  }
0x255: {  	s0 =	stileid.u32;
	[bflag:$0x2] =	sbarrier.arrive $0xFFFF  }
0x256: {  	p0 =	sne.s32 s0, $0x0;
	s0 =	rddreg [dreg:$0x5]  }
0x257: {  	s0 =	sadd.s32 @!p0 $0x100000, s0  }
0x258: {  	[sflag:s0] =	ssyncadd.tile.s32 @!p0 $0x1;
	_ =	shalt  }
.Lfunc_end2:
_tile_overlayer_lowered:
.L_overlay_start_2:
0x259: {  	(tag) =	ssettag $0x2  }
0x25a: {  	s0 =	rddreg [dreg:$0x0];
	s2 =	stileid.u32  }
0x25b: {  	s1 =	rddreg [dreg:$0x1];
	p0 =	sne.s32 s2, $0x0  }
0x25c: {  	s3 =	rddreg [dreg:$0x2];
	[bflag:$0x3] =	sbarrier.arrive $0xFFFF;
	s2 =	simm.s32 @!p0 $0x1C07  }
0x25d: {  	[timem:s3], [sflag:s2] =	dma.local @!p0 [hbm:s0], s1  }
0x25e: {  	s0 =	simm.s32 @!p0 $0x7  }
0x25f: {  	_ =	swait.ge @!p0 [sflag:s0], s1  }
0x260: {  	s1 =	ssub.s32 @!p0 $0x0, s1;
	[sflag:s0] =	ssyncset.done @!p0 $0x0  }
0x261: {  	[sflag:s0] =	ssyncadd.s32 @!p0 s1  }
0x262: {  	[bflag:$0x3] =	sbarrier.arrive $0xFFFF  }
0x263: {  	_ =	shalt  }

</sc_bundles>
